<compile_context>
chip_gen: v7x
topology: tpu7x:2x2x1
jax: 0.10.2.dev20260603
libtpu: 0.0.44.dev20260713+nightly
codegen_flags: <defaults>
</compile_context>

<pallas_src>
import jax
import jax.numpy as jnp
from jax import lax
from jax.experimental import pallas as pl
from jax.experimental.pallas import tpu as pltpu
from jax.experimental.pallas import tpu_sc as plsc

B = 16384
V = 1000
D = 1000
DP = 1024
NC = 2
NS = 16
NW = NC * NS
BPW = B // NW
CHUNK = 16
NCH = BPW // CHUNK
LOOKAHEAD = 2


def _sigmoid_pad_body(x_ref, o_ref):
    o_ref[:, :D] = jax.nn.sigmoid(x_ref[...])
    o_ref[:, D:] = jnp.zeros((V, DP - D), jnp.float32)


def _sigmoid_table(logits):
    return pl.pallas_call(
        _sigmoid_pad_body,
        out_shape=jax.ShapeDtypeStruct((V, DP), jnp.float32),
    )(logits)


NBUF = 4


def _gather_body(s_hbm, idx_hbm, out_hbm, idx_v, *rest):
    bufs = rest[:NBUF]
    sin = rest[NBUF:2 * NBUF]
    sout = rest[2 * NBUF:3 * NBUF]
    wid = lax.axis_index("s") * NC + lax.axis_index("c")
    base = wid * BPW
    pltpu.sync_copy(idx_hbm.at[pl.ds(base, BPW)], idx_v)

    def start_in(j, b):
        return pltpu.async_copy(
            s_hbm.at[idx_v.at[pl.ds(j * CHUNK, CHUNK)]], bufs[b], sin[b])

    def start_out(j, b):
        return pltpu.async_copy(
            bufs[b], out_hbm.at[pl.ds(base + j * CHUNK, CHUNK)], sout[b])

    h_in = [None] * NBUF
    h_out = [None] * NBUF
    for j in range(min(LOOKAHEAD, NCH)):
        h_in[j % NBUF] = start_in(j, j % NBUF)
    for j in range(NCH):
        b = j % NBUF
        h_in[b].wait()
        h_out[b] = start_out(j, b)
        nxt = j + LOOKAHEAD
        if nxt < NCH:
            bn = nxt % NBUF
            if h_out[bn] is not None:
                h_out[bn].wait()
                h_out[bn] = None
            h_in[bn] = start_in(nxt, bn)
    for h in h_out:
        if h is not None:
            h.wait()


_gather = pl.kernel(
    _gather_body,
    out_type=jax.ShapeDtypeStruct((B, DP), jnp.float32),
    mesh=plsc.VectorSubcoreMesh(core_axis_name="c", subcore_axis_name="s"),
    scratch_types=(
        [pltpu.VMEM((BPW,), jnp.int32)]
        + [pltpu.VMEM((CHUNK, DP), jnp.float32)] * NBUF
        + [pltpu.SemaphoreType.DMA] * (2 * NBUF)
    ),
)


@jax.jit
def kernel(indices, logits):
    s = _sigmoid_table(logits)
    return _gather(s, indices)[:, :D]

# --- scband reference (transcript-rebuilt; emitter-appended) ---
"""Pipeline reference for scband-label-estimator-59966333386823 (READ-ONLY COPY).

The authoritative reference and input builder live on the scoring server;
editing this copy changes nothing except your own understanding.
"""

import jax, jax.numpy as jnp
import numpy as np

NUM_EXAMPLES = 1000
NUM_CLASSES = 1000
BATCH = 16384


def _inverse_sigmoid(p):
    eps = 1e-05
    p = np.minimum(p, 1 - eps)
    p = np.maximum(p, eps)
    return np.log(p / (1 - p))


def setup_inputs(seed: int = 0) -> dict:
    key = jax.random.key(seed)
    k1, k2 = jax.random.split(key)
    indices = jax.random.randint(k1, (BATCH,), 0, NUM_EXAMPLES)
    # Parameter table init mirrors LabelEstimator with no observed positives/negatives:
    # q * (2*rand - 1) with w = 0.1 -> q = inverse_sigmoid(0.6)
    q = float(_inverse_sigmoid(0.5 + 0.1))
    logits = q * (2.0 * jax.random.uniform(k2, (NUM_EXAMPLES, NUM_CLASSES), dtype=jnp.float32) - 1.0)
    return {"indices": indices, "logits": logits}


def reference(indices, logits):
    # forward: row-gather from the learned logit table, then sigmoid
    x = jnp.take(logits, indices, axis=0)
    return jax.nn.sigmoid(x)

if __name__ == "__main__":
    import jax
    _d = setup_inputs()
    print(jax.jit(kernel)(*tuple(_d.values())))

</pallas_src>

<mosaic_0001>
#map = affine_map<(d0, d1) -> (0, 0)>
#map1 = affine_map<(d0, d1) -> (0)>
module attributes {stable_mosaic.version = 14 : i64} {
  func.func @_gather_body(%arg0: i32, %arg1: i32, %arg2: memref<1000x1024xf32, #tpu.memory_space<hbm>>, %arg3: memref<16384xi32, #tpu.memory_space<hbm>>, %arg4: memref<16384x1024xf32, #tpu.memory_space<hbm>>, %arg5: memref<512xi32, #tpu.memory_space<vmem>>, %arg6: memref<16x1024xf32, #tpu.memory_space<vmem>>, %arg7: memref<16x1024xf32, #tpu.memory_space<vmem>>, %arg8: memref<16x1024xf32, #tpu.memory_space<vmem>>, %arg9: memref<16x1024xf32, #tpu.memory_space<vmem>>, %arg10: memref<!tpu.dma_semaphore, #tpu.memory_space<semaphore_mem>>, %arg11: memref<!tpu.dma_semaphore, #tpu.memory_space<semaphore_mem>>, %arg12: memref<!tpu.dma_semaphore, #tpu.memory_space<semaphore_mem>>, %arg13: memref<!tpu.dma_semaphore, #tpu.memory_space<semaphore_mem>>, %arg14: memref<!tpu.dma_semaphore, #tpu.memory_space<semaphore_mem>>, %arg15: memref<!tpu.dma_semaphore, #tpu.memory_space<semaphore_mem>>, %arg16: memref<!tpu.dma_semaphore, #tpu.memory_space<semaphore_mem>>, %arg17: memref<!tpu.dma_semaphore, #tpu.memory_space<semaphore_mem>>) attributes {dimension_semantics = [#tpu.dimension_semantics<core_parallel>, #tpu.dimension_semantics<subcore_parallel>], iteration_bounds = array<i64: 2, 16>, scalar_prefetch = 0 : i64, scratch_operands = 13 : i64, tpu.core_type = #tpu.core_type<sc_vector_subcore>, window_params = [{transform_indices = #map}, {transform_indices = #map1}, {transform_indices = #map}]} {
    %mul3A = arith.constant 2 : i32
    %mul3A_0 = arith.muli %arg1, %mul3A : i32
    %add3A = arith.addi %mul3A_0, %arg0 : i32
    %mul3A_1 = arith.constant 512 : i32
    %mul3A_2 = arith.muli %add3A, %mul3A_1 : i32
    "tpu.region"() ({
      %run_scoped3A = tpu.sem_alloc : memref<!tpu.dma_semaphore, #tpu.memory_space<semaphore_mem>>
      %dma_start3A_641 = tpu.memref_slice %arg3[%mul3A_2] : memref<16384xi32, #tpu.memory_space<hbm>> -> memref<512xi32, #tpu.memory_space<hbm>>
      %dma_start3A_642 = tpu.memref_slice %arg3[%mul3A_2] : memref<16384xi32, #tpu.memory_space<hbm>> -> memref<512xi32, #tpu.memory_space<hbm>>
      tpu.enqueue_dma source(%dma_start3A_642 : memref<512xi32, #tpu.memory_space<hbm>>) target(%arg5 : memref<512xi32, #tpu.memory_space<vmem>>) target_semaphore(%run_scoped3A : memref<!tpu.dma_semaphore, #tpu.memory_space<semaphore_mem>>)
      %dma_wait3A_643 = tpu.memref_slice %arg3[%mul3A_2] : memref<16384xi32, #tpu.memory_space<hbm>> -> memref<512xi32, #tpu.memory_space<hbm>>
      %dma_wait3A_644 = tpu.memref_slice %arg3[%mul3A_2] : memref<16384xi32, #tpu.memory_space<hbm>> -> memref<512xi32, #tpu.memory_space<hbm>>
      tpu.wait_dma2 semaphore(%run_scoped3A : memref<!tpu.dma_semaphore, #tpu.memory_space<semaphore_mem>>) src(%dma_wait3A_644 : memref<512xi32, #tpu.memory_space<hbm>>) dst(%arg5 : memref<512xi32, #tpu.memory_space<vmem>>)
      tpu.yield
    }) : () -> ()
    %dma_start3A = arith.constant 0 : i32
    %dma_start3A_3 = tpu.memref_slice %arg5[%dma_start3A] : memref<512xi32, #tpu.memory_space<vmem>> -> memref<16xi32, #tpu.memory_space<vmem>>
    %dma_start3A_4 = arith.constant 0 : i32
    %dma_start3A_5 = arith.constant 0 : i32
    %dma_start3A_6 = tpu.memref_slice %arg2[%dma_start3A_4, %dma_start3A_5] : memref<1000x1024xf32, #tpu.memory_space<hbm>> -> memref<1000x1024xf32, #tpu.memory_space<hbm>>
    tpu.enqueue_indirect_dma source(%dma_start3A_6 : memref<1000x1024xf32, #tpu.memory_space<hbm>>) target(%arg6 : memref<16x1024xf32, #tpu.memory_space<vmem>>) offsets(%dma_start3A_3 : memref<16xi32, #tpu.memory_space<vmem>>) semaphore(%arg10 : memref<!tpu.dma_semaphore, #tpu.memory_space<semaphore_mem>>)
    %dma_start3A_7 = arith.constant 16 : i32
    %dma_start3A_8 = tpu.memref_slice %arg5[%dma_start3A_7] : memref<512xi32, #tpu.memory_space<vmem>> -> memref<16xi32, #tpu.memory_space<vmem>>
    %dma_start3A_9 = arith.constant 0 : i32
    %dma_start3A_10 = arith.constant 0 : i32
    %dma_start3A_11 = tpu.memref_slice %arg2[%dma_start3A_9, %dma_start3A_10] : memref<1000x1024xf32, #tpu.memory_space<hbm>> -> memref<1000x1024xf32, #tpu.memory_space<hbm>>
    tpu.enqueue_indirect_dma source(%dma_start3A_11 : memref<1000x1024xf32, #tpu.memory_space<hbm>>) target(%arg7 : memref<16x1024xf32, #tpu.memory_space<vmem>>) offsets(%dma_start3A_8 : memref<16xi32, #tpu.memory_space<vmem>>) semaphore(%arg11 : memref<!tpu.dma_semaphore, #tpu.memory_space<semaphore_mem>>)
    %dma_wait3A = arith.constant 0 : i32
    %dma_wait3A_12 = tpu.memref_slice %arg5[%dma_wait3A] : memref<512xi32, #tpu.memory_space<vmem>> -> memref<16xi32, #tpu.memory_space<vmem>>
    %dma_wait3A_13 = arith.constant 0 : i32
    %dma_wait3A_14 = arith.constant 0 : i32
    %dma_wait3A_15 = tpu.memref_slice %arg2[%dma_wait3A_13, %dma_wait3A_14] : memref<1000x1024xf32, #tpu.memory_space<hbm>> -> memref<1000x1024xf32, #tpu.memory_space<hbm>>
    tpu.wait_indirect_dma semaphore(%arg10 : memref<!tpu.dma_semaphore, #tpu.memory_space<semaphore_mem>>) src(%dma_wait3A_15 : memref<1000x1024xf32, #tpu.memory_space<hbm>>) dst(%arg6 : memref<16x1024xf32, #tpu.memory_space<vmem>>)
    %add3A_16 = arith.constant 0 : i32
    %add3A_17 = arith.addi %mul3A_2, %add3A_16 : i32
    %dma_start3A_18 = arith.constant 0 : i32
    %dma_start3A_19 = tpu.memref_slice %arg4[%add3A_17, %dma_start3A_18] : memref<16384x1024xf32, #tpu.memory_space<hbm>> -> memref<16x1024xf32, #tpu.memory_space<hbm>>
    %dma_start3A_20 = arith.constant 0 : i32
    %dma_start3A_21 = tpu.memref_slice %arg4[%add3A_17, %dma_start3A_20] : memref<16384x1024xf32, #tpu.memory_space<hbm>> -> memref<16x1024xf32, #tpu.memory_space<hbm>>
    tpu.enqueue_dma source(%arg6 : memref<16x1024xf32, #tpu.memory_space<vmem>>) target(%dma_start3A_21 : memref<16x1024xf32, #tpu.memory_space<hbm>>) target_semaphore(%arg14 : memref<!tpu.dma_semaphore, #tpu.memory_space<semaphore_mem>>)
    %dma_start3A_22 = arith.constant 32 : i32
    %dma_start3A_23 = tpu.memref_slice %arg5[%dma_start3A_22] : memref<512xi32, #tpu.memory_space<vmem>> -> memref<16xi32, #tpu.memory_space<vmem>>
    %dma_start3A_24 = arith.constant 0 : i32
    %dma_start3A_25 = arith.constant 0 : i32
    %dma_start3A_26 = tpu.memref_slice %arg2[%dma_start3A_24, %dma_start3A_25] : memref<1000x1024xf32, #tpu.memory_space<hbm>> -> memref<1000x1024xf32, #tpu.memory_space<hbm>>
    tpu.enqueue_indirect_dma source(%dma_start3A_26 : memref<1000x1024xf32, #tpu.memory_space<hbm>>) target(%arg8 : memref<16x1024xf32, #tpu.memory_space<vmem>>) offsets(%dma_start3A_23 : memref<16xi32, #tpu.memory_space<vmem>>) semaphore(%arg12 : memref<!tpu.dma_semaphore, #tpu.memory_space<semaphore_mem>>)
    %dma_wait3A_27 = arith.constant 16 : i32
    %dma_wait3A_28 = tpu.memref_slice %arg5[%dma_wait3A_27] : memref<512xi32, #tpu.memory_space<vmem>> -> memref<16xi32, #tpu.memory_space<vmem>>
    %dma_wait3A_29 = arith.constant 0 : i32
    %dma_wait3A_30 = arith.constant 0 : i32
    %dma_wait3A_31 = tpu.memref_slice %arg2[%dma_wait3A_29, %dma_wait3A_30] : memref<1000x1024xf32, #tpu.memory_space<hbm>> -> memref<1000x1024xf32, #tpu.memory_space<hbm>>
    tpu.wait_indirect_dma semaphore(%arg11 : memref<!tpu.dma_semaphore, #tpu.memory_space<semaphore_mem>>) src(%dma_wait3A_31 : memref<1000x1024xf32, #tpu.memory_space<hbm>>) dst(%arg7 : memref<16x1024xf32, #tpu.memory_space<vmem>>)
    %add3A_32 = arith.constant 16 : i32
    %add3A_33 = arith.addi %mul3A_2, %add3A_32 : i32
    %dma_start3A_34 = arith.constant 0 : i32
    %dma_start3A_35 = tpu.memref_slice %arg4[%add3A_33, %dma_start3A_34] : memref<16384x1024xf32, #tpu.memory_space<hbm>> -> memref<16x1024xf32, #tpu.memory_space<hbm>>
    %dma_start3A_36 = arith.constant 0 : i32
    %dma_start3A_37 = tpu.memref_slice %arg4[%add3A_33, %dma_start3A_36] : memref<16384x1024xf32, #tpu.memory_space<hbm>> -> memref<16x1024xf32, #tpu.memory_space<hbm>>
    tpu.enqueue_dma source(%arg7 : memref<16x1024xf32, #tpu.memory_space<vmem>>) target(%dma_start3A_37 : memref<16x1024xf32, #tpu.memory_space<hbm>>) target_semaphore(%arg15 : memref<!tpu.dma_semaphore, #tpu.memory_space<semaphore_mem>>)
    %dma_start3A_38 = arith.constant 48 : i32
    %dma_start3A_39 = tpu.memref_slice %arg5[%dma_start3A_38] : memref<512xi32, #tpu.memory_space<vmem>> -> memref<16xi32, #tpu.memory_space<vmem>>
    %dma_start3A_40 = arith.constant 0 : i32
    %dma_start3A_41 = arith.constant 0 : i32
    %dma_start3A_42 = tpu.memref_slice %arg2[%dma_start3A_40, %dma_start3A_41] : memref<1000x1024xf32, #tpu.memory_space<hbm>> -> memref<1000x1024xf32, #tpu.memory_space<hbm>>
    tpu.enqueue_indirect_dma source(%dma_start3A_42 : memref<1000x1024xf32, #tpu.memory_space<hbm>>) target(%arg9 : memref<16x1024xf32, #tpu.memory_space<vmem>>) offsets(%dma_start3A_39 : memref<16xi32, #tpu.memory_space<vmem>>) semaphore(%arg13 : memref<!tpu.dma_semaphore, #tpu.memory_space<semaphore_mem>>)
    %dma_wait3A_43 = arith.constant 32 : i32
    %dma_wait3A_44 = tpu.memref_slice %arg5[%dma_wait3A_43] : memref<512xi32, #tpu.memory_space<vmem>> -> memref<16xi32, #tpu.memory_space<vmem>>
    %dma_wait3A_45 = arith.constant 0 : i32
    %dma_wait3A_46 = arith.constant 0 : i32
    %dma_wait3A_47 = tpu.memref_slice %arg2[%dma_wait3A_45, %dma_wait3A_46] : memref<1000x1024xf32, #tpu.memory_space<hbm>> -> memref<1000x1024xf32, #tpu.memory_space<hbm>>
    tpu.wait_indirect_dma semaphore(%arg12 : memref<!tpu.dma_semaphore, #tpu.memory_space<semaphore_mem>>) src(%dma_wait3A_47 : memref<1000x1024xf32, #tpu.memory_space<hbm>>) dst(%arg8 : memref<16x1024xf32, #tpu.memory_space<vmem>>)
    %add3A_48 = arith.constant 32 : i32
    %add3A_49 = arith.addi %mul3A_2, %add3A_48 : i32
    %dma_start3A_50 = arith.constant 0 : i32
    %dma_start3A_51 = tpu.memref_slice %arg4[%add3A_49, %dma_start3A_50] : memref<16384x1024xf32, #tpu.memory_space<hbm>> -> memref<16x1024xf32, #tpu.memory_space<hbm>>
    %dma_start3A_52 = arith.constant 0 : i32
    %dma_start3A_53 = tpu.memref_slice %arg4[%add3A_49, %dma_start3A_52] : memref<16384x1024xf32, #tpu.memory_space<hbm>> -> memref<16x1024xf32, #tpu.memory_space<hbm>>
    tpu.enqueue_dma source(%arg8 : memref<16x1024xf32, #tpu.memory_space<vmem>>) target(%dma_start3A_53 : memref<16x1024xf32, #tpu.memory_space<hbm>>) target_semaphore(%arg16 : memref<!tpu.dma_semaphore, #tpu.memory_space<semaphore_mem>>)
    %dma_wait3A_54 = arith.constant 0 : i32
    %dma_wait3A_55 = tpu.memref_slice %arg4[%add3A_17, %dma_wait3A_54] : memref<16384x1024xf32, #tpu.memory_space<hbm>> -> memref<16x1024xf32, #tpu.memory_space<hbm>>
    %dma_wait3A_56 = arith.constant 0 : i32
    %dma_wait3A_57 = tpu.memref_slice %arg4[%add3A_17, %dma_wait3A_56] : memref<16384x1024xf32, #tpu.memory_space<hbm>> -> memref<16x1024xf32, #tpu.memory_space<hbm>>
    tpu.wait_dma2 semaphore(%arg14 : memref<!tpu.dma_semaphore, #tpu.memory_space<semaphore_mem>>) src(%arg6 : memref<16x1024xf32, #tpu.memory_space<vmem>>) dst(%dma_wait3A_57 : memref<16x1024xf32, #tpu.memory_space<hbm>>)
    %dma_start3A_58 = arith.constant 64 : i32
    %dma_start3A_59 = tpu.memref_slice %arg5[%dma_start3A_58] : memref<512xi32, #tpu.memory_space<vmem>> -> memref<16xi32, #tpu.memory_space<vmem>>
    %dma_start3A_60 = arith.constant 0 : i32
    %dma_start3A_61 = arith.constant 0 : i32
    %dma_start3A_62 = tpu.memref_slice %arg2[%dma_start3A_60, %dma_start3A_61] : memref<1000x1024xf32, #tpu.memory_space<hbm>> -> memref<1000x1024xf32, #tpu.memory_space<hbm>>
    tpu.enqueue_indirect_dma source(%dma_start3A_62 : memref<1000x1024xf32, #tpu.memory_space<hbm>>) target(%arg6 : memref<16x1024xf32, #tpu.memory_space<vmem>>) offsets(%dma_start3A_59 : memref<16xi32, #tpu.memory_space<vmem>>) semaphore(%arg10 : memref<!tpu.dma_semaphore, #tpu.memory_space<semaphore_mem>>)
    %dma_wait3A_63 = arith.constant 48 : i32
    %dma_wait3A_64 = tpu.memref_slice %arg5[%dma_wait3A_63] : memref<512xi32, #tpu.memory_space<vmem>> -> memref<16xi32, #tpu.memory_space<vmem>>
    %dma_wait3A_65 = arith.constant 0 : i32
    %dma_wait3A_66 = arith.constant 0 : i32
    %dma_wait3A_67 = tpu.memref_slice %arg2[%dma_wait3A_65, %dma_wait3A_66] : memref<1000x1024xf32, #tpu.memory_space<hbm>> -> memref<1000x1024xf32, #tpu.memory_space<hbm>>
    tpu.wait_indirect_dma semaphore(%arg13 : memref<!tpu.dma_semaphore, #tpu.memory_space<semaphore_mem>>) src(%dma_wait3A_67 : memref<1000x1024xf32, #tpu.memory_space<hbm>>) dst(%arg9 : memref<16x1024xf32, #tpu.memory_space<vmem>>)
    %add3A_68 = arith.constant 48 : i32
    %add3A_69 = arith.addi %mul3A_2, %add3A_68 : i32
    %dma_start3A_70 = arith.constant 0 : i32
    %dma_start3A_71 = tpu.memref_slice %arg4[%add3A_69, %dma_start3A_70] : memref<16384x1024xf32, #tpu.memory_space<hbm>> -> memref<16x1024xf32, #tpu.memory_space<hbm>>
    %dma_start3A_72 = arith.constant 0 : i32
    %dma_start3A_73 = tpu.memref_slice %arg4[%add3A_69, %dma_start3A_72] : memref<16384x1024xf32, #tpu.memory_space<hbm>> -> memref<16x1024xf32, #tpu.memory_space<hbm>>
    tpu.enqueue_dma source(%arg9 : memref<16x1024xf32, #tpu.memory_space<vmem>>) target(%dma_start3A_73 : memref<16x1024xf32, #tpu.memory_space<hbm>>) target_semaphore(%arg17 : memref<!tpu.dma_semaphore, #tpu.memory_space<semaphore_mem>>)
    %dma_wait3A_74 = arith.constant 0 : i32
    %dma_wait3A_75 = tpu.memref_slice %arg4[%add3A_33, %dma_wait3A_74] : memref<16384x1024xf32, #tpu.memory_space<hbm>> -> memref<16x1024xf32, #tpu.memory_space<hbm>>
    %dma_wait3A_76 = arith.constant 0 : i32
    %dma_wait3A_77 = tpu.memref_slice %arg4[%add3A_33, %dma_wait3A_76] : memref<16384x1024xf32, #tpu.memory_space<hbm>> -> memref<16x1024xf32, #tpu.memory_space<hbm>>
    tpu.wait_dma2 semaphore(%arg15 : memref<!tpu.dma_semaphore, #tpu.memory_space<semaphore_mem>>) src(%arg7 : memref<16x1024xf32, #tpu.memory_space<vmem>>) dst(%dma_wait3A_77 : memref<16x1024xf32, #tpu.memory_space<hbm>>)
    %dma_start3A_78 = arith.constant 80 : i32
    %dma_start3A_79 = tpu.memref_slice %arg5[%dma_start3A_78] : memref<512xi32, #tpu.memory_space<vmem>> -> memref<16xi32, #tpu.memory_space<vmem>>
    %dma_start3A_80 = arith.constant 0 : i32
    %dma_start3A_81 = arith.constant 0 : i32
    %dma_start3A_82 = tpu.memref_slice %arg2[%dma_start3A_80, %dma_start3A_81] : memref<1000x1024xf32, #tpu.memory_space<hbm>> -> memref<1000x1024xf32, #tpu.memory_space<hbm>>
    tpu.enqueue_indirect_dma source(%dma_start3A_82 : memref<1000x1024xf32, #tpu.memory_space<hbm>>) target(%arg7 : memref<16x1024xf32, #tpu.memory_space<vmem>>) offsets(%dma_start3A_79 : memref<16xi32, #tpu.memory_space<vmem>>) semaphore(%arg11 : memref<!tpu.dma_semaphore, #tpu.memory_space<semaphore_mem>>)
    %dma_wait3A_83 = arith.constant 64 : i32
    %dma_wait3A_84 = tpu.memref_slice %arg5[%dma_wait3A_83] : memref<512xi32, #tpu.memory_space<vmem>> -> memref<16xi32, #tpu.memory_space<vmem>>
    %dma_wait3A_85 = arith.constant 0 : i32
    %dma_wait3A_86 = arith.constant 0 : i32
    %dma_wait3A_87 = tpu.memref_slice %arg2[%dma_wait3A_85, %dma_wait3A_86] : memref<1000x1024xf32, #tpu.memory_space<hbm>> -> memref<1000x1024xf32, #tpu.memory_space<hbm>>
    tpu.wait_indirect_dma semaphore(%arg10 : memref<!tpu.dma_semaphore, #tpu.memory_space<semaphore_mem>>) src(%dma_wait3A_87 : memref<1000x1024xf32, #tpu.memory_space<hbm>>) dst(%arg6 : memref<16x1024xf32, #tpu.memory_space<vmem>>)
    %add3A_88 = arith.constant 64 : i32
    %add3A_89 = arith.addi %mul3A_2, %add3A_88 : i32
    %dma_start3A_90 = arith.constant 0 : i32
    %dma_start3A_91 = tpu.memref_slice %arg4[%add3A_89, %dma_start3A_90] : memref<16384x1024xf32, #tpu.memory_space<hbm>> -> memref<16x1024xf32, #tpu.memory_space<hbm>>
    %dma_start3A_92 = arith.constant 0 : i32
    %dma_start3A_93 = tpu.memref_slice %arg4[%add3A_89, %dma_start3A_92] : memref<16384x1024xf32, #tpu.memory_space<hbm>> -> memref<16x1024xf32, #tpu.memory_space<hbm>>
    tpu.enqueue_dma source(%arg6 : memref<16x1024xf32, #tpu.memory_space<vmem>>) target(%dma_start3A_93 : memref<16x1024xf32, #tpu.memory_space<hbm>>) target_semaphore(%arg14 : memref<!tpu.dma_semaphore, #tpu.memory_space<semaphore_mem>>)
    %dma_wait3A_94 = arith.constant 0 : i32
    %dma_wait3A_95 = tpu.memref_slice %arg4[%add3A_49, %dma_wait3A_94] : memref<16384x1024xf32, #tpu.memory_space<hbm>> -> memref<16x1024xf32, #tpu.memory_space<hbm>>
    %dma_wait3A_96 = arith.constant 0 : i32
    %dma_wait3A_97 = tpu.memref_slice %arg4[%add3A_49, %dma_wait3A_96] : memref<16384x1024xf32, #tpu.memory_space<hbm>> -> memref<16x1024xf32, #tpu.memory_space<hbm>>
    tpu.wait_dma2 semaphore(%arg16 : memref<!tpu.dma_semaphore, #tpu.memory_space<semaphore_mem>>) src(%arg8 : memref<16x1024xf32, #tpu.memory_space<vmem>>) dst(%dma_wait3A_97 : memref<16x1024xf32, #tpu.memory_space<hbm>>)
    %dma_start3A_98 = arith.constant 96 : i32
    %dma_start3A_99 = tpu.memref_slice %arg5[%dma_start3A_98] : memref<512xi32, #tpu.memory_space<vmem>> -> memref<16xi32, #tpu.memory_space<vmem>>
    %dma_start3A_100 = arith.constant 0 : i32
    %dma_start3A_101 = arith.constant 0 : i32
    %dma_start3A_102 = tpu.memref_slice %arg2[%dma_start3A_100, %dma_start3A_101] : memref<1000x1024xf32, #tpu.memory_space<hbm>> -> memref<1000x1024xf32, #tpu.memory_space<hbm>>
    tpu.enqueue_indirect_dma source(%dma_start3A_102 : memref<1000x1024xf32, #tpu.memory_space<hbm>>) target(%arg8 : memref<16x1024xf32, #tpu.memory_space<vmem>>) offsets(%dma_start3A_99 : memref<16xi32, #tpu.memory_space<vmem>>) semaphore(%arg12 : memref<!tpu.dma_semaphore, #tpu.memory_space<semaphore_mem>>)
    %dma_wait3A_103 = arith.constant 80 : i32
    %dma_wait3A_104 = tpu.memref_slice %arg5[%dma_wait3A_103] : memref<512xi32, #tpu.memory_space<vmem>> -> memref<16xi32, #tpu.memory_space<vmem>>
    %dma_wait3A_105 = arith.constant 0 : i32
    %dma_wait3A_106 = arith.constant 0 : i32
    %dma_wait3A_107 = tpu.memref_slice %arg2[%dma_wait3A_105, %dma_wait3A_106] : memref<1000x1024xf32, #tpu.memory_space<hbm>> -> memref<1000x1024xf32, #tpu.memory_space<hbm>>
    tpu.wait_indirect_dma semaphore(%arg11 : memref<!tpu.dma_semaphore, #tpu.memory_space<semaphore_mem>>) src(%dma_wait3A_107 : memref<1000x1024xf32, #tpu.memory_space<hbm>>) dst(%arg7 : memref<16x1024xf32, #tpu.memory_space<vmem>>)
    %add3A_108 = arith.constant 80 : i32
    %add3A_109 = arith.addi %mul3A_2, %add3A_108 : i32
    %dma_start3A_110 = arith.constant 0 : i32
    %dma_start3A_111 = tpu.memref_slice %arg4[%add3A_109, %dma_start3A_110] : memref<16384x1024xf32, #tpu.memory_space<hbm>> -> memref<16x1024xf32, #tpu.memory_space<hbm>>
    %dma_start3A_112 = arith.constant 0 : i32
    %dma_start3A_113 = tpu.memref_slice %arg4[%add3A_109, %dma_start3A_112] : memref<16384x1024xf32, #tpu.memory_space<hbm>> -> memref<16x1024xf32, #tpu.memory_space<hbm>>
    tpu.enqueue_dma source(%arg7 : memref<16x1024xf32, #tpu.memory_space<vmem>>) target(%dma_start3A_113 : memref<16x1024xf32, #tpu.memory_space<hbm>>) target_semaphore(%arg15 : memref<!tpu.dma_semaphore, #tpu.memory_space<semaphore_mem>>)
    %dma_wait3A_114 = arith.constant 0 : i32
    %dma_wait3A_115 = tpu.memref_slice %arg4[%add3A_69, %dma_wait3A_114] : memref<16384x1024xf32, #tpu.memory_space<hbm>> -> memref<16x1024xf32, #tpu.memory_space<hbm>>
    %dma_wait3A_116 = arith.constant 0 : i32
    %dma_wait3A_117 = tpu.memref_slice %arg4[%add3A_69, %dma_wait3A_116] : memref<16384x1024xf32, #tpu.memory_space<hbm>> -> memref<16x1024xf32, #tpu.memory_space<hbm>>
    tpu.wait_dma2 semaphore(%arg17 : memref<!tpu.dma_semaphore, #tpu.memory_space<semaphore_mem>>) src(%arg9 : memref<16x1024xf32, #tpu.memory_space<vmem>>) dst(%dma_wait3A_117 : memref<16x1024xf32, #tpu.memory_space<hbm>>)
    %dma_start3A_118 = arith.constant 112 : i32
    %dma_start3A_119 = tpu.memref_slice %arg5[%dma_start3A_118] : memref<512xi32, #tpu.memory_space<vmem>> -> memref<16xi32, #tpu.memory_space<vmem>>
    %dma_start3A_120 = arith.constant 0 : i32
    %dma_start3A_121 = arith.constant 0 : i32
    %dma_start3A_122 = tpu.memref_slice %arg2[%dma_start3A_120, %dma_start3A_121] : memref<1000x1024xf32, #tpu.memory_space<hbm>> -> memref<1000x1024xf32, #tpu.memory_space<hbm>>
    tpu.enqueue_indirect_dma source(%dma_start3A_122 : memref<1000x1024xf32, #tpu.memory_space<hbm>>) target(%arg9 : memref<16x1024xf32, #tpu.memory_space<vmem>>) offsets(%dma_start3A_119 : memref<16xi32, #tpu.memory_space<vmem>>) semaphore(%arg13 : memref<!tpu.dma_semaphore, #tpu.memory_space<semaphore_mem>>)
    %dma_wait3A_123 = arith.constant 96 : i32
    %dma_wait3A_124 = tpu.memref_slice %arg5[%dma_wait3A_123] : memref<512xi32, #tpu.memory_space<vmem>> -> memref<16xi32, #tpu.memory_space<vmem>>
    %dma_wait3A_125 = arith.constant 0 : i32
    %dma_wait3A_126 = arith.constant 0 : i32
    %dma_wait3A_127 = tpu.memref_slice %arg2[%dma_wait3A_125, %dma_wait3A_126] : memref<1000x1024xf32, #tpu.memory_space<hbm>> -> memref<1000x1024xf32, #tpu.memory_space<hbm>>
    tpu.wait_indirect_dma semaphore(%arg12 : memref<!tpu.dma_semaphore, #tpu.memory_space<semaphore_mem>>) src(%dma_wait3A_127 : memref<1000x1024xf32, #tpu.memory_space<hbm>>) dst(%arg8 : memref<16x1024xf32, #tpu.memory_space<vmem>>)
    %add3A_128 = arith.constant 96 : i32
    %add3A_129 = arith.addi %mul3A_2, %add3A_128 : i32
    %dma_start3A_130 = arith.constant 0 : i32
    %dma_start3A_131 = tpu.memref_slice %arg4[%add3A_129, %dma_start3A_130] : memref<16384x1024xf32, #tpu.memory_space<hbm>> -> memref<16x1024xf32, #tpu.memory_space<hbm>>
    %dma_start3A_132 = arith.constant 0 : i32
    %dma_start3A_133 = tpu.memref_slice %arg4[%add3A_129, %dma_start3A_132] : memref<16384x1024xf32, #tpu.memory_space<hbm>> -> memref<16x1024xf32, #tpu.memory_space<hbm>>
    tpu.enqueue_dma source(%arg8 : memref<16x1024xf32, #tpu.memory_space<vmem>>) target(%dma_start3A_133 : memref<16x1024xf32, #tpu.memory_space<hbm>>) target_semaphore(%arg16 : memref<!tpu.dma_semaphore, #tpu.memory_space<semaphore_mem>>)
    %dma_wait3A_134 = arith.constant 0 : i32
    %dma_wait3A_135 = tpu.memref_slice %arg4[%add3A_89, %dma_wait3A_134] : memref<16384x1024xf32, #tpu.memory_space<hbm>> -> memref<16x1024xf32, #tpu.memory_space<hbm>>
    %dma_wait3A_136 = arith.constant 0 : i32
    %dma_wait3A_137 = tpu.memref_slice %arg4[%add3A_89, %dma_wait3A_136] : memref<16384x1024xf32, #tpu.memory_space<hbm>> -> memref<16x1024xf32, #tpu.memory_space<hbm>>
    tpu.wait_dma2 semaphore(%arg14 : memref<!tpu.dma_semaphore, #tpu.memory_space<semaphore_mem>>) src(%arg6 : memref<16x1024xf32, #tpu.memory_space<vmem>>) dst(%dma_wait3A_137 : memref<16x1024xf32, #tpu.memory_space<hbm>>)
    %dma_start3A_138 = arith.constant 128 : i32
    %dma_start3A_139 = tpu.memref_slice %arg5[%dma_start3A_138] : memref<512xi32, #tpu.memory_space<vmem>> -> memref<16xi32, #tpu.memory_space<vmem>>
    %dma_start3A_140 = arith.constant 0 : i32
    %dma_start3A_141 = arith.constant 0 : i32
    %dma_start3A_142 = tpu.memref_slice %arg2[%dma_start3A_140, %dma_start3A_141] : memref<1000x1024xf32, #tpu.memory_space<hbm>> -> memref<1000x1024xf32, #tpu.memory_space<hbm>>
    tpu.enqueue_indirect_dma source(%dma_start3A_142 : memref<1000x1024xf32, #tpu.memory_space<hbm>>) target(%arg6 : memref<16x1024xf32, #tpu.memory_space<vmem>>) offsets(%dma_start3A_139 : memref<16xi32, #tpu.memory_space<vmem>>) semaphore(%arg10 : memref<!tpu.dma_semaphore, #tpu.memory_space<semaphore_mem>>)
    %dma_wait3A_143 = arith.constant 112 : i32
    %dma_wait3A_144 = tpu.memref_slice %arg5[%dma_wait3A_143] : memref<512xi32, #tpu.memory_space<vmem>> -> memref<16xi32, #tpu.memory_space<vmem>>
    %dma_wait3A_145 = arith.constant 0 : i32
    %dma_wait3A_146 = arith.constant 0 : i32
    %dma_wait3A_147 = tpu.memref_slice %arg2[%dma_wait3A_145, %dma_wait3A_146] : memref<1000x1024xf32, #tpu.memory_space<hbm>> -> memref<1000x1024xf32, #tpu.memory_space<hbm>>
    tpu.wait_indirect_dma semaphore(%arg13 : memref<!tpu.dma_semaphore, #tpu.memory_space<semaphore_mem>>) src(%dma_wait3A_147 : memref<1000x1024xf32, #tpu.memory_space<hbm>>) dst(%arg9 : memref<16x1024xf32, #tpu.memory_space<vmem>>)
    %add3A_148 = arith.constant 112 : i32
    %add3A_149 = arith.addi %mul3A_2, %add3A_148 : i32
    %dma_start3A_150 = arith.constant 0 : i32
    %dma_start3A_151 = tpu.memref_slice %arg4[%add3A_149, %dma_start3A_150] : memref<16384x1024xf32, #tpu.memory_space<hbm>> -> memref<16x1024xf32, #tpu.memory_space<hbm>>
    %dma_start3A_152 = arith.constant 0 : i32
    %dma_start3A_153 = tpu.memref_slice %arg4[%add3A_149, %dma_start3A_152] : memref<16384x1024xf32, #tpu.memory_space<hbm>> -> memref<16x1024xf32, #tpu.memory_space<hbm>>
    tpu.enqueue_dma source(%arg9 : memref<16x1024xf32, #tpu.memory_space<vmem>>) target(%dma_start3A_153 : memref<16x1024xf32, #tpu.memory_space<hbm>>) target_semaphore(%arg17 : memref<!tpu.dma_semaphore, #tpu.memory_space<semaphore_mem>>)
    %dma_wait3A_154 = arith.constant 0 : i32
    %dma_wait3A_155 = tpu.memref_slice %arg4[%add3A_109, %dma_wait3A_154] : memref<16384x1024xf32, #tpu.memory_space<hbm>> -> memref<16x1024xf32, #tpu.memory_space<hbm>>
    %dma_wait3A_156 = arith.constant 0 : i32
    %dma_wait3A_157 = tpu.memref_slice %arg4[%add3A_109, %dma_wait3A_156] : memref<16384x1024xf32, #tpu.memory_space<hbm>> -> memref<16x1024xf32, #tpu.memory_space<hbm>>
    tpu.wait_dma2 semaphore(%arg15 : memref<!tpu.dma_semaphore, #tpu.memory_space<semaphore_mem>>) src(%arg7 : memref<16x1024xf32, #tpu.memory_space<vmem>>) dst(%dma_wait3A_157 : memref<16x1024xf32, #tpu.memory_space<hbm>>)
    %dma_start3A_158 = arith.constant 144 : i32
    %dma_start3A_159 = tpu.memref_slice %arg5[%dma_start3A_158] : memref<512xi32, #tpu.memory_space<vmem>> -> memref<16xi32, #tpu.memory_space<vmem>>
    %dma_start3A_160 = arith.constant 0 : i32
    %dma_start3A_161 = arith.constant 0 : i32
    %dma_start3A_162 = tpu.memref_slice %arg2[%dma_start3A_160, %dma_start3A_161] : memref<1000x1024xf32, #tpu.memory_space<hbm>> -> memref<1000x1024xf32, #tpu.memory_space<hbm>>
    tpu.enqueue_indirect_dma source(%dma_start3A_162 : memref<1000x1024xf32, #tpu.memory_space<hbm>>) target(%arg7 : memref<16x1024xf32, #tpu.memory_space<vmem>>) offsets(%dma_start3A_159 : memref<16xi32, #tpu.memory_space<vmem>>) semaphore(%arg11 : memref<!tpu.dma_semaphore, #tpu.memory_space<semaphore_mem>>)
    %dma_wait3A_163 = arith.constant 128 : i32
    %dma_wait3A_164 = tpu.memref_slice %arg5[%dma_wait3A_163] : memref<512xi32, #tpu.memory_space<vmem>> -> memref<16xi32, #tpu.memory_space<vmem>>
    %dma_wait3A_165 = arith.constant 0 : i32
    %dma_wait3A_166 = arith.constant 0 : i32
    %dma_wait3A_167 = tpu.memref_slice %arg2[%dma_wait3A_165, %dma_wait3A_166] : memref<1000x1024xf32, #tpu.memory_space<hbm>> -> memref<1000x1024xf32, #tpu.memory_space<hbm>>
    tpu.wait_indirect_dma semaphore(%arg10 : memref<!tpu.dma_semaphore, #tpu.memory_space<semaphore_mem>>) src(%dma_wait3A_167 : memref<1000x1024xf32, #tpu.memory_space<hbm>>) dst(%arg6 : memref<16x1024xf32, #tpu.memory_space<vmem>>)
    %add3A_168 = arith.constant 128 : i32
    %add3A_169 = arith.addi %mul3A_2, %add3A_168 : i32
    %dma_start3A_170 = arith.constant 0 : i32
    %dma_start3A_171 = tpu.memref_slice %arg4[%add3A_169, %dma_start3A_170] : memref<16384x1024xf32, #tpu.memory_space<hbm>> -> memref<16x1024xf32, #tpu.memory_space<hbm>>
    %dma_start3A_172 = arith.constant 0 : i32
    %dma_start3A_173 = tpu.memref_slice %arg4[%add3A_169, %dma_start3A_172] : memref<16384x1024xf32, #tpu.memory_space<hbm>> -> memref<16x1024xf32, #tpu.memory_space<hbm>>
    tpu.enqueue_dma source(%arg6 : memref<16x1024xf32, #tpu.memory_space<vmem>>) target(%dma_start3A_173 : memref<16x1024xf32, #tpu.memory_space<hbm>>) target_semaphore(%arg14 : memref<!tpu.dma_semaphore, #tpu.memory_space<semaphore_mem>>)
    %dma_wait3A_174 = arith.constant 0 : i32
    %dma_wait3A_175 = tpu.memref_slice %arg4[%add3A_129, %dma_wait3A_174] : memref<16384x1024xf32, #tpu.memory_space<hbm>> -> memref<16x1024xf32, #tpu.memory_space<hbm>>
    %dma_wait3A_176 = arith.constant 0 : i32
    %dma_wait3A_177 = tpu.memref_slice %arg4[%add3A_129, %dma_wait3A_176] : memref<16384x1024xf32, #tpu.memory_space<hbm>> -> memref<16x1024xf32, #tpu.memory_space<hbm>>
    tpu.wait_dma2 semaphore(%arg16 : memref<!tpu.dma_semaphore, #tpu.memory_space<semaphore_mem>>) src(%arg8 : memref<16x1024xf32, #tpu.memory_space<vmem>>) dst(%dma_wait3A_177 : memref<16x1024xf32, #tpu.memory_space<hbm>>)
    %dma_start3A_178 = arith.constant 160 : i32
    %dma_start3A_179 = tpu.memref_slice %arg5[%dma_start3A_178] : memref<512xi32, #tpu.memory_space<vmem>> -> memref<16xi32, #tpu.memory_space<vmem>>
    %dma_start3A_180 = arith.constant 0 : i32
    %dma_start3A_181 = arith.constant 0 : i32
    %dma_start3A_182 = tpu.memref_slice %arg2[%dma_start3A_180, %dma_start3A_181] : memref<1000x1024xf32, #tpu.memory_space<hbm>> -> memref<1000x1024xf32, #tpu.memory_space<hbm>>
    tpu.enqueue_indirect_dma source(%dma_start3A_182 : memref<1000x1024xf32, #tpu.memory_space<hbm>>) target(%arg8 : memref<16x1024xf32, #tpu.memory_space<vmem>>) offsets(%dma_start3A_179 : memref<16xi32, #tpu.memory_space<vmem>>) semaphore(%arg12 : memref<!tpu.dma_semaphore, #tpu.memory_space<semaphore_mem>>)
    %dma_wait3A_183 = arith.constant 144 : i32
    %dma_wait3A_184 = tpu.memref_slice %arg5[%dma_wait3A_183] : memref<512xi32, #tpu.memory_space<vmem>> -> memref<16xi32, #tpu.memory_space<vmem>>
    %dma_wait3A_185 = arith.constant 0 : i32
    %dma_wait3A_186 = arith.constant 0 : i32
    %dma_wait3A_187 = tpu.memref_slice %arg2[%dma_wait3A_185, %dma_wait3A_186] : memref<1000x1024xf32, #tpu.memory_space<hbm>> -> memref<1000x1024xf32, #tpu.memory_space<hbm>>
    tpu.wait_indirect_dma semaphore(%arg11 : memref<!tpu.dma_semaphore, #tpu.memory_space<semaphore_mem>>) src(%dma_wait3A_187 : memref<1000x1024xf32, #tpu.memory_space<hbm>>) dst(%arg7 : memref<16x1024xf32, #tpu.memory_space<vmem>>)
    %add3A_188 = arith.constant 144 : i32
    %add3A_189 = arith.addi %mul3A_2, %add3A_188 : i32
    %dma_start3A_190 = arith.constant 0 : i32
    %dma_start3A_191 = tpu.memref_slice %arg4[%add3A_189, %dma_start3A_190] : memref<16384x1024xf32, #tpu.memory_space<hbm>> -> memref<16x1024xf32, #tpu.memory_space<hbm>>
    %dma_start3A_192 = arith.constant 0 : i32
    %dma_start3A_193 = tpu.memref_slice %arg4[%add3A_189, %dma_start3A_192] : memref<16384x1024xf32, #tpu.memory_space<hbm>> -> memref<16x1024xf32, #tpu.memory_space<hbm>>
    tpu.enqueue_dma source(%arg7 : memref<16x1024xf32, #tpu.memory_space<vmem>>) target(%dma_start3A_193 : memref<16x1024xf32, #tpu.memory_space<hbm>>) target_semaphore(%arg15 : memref<!tpu.dma_semaphore, #tpu.memory_space<semaphore_mem>>)
    %dma_wait3A_194 = arith.constant 0 : i32
    %dma_wait3A_195 = tpu.memref_slice %arg4[%add3A_149, %dma_wait3A_194] : memref<16384x1024xf32, #tpu.memory_space<hbm>> -> memref<16x1024xf32, #tpu.memory_space<hbm>>
    %dma_wait3A_196 = arith.constant 0 : i32
    %dma_wait3A_197 = tpu.memref_slice %arg4[%add3A_149, %dma_wait3A_196] : memref<16384x1024xf32, #tpu.memory_space<hbm>> -> memref<16x1024xf32, #tpu.memory_space<hbm>>
    tpu.wait_dma2 semaphore(%arg17 : memref<!tpu.dma_semaphore, #tpu.memory_space<semaphore_mem>>) src(%arg9 : memref<16x1024xf32, #tpu.memory_space<vmem>>) dst(%dma_wait3A_197 : memref<16x1024xf32, #tpu.memory_space<hbm>>)
    %dma_start3A_198 = arith.constant 176 : i32
    %dma_start3A_199 = tpu.memref_slice %arg5[%dma_start3A_198] : memref<512xi32, #tpu.memory_space<vmem>> -> memref<16xi32, #tpu.memory_space<vmem>>
    %dma_start3A_200 = arith.constant 0 : i32
    %dma_start3A_201 = arith.constant 0 : i32
    %dma_start3A_202 = tpu.memref_slice %arg2[%dma_start3A_200, %dma_start3A_201] : memref<1000x1024xf32, #tpu.memory_space<hbm>> -> memref<1000x1024xf32, #tpu.memory_space<hbm>>
    tpu.enqueue_indirect_dma source(%dma_start3A_202 : memref<1000x1024xf32, #tpu.memory_space<hbm>>) target(%arg9 : memref<16x1024xf32, #tpu.memory_space<vmem>>) offsets(%dma_start3A_199 : memref<16xi32, #tpu.memory_space<vmem>>) semaphore(%arg13 : memref<!tpu.dma_semaphore, #tpu.memory_space<semaphore_mem>>)
    %dma_wait3A_203 = arith.constant 160 : i32
    %dma_wait3A_204 = tpu.memref_slice %arg5[%dma_wait3A_203] : memref<512xi32, #tpu.memory_space<vmem>> -> memref<16xi32, #tpu.memory_space<vmem>>
    %dma_wait3A_205 = arith.constant 0 : i32
    %dma_wait3A_206 = arith.constant 0 : i32
    %dma_wait3A_207 = tpu.memref_slice %arg2[%dma_wait3A_205, %dma_wait3A_206] : memref<1000x1024xf32, #tpu.memory_space<hbm>> -> memref<1000x1024xf32, #tpu.memory_space<hbm>>
    tpu.wait_indirect_dma semaphore(%arg12 : memref<!tpu.dma_semaphore, #tpu.memory_space<semaphore_mem>>) src(%dma_wait3A_207 : memref<1000x1024xf32, #tpu.memory_space<hbm>>) dst(%arg8 : memref<16x1024xf32, #tpu.memory_space<vmem>>)
    %add3A_208 = arith.constant 160 : i32
    %add3A_209 = arith.addi %mul3A_2, %add3A_208 : i32
    %dma_start3A_210 = arith.constant 0 : i32
    %dma_start3A_211 = tpu.memref_slice %arg4[%add3A_209, %dma_start3A_210] : memref<16384x1024xf32, #tpu.memory_space<hbm>> -> memref<16x1024xf32, #tpu.memory_space<hbm>>
    %dma_start3A_212 = arith.constant 0 : i32
    %dma_start3A_213 = tpu.memref_slice %arg4[%add3A_209, %dma_start3A_212] : memref<16384x1024xf32, #tpu.memory_space<hbm>> -> memref<16x1024xf32, #tpu.memory_space<hbm>>
    tpu.enqueue_dma source(%arg8 : memref<16x1024xf32, #tpu.memory_space<vmem>>) target(%dma_start3A_213 : memref<16x1024xf32, #tpu.memory_space<hbm>>) target_semaphore(%arg16 : memref<!tpu.dma_semaphore, #tpu.memory_space<semaphore_mem>>)
    %dma_wait3A_214 = arith.constant 0 : i32
    %dma_wait3A_215 = tpu.memref_slice %arg4[%add3A_169, %dma_wait3A_214] : memref<16384x1024xf32, #tpu.memory_space<hbm>> -> memref<16x1024xf32, #tpu.memory_space<hbm>>
    %dma_wait3A_216 = arith.constant 0 : i32
    %dma_wait3A_217 = tpu.memref_slice %arg4[%add3A_169, %dma_wait3A_216] : memref<16384x1024xf32, #tpu.memory_space<hbm>> -> memref<16x1024xf32, #tpu.memory_space<hbm>>
    tpu.wait_dma2 semaphore(%arg14 : memref<!tpu.dma_semaphore, #tpu.memory_space<semaphore_mem>>) src(%arg6 : memref<16x1024xf32, #tpu.memory_space<vmem>>) dst(%dma_wait3A_217 : memref<16x1024xf32, #tpu.memory_space<hbm>>)
    %dma_start3A_218 = arith.constant 192 : i32
    %dma_start3A_219 = tpu.memref_slice %arg5[%dma_start3A_218] : memref<512xi32, #tpu.memory_space<vmem>> -> memref<16xi32, #tpu.memory_space<vmem>>
    %dma_start3A_220 = arith.constant 0 : i32
    %dma_start3A_221 = arith.constant 0 : i32
    %dma_start3A_222 = tpu.memref_slice %arg2[%dma_start3A_220, %dma_start3A_221] : memref<1000x1024xf32, #tpu.memory_space<hbm>> -> memref<1000x1024xf32, #tpu.memory_space<hbm>>
    tpu.enqueue_indirect_dma source(%dma_start3A_222 : memref<1000x1024xf32, #tpu.memory_space<hbm>>) target(%arg6 : memref<16x1024xf32, #tpu.memory_space<vmem>>) offsets(%dma_start3A_219 : memref<16xi32, #tpu.memory_space<vmem>>) semaphore(%arg10 : memref<!tpu.dma_semaphore, #tpu.memory_space<semaphore_mem>>)
    %dma_wait3A_223 = arith.constant 176 : i32
    %dma_wait3A_224 = tpu.memref_slice %arg5[%dma_wait3A_223] : memref<512xi32, #tpu.memory_space<vmem>> -> memref<16xi32, #tpu.memory_space<vmem>>
    %dma_wait3A_225 = arith.constant 0 : i32
    %dma_wait3A_226 = arith.constant 0 : i32
    %dma_wait3A_227 = tpu.memref_slice %arg2[%dma_wait3A_225, %dma_wait3A_226] : memref<1000x1024xf32, #tpu.memory_space<hbm>> -> memref<1000x1024xf32, #tpu.memory_space<hbm>>
    tpu.wait_indirect_dma semaphore(%arg13 : memref<!tpu.dma_semaphore, #tpu.memory_space<semaphore_mem>>) src(%dma_wait3A_227 : memref<1000x1024xf32, #tpu.memory_space<hbm>>) dst(%arg9 : memref<16x1024xf32, #tpu.memory_space<vmem>>)
    %add3A_228 = arith.constant 176 : i32
    %add3A_229 = arith.addi %mul3A_2, %add3A_228 : i32
    %dma_start3A_230 = arith.constant 0 : i32
    %dma_start3A_231 = tpu.memref_slice %arg4[%add3A_229, %dma_start3A_230] : memref<16384x1024xf32, #tpu.memory_space<hbm>> -> memref<16x1024xf32, #tpu.memory_space<hbm>>
    %dma_start3A_232 = arith.constant 0 : i32
    %dma_start3A_233 = tpu.memref_slice %arg4[%add3A_229, %dma_start3A_232] : memref<16384x1024xf32, #tpu.memory_space<hbm>> -> memref<16x1024xf32, #tpu.memory_space<hbm>>
    tpu.enqueue_dma source(%arg9 : memref<16x1024xf32, #tpu.memory_space<vmem>>) target(%dma_start3A_233 : memref<16x1024xf32, #tpu.memory_space<hbm>>) target_semaphore(%arg17 : memref<!tpu.dma_semaphore, #tpu.memory_space<semaphore_mem>>)
    %dma_wait3A_234 = arith.constant 0 : i32
    %dma_wait3A_235 = tpu.memref_slice %arg4[%add3A_189, %dma_wait3A_234] : memref<16384x1024xf32, #tpu.memory_space<hbm>> -> memref<16x1024xf32, #tpu.memory_space<hbm>>
    %dma_wait3A_236 = arith.constant 0 : i32
    %dma_wait3A_237 = tpu.memref_slice %arg4[%add3A_189, %dma_wait3A_236] : memref<16384x1024xf32, #tpu.memory_space<hbm>> -> memref<16x1024xf32, #tpu.memory_space<hbm>>
    tpu.wait_dma2 semaphore(%arg15 : memref<!tpu.dma_semaphore, #tpu.memory_space<semaphore_mem>>) src(%arg7 : memref<16x1024xf32, #tpu.memory_space<vmem>>) dst(%dma_wait3A_237 : memref<16x1024xf32, #tpu.memory_space<hbm>>)
    %dma_start3A_238 = arith.constant 208 : i32
    %dma_start3A_239 = tpu.memref_slice %arg5[%dma_start3A_238] : memref<512xi32, #tpu.memory_space<vmem>> -> memref<16xi32, #tpu.memory_space<vmem>>
    %dma_start3A_240 = arith.constant 0 : i32
    %dma_start3A_241 = arith.constant 0 : i32
    %dma_start3A_242 = tpu.memref_slice %arg2[%dma_start3A_240, %dma_start3A_241] : memref<1000x1024xf32, #tpu.memory_space<hbm>> -> memref<1000x1024xf32, #tpu.memory_space<hbm>>
    tpu.enqueue_indirect_dma source(%dma_start3A_242 : memref<1000x1024xf32, #tpu.memory_space<hbm>>) target(%arg7 : memref<16x1024xf32, #tpu.memory_space<vmem>>) offsets(%dma_start3A_239 : memref<16xi32, #tpu.memory_space<vmem>>) semaphore(%arg11 : memref<!tpu.dma_semaphore, #tpu.memory_space<semaphore_mem>>)
    %dma_wait3A_243 = arith.constant 192 : i32
    %dma_wait3A_244 = tpu.memref_slice %arg5[%dma_wait3A_243] : memref<512xi32, #tpu.memory_space<vmem>> -> memref<16xi32, #tpu.memory_space<vmem>>
    %dma_wait3A_245 = arith.constant 0 : i32
    %dma_wait3A_246 = arith.constant 0 : i32
    %dma_wait3A_247 = tpu.memref_slice %arg2[%dma_wait3A_245, %dma_wait3A_246] : memref<1000x1024xf32, #tpu.memory_space<hbm>> -> memref<1000x1024xf32, #tpu.memory_space<hbm>>
    tpu.wait_indirect_dma semaphore(%arg10 : memref<!tpu.dma_semaphore, #tpu.memory_space<semaphore_mem>>) src(%dma_wait3A_247 : memref<1000x1024xf32, #tpu.memory_space<hbm>>) dst(%arg6 : memref<16x1024xf32, #tpu.memory_space<vmem>>)
    %add3A_248 = arith.constant 192 : i32
    %add3A_249 = arith.addi %mul3A_2, %add3A_248 : i32
    %dma_start3A_250 = arith.constant 0 : i32
    %dma_start3A_251 = tpu.memref_slice %arg4[%add3A_249, %dma_start3A_250] : memref<16384x1024xf32, #tpu.memory_space<hbm>> -> memref<16x1024xf32, #tpu.memory_space<hbm>>
    %dma_start3A_252 = arith.constant 0 : i32
    %dma_start3A_253 = tpu.memref_slice %arg4[%add3A_249, %dma_start3A_252] : memref<16384x1024xf32, #tpu.memory_space<hbm>> -> memref<16x1024xf32, #tpu.memory_space<hbm>>
    tpu.enqueue_dma source(%arg6 : memref<16x1024xf32, #tpu.memory_space<vmem>>) target(%dma_start3A_253 : memref<16x1024xf32, #tpu.memory_space<hbm>>) target_semaphore(%arg14 : memref<!tpu.dma_semaphore, #tpu.memory_space<semaphore_mem>>)
    %dma_wait3A_254 = arith.constant 0 : i32
    %dma_wait3A_255 = tpu.memref_slice %arg4[%add3A_209, %dma_wait3A_254] : memref<16384x1024xf32, #tpu.memory_space<hbm>> -> memref<16x1024xf32, #tpu.memory_space<hbm>>
    %dma_wait3A_256 = arith.constant 0 : i32
    %dma_wait3A_257 = tpu.memref_slice %arg4[%add3A_209, %dma_wait3A_256] : memref<16384x1024xf32, #tpu.memory_space<hbm>> -> memref<16x1024xf32, #tpu.memory_space<hbm>>
    tpu.wait_dma2 semaphore(%arg16 : memref<!tpu.dma_semaphore, #tpu.memory_space<semaphore_mem>>) src(%arg8 : memref<16x1024xf32, #tpu.memory_space<vmem>>) dst(%dma_wait3A_257 : memref<16x1024xf32, #tpu.memory_space<hbm>>)
    %dma_start3A_258 = arith.constant 224 : i32
    %dma_start3A_259 = tpu.memref_slice %arg5[%dma_start3A_258] : memref<512xi32, #tpu.memory_space<vmem>> -> memref<16xi32, #tpu.memory_space<vmem>>
    %dma_start3A_260 = arith.constant 0 : i32
    %dma_start3A_261 = arith.constant 0 : i32
    %dma_start3A_262 = tpu.memref_slice %arg2[%dma_start3A_260, %dma_start3A_261] : memref<1000x1024xf32, #tpu.memory_space<hbm>> -> memref<1000x1024xf32, #tpu.memory_space<hbm>>
    tpu.enqueue_indirect_dma source(%dma_start3A_262 : memref<1000x1024xf32, #tpu.memory_space<hbm>>) target(%arg8 : memref<16x1024xf32, #tpu.memory_space<vmem>>) offsets(%dma_start3A_259 : memref<16xi32, #tpu.memory_space<vmem>>) semaphore(%arg12 : memref<!tpu.dma_semaphore, #tpu.memory_space<semaphore_mem>>)
    %dma_wait3A_263 = arith.constant 208 : i32
    %dma_wait3A_264 = tpu.memref_slice %arg5[%dma_wait3A_263] : memref<512xi32, #tpu.memory_space<vmem>> -> memref<16xi32, #tpu.memory_space<vmem>>
    %dma_wait3A_265 = arith.constant 0 : i32
    %dma_wait3A_266 = arith.constant 0 : i32
    %dma_wait3A_267 = tpu.memref_slice %arg2[%dma_wait3A_265, %dma_wait3A_266] : memref<1000x1024xf32, #tpu.memory_space<hbm>> -> memref<1000x1024xf32, #tpu.memory_space<hbm>>
    tpu.wait_indirect_dma semaphore(%arg11 : memref<!tpu.dma_semaphore, #tpu.memory_space<semaphore_mem>>) src(%dma_wait3A_267 : memref<1000x1024xf32, #tpu.memory_space<hbm>>) dst(%arg7 : memref<16x1024xf32, #tpu.memory_space<vmem>>)
    %add3A_268 = arith.constant 208 : i32
    %add3A_269 = arith.addi %mul3A_2, %add3A_268 : i32
    %dma_start3A_270 = arith.constant 0 : i32
    %dma_start3A_271 = tpu.memref_slice %arg4[%add3A_269, %dma_start3A_270] : memref<16384x1024xf32, #tpu.memory_space<hbm>> -> memref<16x1024xf32, #tpu.memory_space<hbm>>
    %dma_start3A_272 = arith.constant 0 : i32
    %dma_start3A_273 = tpu.memref_slice %arg4[%add3A_269, %dma_start3A_272] : memref<16384x1024xf32, #tpu.memory_space<hbm>> -> memref<16x1024xf32, #tpu.memory_space<hbm>>
    tpu.enqueue_dma source(%arg7 : memref<16x1024xf32, #tpu.memory_space<vmem>>) target(%dma_start3A_273 : memref<16x1024xf32, #tpu.memory_space<hbm>>) target_semaphore(%arg15 : memref<!tpu.dma_semaphore, #tpu.memory_space<semaphore_mem>>)
    %dma_wait3A_274 = arith.constant 0 : i32
    %dma_wait3A_275 = tpu.memref_slice %arg4[%add3A_229, %dma_wait3A_274] : memref<16384x1024xf32, #tpu.memory_space<hbm>> -> memref<16x1024xf32, #tpu.memory_space<hbm>>
    %dma_wait3A_276 = arith.constant 0 : i32
    %dma_wait3A_277 = tpu.memref_slice %arg4[%add3A_229, %dma_wait3A_276] : memref<16384x1024xf32, #tpu.memory_space<hbm>> -> memref<16x1024xf32, #tpu.memory_space<hbm>>
    tpu.wait_dma2 semaphore(%arg17 : memref<!tpu.dma_semaphore, #tpu.memory_space<semaphore_mem>>) src(%arg9 : memref<16x1024xf32, #tpu.memory_space<vmem>>) dst(%dma_wait3A_277 : memref<16x1024xf32, #tpu.memory_space<hbm>>)
    %dma_start3A_278 = arith.constant 240 : i32
    %dma_start3A_279 = tpu.memref_slice %arg5[%dma_start3A_278] : memref<512xi32, #tpu.memory_space<vmem>> -> memref<16xi32, #tpu.memory_space<vmem>>
    %dma_start3A_280 = arith.constant 0 : i32
    %dma_start3A_281 = arith.constant 0 : i32
    %dma_start3A_282 = tpu.memref_slice %arg2[%dma_start3A_280, %dma_start3A_281] : memref<1000x1024xf32, #tpu.memory_space<hbm>> -> memref<1000x1024xf32, #tpu.memory_space<hbm>>
    tpu.enqueue_indirect_dma source(%dma_start3A_282 : memref<1000x1024xf32, #tpu.memory_space<hbm>>) target(%arg9 : memref<16x1024xf32, #tpu.memory_space<vmem>>) offsets(%dma_start3A_279 : memref<16xi32, #tpu.memory_space<vmem>>) semaphore(%arg13 : memref<!tpu.dma_semaphore, #tpu.memory_space<semaphore_mem>>)
    %dma_wait3A_283 = arith.constant 224 : i32
    %dma_wait3A_284 = tpu.memref_slice %arg5[%dma_wait3A_283] : memref<512xi32, #tpu.memory_space<vmem>> -> memref<16xi32, #tpu.memory_space<vmem>>
    %dma_wait3A_285 = arith.constant 0 : i32
    %dma_wait3A_286 = arith.constant 0 : i32
    %dma_wait3A_287 = tpu.memref_slice %arg2[%dma_wait3A_285, %dma_wait3A_286] : memref<1000x1024xf32, #tpu.memory_space<hbm>> -> memref<1000x1024xf32, #tpu.memory_space<hbm>>
    tpu.wait_indirect_dma semaphore(%arg12 : memref<!tpu.dma_semaphore, #tpu.memory_space<semaphore_mem>>) src(%dma_wait3A_287 : memref<1000x1024xf32, #tpu.memory_space<hbm>>) dst(%arg8 : memref<16x1024xf32, #tpu.memory_space<vmem>>)
    %add3A_288 = arith.constant 224 : i32
    %add3A_289 = arith.addi %mul3A_2, %add3A_288 : i32
    %dma_start3A_290 = arith.constant 0 : i32
    %dma_start3A_291 = tpu.memref_slice %arg4[%add3A_289, %dma_start3A_290] : memref<16384x1024xf32, #tpu.memory_space<hbm>> -> memref<16x1024xf32, #tpu.memory_space<hbm>>
    %dma_start3A_292 = arith.constant 0 : i32
    %dma_start3A_293 = tpu.memref_slice %arg4[%add3A_289, %dma_start3A_292] : memref<16384x1024xf32, #tpu.memory_space<hbm>> -> memref<16x1024xf32, #tpu.memory_space<hbm>>
    tpu.enqueue_dma source(%arg8 : memref<16x1024xf32, #tpu.memory_space<vmem>>) target(%dma_start3A_293 : memref<16x1024xf32, #tpu.memory_space<hbm>>) target_semaphore(%arg16 : memref<!tpu.dma_semaphore, #tpu.memory_space<semaphore_mem>>)
    %dma_wait3A_294 = arith.constant 0 : i32
    %dma_wait3A_295 = tpu.memref_slice %arg4[%add3A_249, %dma_wait3A_294] : memref<16384x1024xf32, #tpu.memory_space<hbm>> -> memref<16x1024xf32, #tpu.memory_space<hbm>>
    %dma_wait3A_296 = arith.constant 0 : i32
    %dma_wait3A_297 = tpu.memref_slice %arg4[%add3A_249, %dma_wait3A_296] : memref<16384x1024xf32, #tpu.memory_space<hbm>> -> memref<16x1024xf32, #tpu.memory_space<hbm>>
    tpu.wait_dma2 semaphore(%arg14 : memref<!tpu.dma_semaphore, #tpu.memory_space<semaphore_mem>>) src(%arg6 : memref<16x1024xf32, #tpu.memory_space<vmem>>) dst(%dma_wait3A_297 : memref<16x1024xf32, #tpu.memory_space<hbm>>)
    %dma_start3A_298 = arith.constant 256 : i32
    %dma_start3A_299 = tpu.memref_slice %arg5[%dma_start3A_298] : memref<512xi32, #tpu.memory_space<vmem>> -> memref<16xi32, #tpu.memory_space<vmem>>
    %dma_start3A_300 = arith.constant 0 : i32
    %dma_start3A_301 = arith.constant 0 : i32
    %dma_start3A_302 = tpu.memref_slice %arg2[%dma_start3A_300, %dma_start3A_301] : memref<1000x1024xf32, #tpu.memory_space<hbm>> -> memref<1000x1024xf32, #tpu.memory_space<hbm>>
    tpu.enqueue_indirect_dma source(%dma_start3A_302 : memref<1000x1024xf32, #tpu.memory_space<hbm>>) target(%arg6 : memref<16x1024xf32, #tpu.memory_space<vmem>>) offsets(%dma_start3A_299 : memref<16xi32, #tpu.memory_space<vmem>>) semaphore(%arg10 : memref<!tpu.dma_semaphore, #tpu.memory_space<semaphore_mem>>)
    %dma_wait3A_303 = arith.constant 240 : i32
    %dma_wait3A_304 = tpu.memref_slice %arg5[%dma_wait3A_303] : memref<512xi32, #tpu.memory_space<vmem>> -> memref<16xi32, #tpu.memory_space<vmem>>
    %dma_wait3A_305 = arith.constant 0 : i32
    %dma_wait3A_306 = arith.constant 0 : i32
    %dma_wait3A_307 = tpu.memref_slice %arg2[%dma_wait3A_305, %dma_wait3A_306] : memref<1000x1024xf32, #tpu.memory_space<hbm>> -> memref<1000x1024xf32, #tpu.memory_space<hbm>>
    tpu.wait_indirect_dma semaphore(%arg13 : memref<!tpu.dma_semaphore, #tpu.memory_space<semaphore_mem>>) src(%dma_wait3A_307 : memref<1000x1024xf32, #tpu.memory_space<hbm>>) dst(%arg9 : memref<16x1024xf32, #tpu.memory_space<vmem>>)
    %add3A_308 = arith.constant 240 : i32
    %add3A_309 = arith.addi %mul3A_2, %add3A_308 : i32
    %dma_start3A_310 = arith.constant 0 : i32
    %dma_start3A_311 = tpu.memref_slice %arg4[%add3A_309, %dma_start3A_310] : memref<16384x1024xf32, #tpu.memory_space<hbm>> -> memref<16x1024xf32, #tpu.memory_space<hbm>>
    %dma_start3A_312 = arith.constant 0 : i32
    %dma_start3A_313 = tpu.memref_slice %arg4[%add3A_309, %dma_start3A_312] : memref<16384x1024xf32, #tpu.memory_space<hbm>> -> memref<16x1024xf32, #tpu.memory_space<hbm>>
    tpu.enqueue_dma source(%arg9 : memref<16x1024xf32, #tpu.memory_space<vmem>>) target(%dma_start3A_313 : memref<16x1024xf32, #tpu.memory_space<hbm>>) target_semaphore(%arg17 : memref<!tpu.dma_semaphore, #tpu.memory_space<semaphore_mem>>)
    %dma_wait3A_314 = arith.constant 0 : i32
    %dma_wait3A_315 = tpu.memref_slice %arg4[%add3A_269, %dma_wait3A_314] : memref<16384x1024xf32, #tpu.memory_space<hbm>> -> memref<16x1024xf32, #tpu.memory_space<hbm>>
    %dma_wait3A_316 = arith.constant 0 : i32
    %dma_wait3A_317 = tpu.memref_slice %arg4[%add3A_269, %dma_wait3A_316] : memref<16384x1024xf32, #tpu.memory_space<hbm>> -> memref<16x1024xf32, #tpu.memory_space<hbm>>
    tpu.wait_dma2 semaphore(%arg15 : memref<!tpu.dma_semaphore, #tpu.memory_space<semaphore_mem>>) src(%arg7 : memref<16x1024xf32, #tpu.memory_space<vmem>>) dst(%dma_wait3A_317 : memref<16x1024xf32, #tpu.memory_space<hbm>>)
    %dma_start3A_318 = arith.constant 272 : i32
    %dma_start3A_319 = tpu.memref_slice %arg5[%dma_start3A_318] : memref<512xi32, #tpu.memory_space<vmem>> -> memref<16xi32, #tpu.memory_space<vmem>>
    %dma_start3A_320 = arith.constant 0 : i32
    %dma_start3A_321 = arith.constant 0 : i32
    %dma_start3A_322 = tpu.memref_slice %arg2[%dma_start3A_320, %dma_start3A_321] : memref<1000x1024xf32, #tpu.memory_space<hbm>> -> memref<1000x1024xf32, #tpu.memory_space<hbm>>
    tpu.enqueue_indirect_dma source(%dma_start3A_322 : memref<1000x1024xf32, #tpu.memory_space<hbm>>) target(%arg7 : memref<16x1024xf32, #tpu.memory_space<vmem>>) offsets(%dma_start3A_319 : memref<16xi32, #tpu.memory_space<vmem>>) semaphore(%arg11 : memref<!tpu.dma_semaphore, #tpu.memory_space<semaphore_mem>>)
    %dma_wait3A_323 = arith.constant 256 : i32
    %dma_wait3A_324 = tpu.memref_slice %arg5[%dma_wait3A_323] : memref<512xi32, #tpu.memory_space<vmem>> -> memref<16xi32, #tpu.memory_space<vmem>>
    %dma_wait3A_325 = arith.constant 0 : i32
    %dma_wait3A_326 = arith.constant 0 : i32
    %dma_wait3A_327 = tpu.memref_slice %arg2[%dma_wait3A_325, %dma_wait3A_326] : memref<1000x1024xf32, #tpu.memory_space<hbm>> -> memref<1000x1024xf32, #tpu.memory_space<hbm>>
    tpu.wait_indirect_dma semaphore(%arg10 : memref<!tpu.dma_semaphore, #tpu.memory_space<semaphore_mem>>) src(%dma_wait3A_327 : memref<1000x1024xf32, #tpu.memory_space<hbm>>) dst(%arg6 : memref<16x1024xf32, #tpu.memory_space<vmem>>)
    %add3A_328 = arith.constant 256 : i32
    %add3A_329 = arith.addi %mul3A_2, %add3A_328 : i32
    %dma_start3A_330 = arith.constant 0 : i32
    %dma_start3A_331 = tpu.memref_slice %arg4[%add3A_329, %dma_start3A_330] : memref<16384x1024xf32, #tpu.memory_space<hbm>> -> memref<16x1024xf32, #tpu.memory_space<hbm>>
    %dma_start3A_332 = arith.constant 0 : i32
    %dma_start3A_333 = tpu.memref_slice %arg4[%add3A_329, %dma_start3A_332] : memref<16384x1024xf32, #tpu.memory_space<hbm>> -> memref<16x1024xf32, #tpu.memory_space<hbm>>
    tpu.enqueue_dma source(%arg6 : memref<16x1024xf32, #tpu.memory_space<vmem>>) target(%dma_start3A_333 : memref<16x1024xf32, #tpu.memory_space<hbm>>) target_semaphore(%arg14 : memref<!tpu.dma_semaphore, #tpu.memory_space<semaphore_mem>>)
    %dma_wait3A_334 = arith.constant 0 : i32
    %dma_wait3A_335 = tpu.memref_slice %arg4[%add3A_289, %dma_wait3A_334] : memref<16384x1024xf32, #tpu.memory_space<hbm>> -> memref<16x1024xf32, #tpu.memory_space<hbm>>
    %dma_wait3A_336 = arith.constant 0 : i32
    %dma_wait3A_337 = tpu.memref_slice %arg4[%add3A_289, %dma_wait3A_336] : memref<16384x1024xf32, #tpu.memory_space<hbm>> -> memref<16x1024xf32, #tpu.memory_space<hbm>>
    tpu.wait_dma2 semaphore(%arg16 : memref<!tpu.dma_semaphore, #tpu.memory_space<semaphore_mem>>) src(%arg8 : memref<16x1024xf32, #tpu.memory_space<vmem>>) dst(%dma_wait3A_337 : memref<16x1024xf32, #tpu.memory_space<hbm>>)
    %dma_start3A_338 = arith.constant 288 : i32
    %dma_start3A_339 = tpu.memref_slice %arg5[%dma_start3A_338] : memref<512xi32, #tpu.memory_space<vmem>> -> memref<16xi32, #tpu.memory_space<vmem>>
    %dma_start3A_340 = arith.constant 0 : i32
    %dma_start3A_341 = arith.constant 0 : i32
    %dma_start3A_342 = tpu.memref_slice %arg2[%dma_start3A_340, %dma_start3A_341] : memref<1000x1024xf32, #tpu.memory_space<hbm>> -> memref<1000x1024xf32, #tpu.memory_space<hbm>>
    tpu.enqueue_indirect_dma source(%dma_start3A_342 : memref<1000x1024xf32, #tpu.memory_space<hbm>>) target(%arg8 : memref<16x1024xf32, #tpu.memory_space<vmem>>) offsets(%dma_start3A_339 : memref<16xi32, #tpu.memory_space<vmem>>) semaphore(%arg12 : memref<!tpu.dma_semaphore, #tpu.memory_space<semaphore_mem>>)
    %dma_wait3A_343 = arith.constant 272 : i32
    %dma_wait3A_344 = tpu.memref_slice %arg5[%dma_wait3A_343] : memref<512xi32, #tpu.memory_space<vmem>> -> memref<16xi32, #tpu.memory_space<vmem>>
    %dma_wait3A_345 = arith.constant 0 : i32
    %dma_wait3A_346 = arith.constant 0 : i32
    %dma_wait3A_347 = tpu.memref_slice %arg2[%dma_wait3A_345, %dma_wait3A_346] : memref<1000x1024xf32, #tpu.memory_space<hbm>> -> memref<1000x1024xf32, #tpu.memory_space<hbm>>
    tpu.wait_indirect_dma semaphore(%arg11 : memref<!tpu.dma_semaphore, #tpu.memory_space<semaphore_mem>>) src(%dma_wait3A_347 : memref<1000x1024xf32, #tpu.memory_space<hbm>>) dst(%arg7 : memref<16x1024xf32, #tpu.memory_space<vmem>>)
    %add3A_348 = arith.constant 272 : i32
    %add3A_349 = arith.addi %mul3A_2, %add3A_348 : i32
    %dma_start3A_350 = arith.constant 0 : i32
    %dma_start3A_351 = tpu.memref_slice %arg4[%add3A_349, %dma_start3A_350] : memref<16384x1024xf32, #tpu.memory_space<hbm>> -> memref<16x1024xf32, #tpu.memory_space<hbm>>
    %dma_start3A_352 = arith.constant 0 : i32
    %dma_start3A_353 = tpu.memref_slice %arg4[%add3A_349, %dma_start3A_352] : memref<16384x1024xf32, #tpu.memory_space<hbm>> -> memref<16x1024xf32, #tpu.memory_space<hbm>>
    tpu.enqueue_dma source(%arg7 : memref<16x1024xf32, #tpu.memory_space<vmem>>) target(%dma_start3A_353 : memref<16x1024xf32, #tpu.memory_space<hbm>>) target_semaphore(%arg15 : memref<!tpu.dma_semaphore, #tpu.memory_space<semaphore_mem>>)
    %dma_wait3A_354 = arith.constant 0 : i32
    %dma_wait3A_355 = tpu.memref_slice %arg4[%add3A_309, %dma_wait3A_354] : memref<16384x1024xf32, #tpu.memory_space<hbm>> -> memref<16x1024xf32, #tpu.memory_space<hbm>>
    %dma_wait3A_356 = arith.constant 0 : i32
    %dma_wait3A_357 = tpu.memref_slice %arg4[%add3A_309, %dma_wait3A_356] : memref<16384x1024xf32, #tpu.memory_space<hbm>> -> memref<16x1024xf32, #tpu.memory_space<hbm>>
    tpu.wait_dma2 semaphore(%arg17 : memref<!tpu.dma_semaphore, #tpu.memory_space<semaphore_mem>>) src(%arg9 : memref<16x1024xf32, #tpu.memory_space<vmem>>) dst(%dma_wait3A_357 : memref<16x1024xf32, #tpu.memory_space<hbm>>)
    %dma_start3A_358 = arith.constant 304 : i32
    %dma_start3A_359 = tpu.memref_slice %arg5[%dma_start3A_358] : memref<512xi32, #tpu.memory_space<vmem>> -> memref<16xi32, #tpu.memory_space<vmem>>
    %dma_start3A_360 = arith.constant 0 : i32
    %dma_start3A_361 = arith.constant 0 : i32
    %dma_start3A_362 = tpu.memref_slice %arg2[%dma_start3A_360, %dma_start3A_361] : memref<1000x1024xf32, #tpu.memory_space<hbm>> -> memref<1000x1024xf32, #tpu.memory_space<hbm>>
    tpu.enqueue_indirect_dma source(%dma_start3A_362 : memref<1000x1024xf32, #tpu.memory_space<hbm>>) target(%arg9 : memref<16x1024xf32, #tpu.memory_space<vmem>>) offsets(%dma_start3A_359 : memref<16xi32, #tpu.memory_space<vmem>>) semaphore(%arg13 : memref<!tpu.dma_semaphore, #tpu.memory_space<semaphore_mem>>)
    %dma_wait3A_363 = arith.constant 288 : i32
    %dma_wait3A_364 = tpu.memref_slice %arg5[%dma_wait3A_363] : memref<512xi32, #tpu.memory_space<vmem>> -> memref<16xi32, #tpu.memory_space<vmem>>
    %dma_wait3A_365 = arith.constant 0 : i32
    %dma_wait3A_366 = arith.constant 0 : i32
    %dma_wait3A_367 = tpu.memref_slice %arg2[%dma_wait3A_365, %dma_wait3A_366] : memref<1000x1024xf32, #tpu.memory_space<hbm>> -> memref<1000x1024xf32, #tpu.memory_space<hbm>>
    tpu.wait_indirect_dma semaphore(%arg12 : memref<!tpu.dma_semaphore, #tpu.memory_space<semaphore_mem>>) src(%dma_wait3A_367 : memref<1000x1024xf32, #tpu.memory_space<hbm>>) dst(%arg8 : memref<16x1024xf32, #tpu.memory_space<vmem>>)
    %add3A_368 = arith.constant 288 : i32
    %add3A_369 = arith.addi %mul3A_2, %add3A_368 : i32
    %dma_start3A_370 = arith.constant 0 : i32
    %dma_start3A_371 = tpu.memref_slice %arg4[%add3A_369, %dma_start3A_370] : memref<16384x1024xf32, #tpu.memory_space<hbm>> -> memref<16x1024xf32, #tpu.memory_space<hbm>>
    %dma_start3A_372 = arith.constant 0 : i32
    %dma_start3A_373 = tpu.memref_slice %arg4[%add3A_369, %dma_start3A_372] : memref<16384x1024xf32, #tpu.memory_space<hbm>> -> memref<16x1024xf32, #tpu.memory_space<hbm>>
    tpu.enqueue_dma source(%arg8 : memref<16x1024xf32, #tpu.memory_space<vmem>>) target(%dma_start3A_373 : memref<16x1024xf32, #tpu.memory_space<hbm>>) target_semaphore(%arg16 : memref<!tpu.dma_semaphore, #tpu.memory_space<semaphore_mem>>)
    %dma_wait3A_374 = arith.constant 0 : i32
    %dma_wait3A_375 = tpu.memref_slice %arg4[%add3A_329, %dma_wait3A_374] : memref<16384x1024xf32, #tpu.memory_space<hbm>> -> memref<16x1024xf32, #tpu.memory_space<hbm>>
    %dma_wait3A_376 = arith.constant 0 : i32
    %dma_wait3A_377 = tpu.memref_slice %arg4[%add3A_329, %dma_wait3A_376] : memref<16384x1024xf32, #tpu.memory_space<hbm>> -> memref<16x1024xf32, #tpu.memory_space<hbm>>
    tpu.wait_dma2 semaphore(%arg14 : memref<!tpu.dma_semaphore, #tpu.memory_space<semaphore_mem>>) src(%arg6 : memref<16x1024xf32, #tpu.memory_space<vmem>>) dst(%dma_wait3A_377 : memref<16x1024xf32, #tpu.memory_space<hbm>>)
    %dma_start3A_378 = arith.constant 320 : i32
    %dma_start3A_379 = tpu.memref_slice %arg5[%dma_start3A_378] : memref<512xi32, #tpu.memory_space<vmem>> -> memref<16xi32, #tpu.memory_space<vmem>>
    %dma_start3A_380 = arith.constant 0 : i32
    %dma_start3A_381 = arith.constant 0 : i32
    %dma_start3A_382 = tpu.memref_slice %arg2[%dma_start3A_380, %dma_start3A_381] : memref<1000x1024xf32, #tpu.memory_space<hbm>> -> memref<1000x1024xf32, #tpu.memory_space<hbm>>
    tpu.enqueue_indirect_dma source(%dma_start3A_382 : memref<1000x1024xf32, #tpu.memory_space<hbm>>) target(%arg6 : memref<16x1024xf32, #tpu.memory_space<vmem>>) offsets(%dma_start3A_379 : memref<16xi32, #tpu.memory_space<vmem>>) semaphore(%arg10 : memref<!tpu.dma_semaphore, #tpu.memory_space<semaphore_mem>>)
    %dma_wait3A_383 = arith.constant 304 : i32
    %dma_wait3A_384 = tpu.memref_slice %arg5[%dma_wait3A_383] : memref<512xi32, #tpu.memory_space<vmem>> -> memref<16xi32, #tpu.memory_space<vmem>>
    %dma_wait3A_385 = arith.constant 0 : i32
    %dma_wait3A_386 = arith.constant 0 : i32
    %dma_wait3A_387 = tpu.memref_slice %arg2[%dma_wait3A_385, %dma_wait3A_386] : memref<1000x1024xf32, #tpu.memory_space<hbm>> -> memref<1000x1024xf32, #tpu.memory_space<hbm>>
    tpu.wait_indirect_dma semaphore(%arg13 : memref<!tpu.dma_semaphore, #tpu.memory_space<semaphore_mem>>) src(%dma_wait3A_387 : memref<1000x1024xf32, #tpu.memory_space<hbm>>) dst(%arg9 : memref<16x1024xf32, #tpu.memory_space<vmem>>)
    %add3A_388 = arith.constant 304 : i32
    %add3A_389 = arith.addi %mul3A_2, %add3A_388 : i32
    %dma_start3A_390 = arith.constant 0 : i32
    %dma_start3A_391 = tpu.memref_slice %arg4[%add3A_389, %dma_start3A_390] : memref<16384x1024xf32, #tpu.memory_space<hbm>> -> memref<16x1024xf32, #tpu.memory_space<hbm>>
    %dma_start3A_392 = arith.constant 0 : i32
    %dma_start3A_393 = tpu.memref_slice %arg4[%add3A_389, %dma_start3A_392] : memref<16384x1024xf32, #tpu.memory_space<hbm>> -> memref<16x1024xf32, #tpu.memory_space<hbm>>
    tpu.enqueue_dma source(%arg9 : memref<16x1024xf32, #tpu.memory_space<vmem>>) target(%dma_start3A_393 : memref<16x1024xf32, #tpu.memory_space<hbm>>) target_semaphore(%arg17 : memref<!tpu.dma_semaphore, #tpu.memory_space<semaphore_mem>>)
    %dma_wait3A_394 = arith.constant 0 : i32
    %dma_wait3A_395 = tpu.memref_slice %arg4[%add3A_349, %dma_wait3A_394] : memref<16384x1024xf32, #tpu.memory_space<hbm>> -> memref<16x1024xf32, #tpu.memory_space<hbm>>
    %dma_wait3A_396 = arith.constant 0 : i32
    %dma_wait3A_397 = tpu.memref_slice %arg4[%add3A_349, %dma_wait3A_396] : memref<16384x1024xf32, #tpu.memory_space<hbm>> -> memref<16x1024xf32, #tpu.memory_space<hbm>>
    tpu.wait_dma2 semaphore(%arg15 : memref<!tpu.dma_semaphore, #tpu.memory_space<semaphore_mem>>) src(%arg7 : memref<16x1024xf32, #tpu.memory_space<vmem>>) dst(%dma_wait3A_397 : memref<16x1024xf32, #tpu.memory_space<hbm>>)
    %dma_start3A_398 = arith.constant 336 : i32
    %dma_start3A_399 = tpu.memref_slice %arg5[%dma_start3A_398] : memref<512xi32, #tpu.memory_space<vmem>> -> memref<16xi32, #tpu.memory_space<vmem>>
    %dma_start3A_400 = arith.constant 0 : i32
    %dma_start3A_401 = arith.constant 0 : i32
    %dma_start3A_402 = tpu.memref_slice %arg2[%dma_start3A_400, %dma_start3A_401] : memref<1000x1024xf32, #tpu.memory_space<hbm>> -> memref<1000x1024xf32, #tpu.memory_space<hbm>>
    tpu.enqueue_indirect_dma source(%dma_start3A_402 : memref<1000x1024xf32, #tpu.memory_space<hbm>>) target(%arg7 : memref<16x1024xf32, #tpu.memory_space<vmem>>) offsets(%dma_start3A_399 : memref<16xi32, #tpu.memory_space<vmem>>) semaphore(%arg11 : memref<!tpu.dma_semaphore, #tpu.memory_space<semaphore_mem>>)
    %dma_wait3A_403 = arith.constant 320 : i32
    %dma_wait3A_404 = tpu.memref_slice %arg5[%dma_wait3A_403] : memref<512xi32, #tpu.memory_space<vmem>> -> memref<16xi32, #tpu.memory_space<vmem>>
    %dma_wait3A_405 = arith.constant 0 : i32
    %dma_wait3A_406 = arith.constant 0 : i32
    %dma_wait3A_407 = tpu.memref_slice %arg2[%dma_wait3A_405, %dma_wait3A_406] : memref<1000x1024xf32, #tpu.memory_space<hbm>> -> memref<1000x1024xf32, #tpu.memory_space<hbm>>
    tpu.wait_indirect_dma semaphore(%arg10 : memref<!tpu.dma_semaphore, #tpu.memory_space<semaphore_mem>>) src(%dma_wait3A_407 : memref<1000x1024xf32, #tpu.memory_space<hbm>>) dst(%arg6 : memref<16x1024xf32, #tpu.memory_space<vmem>>)
    %add3A_408 = arith.constant 320 : i32
    %add3A_409 = arith.addi %mul3A_2, %add3A_408 : i32
    %dma_start3A_410 = arith.constant 0 : i32
    %dma_start3A_411 = tpu.memref_slice %arg4[%add3A_409, %dma_start3A_410] : memref<16384x1024xf32, #tpu.memory_space<hbm>> -> memref<16x1024xf32, #tpu.memory_space<hbm>>
    %dma_start3A_412 = arith.constant 0 : i32
    %dma_start3A_413 = tpu.memref_slice %arg4[%add3A_409, %dma_start3A_412] : memref<16384x1024xf32, #tpu.memory_space<hbm>> -> memref<16x1024xf32, #tpu.memory_space<hbm>>
    tpu.enqueue_dma source(%arg6 : memref<16x1024xf32, #tpu.memory_space<vmem>>) target(%dma_start3A_413 : memref<16x1024xf32, #tpu.memory_space<hbm>>) target_semaphore(%arg14 : memref<!tpu.dma_semaphore, #tpu.memory_space<semaphore_mem>>)
    %dma_wait3A_414 = arith.constant 0 : i32
    %dma_wait3A_415 = tpu.memref_slice %arg4[%add3A_369, %dma_wait3A_414] : memref<16384x1024xf32, #tpu.memory_space<hbm>> -> memref<16x1024xf32, #tpu.memory_space<hbm>>
    %dma_wait3A_416 = arith.constant 0 : i32
    %dma_wait3A_417 = tpu.memref_slice %arg4[%add3A_369, %dma_wait3A_416] : memref<16384x1024xf32, #tpu.memory_space<hbm>> -> memref<16x1024xf32, #tpu.memory_space<hbm>>
    tpu.wait_dma2 semaphore(%arg16 : memref<!tpu.dma_semaphore, #tpu.memory_space<semaphore_mem>>) src(%arg8 : memref<16x1024xf32, #tpu.memory_space<vmem>>) dst(%dma_wait3A_417 : memref<16x1024xf32, #tpu.memory_space<hbm>>)
    %dma_start3A_418 = arith.constant 352 : i32
    %dma_start3A_419 = tpu.memref_slice %arg5[%dma_start3A_418] : memref<512xi32, #tpu.memory_space<vmem>> -> memref<16xi32, #tpu.memory_space<vmem>>
    %dma_start3A_420 = arith.constant 0 : i32
    %dma_start3A_421 = arith.constant 0 : i32
    %dma_start3A_422 = tpu.memref_slice %arg2[%dma_start3A_420, %dma_start3A_421] : memref<1000x1024xf32, #tpu.memory_space<hbm>> -> memref<1000x1024xf32, #tpu.memory_space<hbm>>
    tpu.enqueue_indirect_dma source(%dma_start3A_422 : memref<1000x1024xf32, #tpu.memory_space<hbm>>) target(%arg8 : memref<16x1024xf32, #tpu.memory_space<vmem>>) offsets(%dma_start3A_419 : memref<16xi32, #tpu.memory_space<vmem>>) semaphore(%arg12 : memref<!tpu.dma_semaphore, #tpu.memory_space<semaphore_mem>>)
    %dma_wait3A_423 = arith.constant 336 : i32
    %dma_wait3A_424 = tpu.memref_slice %arg5[%dma_wait3A_423] : memref<512xi32, #tpu.memory_space<vmem>> -> memref<16xi32, #tpu.memory_space<vmem>>
    %dma_wait3A_425 = arith.constant 0 : i32
    %dma_wait3A_426 = arith.constant 0 : i32
    %dma_wait3A_427 = tpu.memref_slice %arg2[%dma_wait3A_425, %dma_wait3A_426] : memref<1000x1024xf32, #tpu.memory_space<hbm>> -> memref<1000x1024xf32, #tpu.memory_space<hbm>>
    tpu.wait_indirect_dma semaphore(%arg11 : memref<!tpu.dma_semaphore, #tpu.memory_space<semaphore_mem>>) src(%dma_wait3A_427 : memref<1000x1024xf32, #tpu.memory_space<hbm>>) dst(%arg7 : memref<16x1024xf32, #tpu.memory_space<vmem>>)
    %add3A_428 = arith.constant 336 : i32
    %add3A_429 = arith.addi %mul3A_2, %add3A_428 : i32
    %dma_start3A_430 = arith.constant 0 : i32
    %dma_start3A_431 = tpu.memref_slice %arg4[%add3A_429, %dma_start3A_430] : memref<16384x1024xf32, #tpu.memory_space<hbm>> -> memref<16x1024xf32, #tpu.memory_space<hbm>>
    %dma_start3A_432 = arith.constant 0 : i32
    %dma_start3A_433 = tpu.memref_slice %arg4[%add3A_429, %dma_start3A_432] : memref<16384x1024xf32, #tpu.memory_space<hbm>> -> memref<16x1024xf32, #tpu.memory_space<hbm>>
    tpu.enqueue_dma source(%arg7 : memref<16x1024xf32, #tpu.memory_space<vmem>>) target(%dma_start3A_433 : memref<16x1024xf32, #tpu.memory_space<hbm>>) target_semaphore(%arg15 : memref<!tpu.dma_semaphore, #tpu.memory_space<semaphore_mem>>)
    %dma_wait3A_434 = arith.constant 0 : i32
    %dma_wait3A_435 = tpu.memref_slice %arg4[%add3A_389, %dma_wait3A_434] : memref<16384x1024xf32, #tpu.memory_space<hbm>> -> memref<16x1024xf32, #tpu.memory_space<hbm>>
    %dma_wait3A_436 = arith.constant 0 : i32
    %dma_wait3A_437 = tpu.memref_slice %arg4[%add3A_389, %dma_wait3A_436] : memref<16384x1024xf32, #tpu.memory_space<hbm>> -> memref<16x1024xf32, #tpu.memory_space<hbm>>
    tpu.wait_dma2 semaphore(%arg17 : memref<!tpu.dma_semaphore, #tpu.memory_space<semaphore_mem>>) src(%arg9 : memref<16x1024xf32, #tpu.memory_space<vmem>>) dst(%dma_wait3A_437 : memref<16x1024xf32, #tpu.memory_space<hbm>>)
    %dma_start3A_438 = arith.constant 368 : i32
    %dma_start3A_439 = tpu.memref_slice %arg5[%dma_start3A_438] : memref<512xi32, #tpu.memory_space<vmem>> -> memref<16xi32, #tpu.memory_space<vmem>>
    %dma_start3A_440 = arith.constant 0 : i32
    %dma_start3A_441 = arith.constant 0 : i32
    %dma_start3A_442 = tpu.memref_slice %arg2[%dma_start3A_440, %dma_start3A_441] : memref<1000x1024xf32, #tpu.memory_space<hbm>> -> memref<1000x1024xf32, #tpu.memory_space<hbm>>
    tpu.enqueue_indirect_dma source(%dma_start3A_442 : memref<1000x1024xf32, #tpu.memory_space<hbm>>) target(%arg9 : memref<16x1024xf32, #tpu.memory_space<vmem>>) offsets(%dma_start3A_439 : memref<16xi32, #tpu.memory_space<vmem>>) semaphore(%arg13 : memref<!tpu.dma_semaphore, #tpu.memory_space<semaphore_mem>>)
    %dma_wait3A_443 = arith.constant 352 : i32
    %dma_wait3A_444 = tpu.memref_slice %arg5[%dma_wait3A_443] : memref<512xi32, #tpu.memory_space<vmem>> -> memref<16xi32, #tpu.memory_space<vmem>>
    %dma_wait3A_445 = arith.constant 0 : i32
    %dma_wait3A_446 = arith.constant 0 : i32
    %dma_wait3A_447 = tpu.memref_slice %arg2[%dma_wait3A_445, %dma_wait3A_446] : memref<1000x1024xf32, #tpu.memory_space<hbm>> -> memref<1000x1024xf32, #tpu.memory_space<hbm>>
    tpu.wait_indirect_dma semaphore(%arg12 : memref<!tpu.dma_semaphore, #tpu.memory_space<semaphore_mem>>) src(%dma_wait3A_447 : memref<1000x1024xf32, #tpu.memory_space<hbm>>) dst(%arg8 : memref<16x1024xf32, #tpu.memory_space<vmem>>)
    %add3A_448 = arith.constant 352 : i32
    %add3A_449 = arith.addi %mul3A_2, %add3A_448 : i32
    %dma_start3A_450 = arith.constant 0 : i32
    %dma_start3A_451 = tpu.memref_slice %arg4[%add3A_449, %dma_start3A_450] : memref<16384x1024xf32, #tpu.memory_space<hbm>> -> memref<16x1024xf32, #tpu.memory_space<hbm>>
    %dma_start3A_452 = arith.constant 0 : i32
    %dma_start3A_453 = tpu.memref_slice %arg4[%add3A_449, %dma_start3A_452] : memref<16384x1024xf32, #tpu.memory_space<hbm>> -> memref<16x1024xf32, #tpu.memory_space<hbm>>
    tpu.enqueue_dma source(%arg8 : memref<16x1024xf32, #tpu.memory_space<vmem>>) target(%dma_start3A_453 : memref<16x1024xf32, #tpu.memory_space<hbm>>) target_semaphore(%arg16 : memref<!tpu.dma_semaphore, #tpu.memory_space<semaphore_mem>>)
    %dma_wait3A_454 = arith.constant 0 : i32
    %dma_wait3A_455 = tpu.memref_slice %arg4[%add3A_409, %dma_wait3A_454] : memref<16384x1024xf32, #tpu.memory_space<hbm>> -> memref<16x1024xf32, #tpu.memory_space<hbm>>
    %dma_wait3A_456 = arith.constant 0 : i32
    %dma_wait3A_457 = tpu.memref_slice %arg4[%add3A_409, %dma_wait3A_456] : memref<16384x1024xf32, #tpu.memory_space<hbm>> -> memref<16x1024xf32, #tpu.memory_space<hbm>>
    tpu.wait_dma2 semaphore(%arg14 : memref<!tpu.dma_semaphore, #tpu.memory_space<semaphore_mem>>) src(%arg6 : memref<16x1024xf32, #tpu.memory_space<vmem>>) dst(%dma_wait3A_457 : memref<16x1024xf32, #tpu.memory_space<hbm>>)
    %dma_start3A_458 = arith.constant 384 : i32
    %dma_start3A_459 = tpu.memref_slice %arg5[%dma_start3A_458] : memref<512xi32, #tpu.memory_space<vmem>> -> memref<16xi32, #tpu.memory_space<vmem>>
    %dma_start3A_460 = arith.constant 0 : i32
    %dma_start3A_461 = arith.constant 0 : i32
    %dma_start3A_462 = tpu.memref_slice %arg2[%dma_start3A_460, %dma_start3A_461] : memref<1000x1024xf32, #tpu.memory_space<hbm>> -> memref<1000x1024xf32, #tpu.memory_space<hbm>>
    tpu.enqueue_indirect_dma source(%dma_start3A_462 : memref<1000x1024xf32, #tpu.memory_space<hbm>>) target(%arg6 : memref<16x1024xf32, #tpu.memory_space<vmem>>) offsets(%dma_start3A_459 : memref<16xi32, #tpu.memory_space<vmem>>) semaphore(%arg10 : memref<!tpu.dma_semaphore, #tpu.memory_space<semaphore_mem>>)
    %dma_wait3A_463 = arith.constant 368 : i32
    %dma_wait3A_464 = tpu.memref_slice %arg5[%dma_wait3A_463] : memref<512xi32, #tpu.memory_space<vmem>> -> memref<16xi32, #tpu.memory_space<vmem>>
    %dma_wait3A_465 = arith.constant 0 : i32
    %dma_wait3A_466 = arith.constant 0 : i32
    %dma_wait3A_467 = tpu.memref_slice %arg2[%dma_wait3A_465, %dma_wait3A_466] : memref<1000x1024xf32, #tpu.memory_space<hbm>> -> memref<1000x1024xf32, #tpu.memory_space<hbm>>
    tpu.wait_indirect_dma semaphore(%arg13 : memref<!tpu.dma_semaphore, #tpu.memory_space<semaphore_mem>>) src(%dma_wait3A_467 : memref<1000x1024xf32, #tpu.memory_space<hbm>>) dst(%arg9 : memref<16x1024xf32, #tpu.memory_space<vmem>>)
    %add3A_468 = arith.constant 368 : i32
    %add3A_469 = arith.addi %mul3A_2, %add3A_468 : i32
    %dma_start3A_470 = arith.constant 0 : i32
    %dma_start3A_471 = tpu.memref_slice %arg4[%add3A_469, %dma_start3A_470] : memref<16384x1024xf32, #tpu.memory_space<hbm>> -> memref<16x1024xf32, #tpu.memory_space<hbm>>
    %dma_start3A_472 = arith.constant 0 : i32
    %dma_start3A_473 = tpu.memref_slice %arg4[%add3A_469, %dma_start3A_472] : memref<16384x1024xf32, #tpu.memory_space<hbm>> -> memref<16x1024xf32, #tpu.memory_space<hbm>>
    tpu.enqueue_dma source(%arg9 : memref<16x1024xf32, #tpu.memory_space<vmem>>) target(%dma_start3A_473 : memref<16x1024xf32, #tpu.memory_space<hbm>>) target_semaphore(%arg17 : memref<!tpu.dma_semaphore, #tpu.memory_space<semaphore_mem>>)
    %dma_wait3A_474 = arith.constant 0 : i32
    %dma_wait3A_475 = tpu.memref_slice %arg4[%add3A_429, %dma_wait3A_474] : memref<16384x1024xf32, #tpu.memory_space<hbm>> -> memref<16x1024xf32, #tpu.memory_space<hbm>>
    %dma_wait3A_476 = arith.constant 0 : i32
    %dma_wait3A_477 = tpu.memref_slice %arg4[%add3A_429, %dma_wait3A_476] : memref<16384x1024xf32, #tpu.memory_space<hbm>> -> memref<16x1024xf32, #tpu.memory_space<hbm>>
    tpu.wait_dma2 semaphore(%arg15 : memref<!tpu.dma_semaphore, #tpu.memory_space<semaphore_mem>>) src(%arg7 : memref<16x1024xf32, #tpu.memory_space<vmem>>) dst(%dma_wait3A_477 : memref<16x1024xf32, #tpu.memory_space<hbm>>)
    %dma_start3A_478 = arith.constant 400 : i32
    %dma_start3A_479 = tpu.memref_slice %arg5[%dma_start3A_478] : memref<512xi32, #tpu.memory_space<vmem>> -> memref<16xi32, #tpu.memory_space<vmem>>
    %dma_start3A_480 = arith.constant 0 : i32
    %dma_start3A_481 = arith.constant 0 : i32
    %dma_start3A_482 = tpu.memref_slice %arg2[%dma_start3A_480, %dma_start3A_481] : memref<1000x1024xf32, #tpu.memory_space<hbm>> -> memref<1000x1024xf32, #tpu.memory_space<hbm>>
    tpu.enqueue_indirect_dma source(%dma_start3A_482 : memref<1000x1024xf32, #tpu.memory_space<hbm>>) target(%arg7 : memref<16x1024xf32, #tpu.memory_space<vmem>>) offsets(%dma_start3A_479 : memref<16xi32, #tpu.memory_space<vmem>>) semaphore(%arg11 : memref<!tpu.dma_semaphore, #tpu.memory_space<semaphore_mem>>)
    %dma_wait3A_483 = arith.constant 384 : i32
    %dma_wait3A_484 = tpu.memref_slice %arg5[%dma_wait3A_483] : memref<512xi32, #tpu.memory_space<vmem>> -> memref<16xi32, #tpu.memory_space<vmem>>
    %dma_wait3A_485 = arith.constant 0 : i32
    %dma_wait3A_486 = arith.constant 0 : i32
    %dma_wait3A_487 = tpu.memref_slice %arg2[%dma_wait3A_485, %dma_wait3A_486] : memref<1000x1024xf32, #tpu.memory_space<hbm>> -> memref<1000x1024xf32, #tpu.memory_space<hbm>>
    tpu.wait_indirect_dma semaphore(%arg10 : memref<!tpu.dma_semaphore, #tpu.memory_space<semaphore_mem>>) src(%dma_wait3A_487 : memref<1000x1024xf32, #tpu.memory_space<hbm>>) dst(%arg6 : memref<16x1024xf32, #tpu.memory_space<vmem>>)
    %add3A_488 = arith.constant 384 : i32
    %add3A_489 = arith.addi %mul3A_2, %add3A_488 : i32
    %dma_start3A_490 = arith.constant 0 : i32
    %dma_start3A_491 = tpu.memref_slice %arg4[%add3A_489, %dma_start3A_490] : memref<16384x1024xf32, #tpu.memory_space<hbm>> -> memref<16x1024xf32, #tpu.memory_space<hbm>>
    %dma_start3A_492 = arith.constant 0 : i32
    %dma_start3A_493 = tpu.memref_slice %arg4[%add3A_489, %dma_start3A_492] : memref<16384x1024xf32, #tpu.memory_space<hbm>> -> memref<16x1024xf32, #tpu.memory_space<hbm>>
    tpu.enqueue_dma source(%arg6 : memref<16x1024xf32, #tpu.memory_space<vmem>>) target(%dma_start3A_493 : memref<16x1024xf32, #tpu.memory_space<hbm>>) target_semaphore(%arg14 : memref<!tpu.dma_semaphore, #tpu.memory_space<semaphore_mem>>)
    %dma_wait3A_494 = arith.constant 0 : i32
    %dma_wait3A_495 = tpu.memref_slice %arg4[%add3A_449, %dma_wait3A_494] : memref<16384x1024xf32, #tpu.memory_space<hbm>> -> memref<16x1024xf32, #tpu.memory_space<hbm>>
    %dma_wait3A_496 = arith.constant 0 : i32
    %dma_wait3A_497 = tpu.memref_slice %arg4[%add3A_449, %dma_wait3A_496] : memref<16384x1024xf32, #tpu.memory_space<hbm>> -> memref<16x1024xf32, #tpu.memory_space<hbm>>
    tpu.wait_dma2 semaphore(%arg16 : memref<!tpu.dma_semaphore, #tpu.memory_space<semaphore_mem>>) src(%arg8 : memref<16x1024xf32, #tpu.memory_space<vmem>>) dst(%dma_wait3A_497 : memref<16x1024xf32, #tpu.memory_space<hbm>>)
    %dma_start3A_498 = arith.constant 416 : i32
    %dma_start3A_499 = tpu.memref_slice %arg5[%dma_start3A_498] : memref<512xi32, #tpu.memory_space<vmem>> -> memref<16xi32, #tpu.memory_space<vmem>>
    %dma_start3A_500 = arith.constant 0 : i32
    %dma_start3A_501 = arith.constant 0 : i32
    %dma_start3A_502 = tpu.memref_slice %arg2[%dma_start3A_500, %dma_start3A_501] : memref<1000x1024xf32, #tpu.memory_space<hbm>> -> memref<1000x1024xf32, #tpu.memory_space<hbm>>
    tpu.enqueue_indirect_dma source(%dma_start3A_502 : memref<1000x1024xf32, #tpu.memory_space<hbm>>) target(%arg8 : memref<16x1024xf32, #tpu.memory_space<vmem>>) offsets(%dma_start3A_499 : memref<16xi32, #tpu.memory_space<vmem>>) semaphore(%arg12 : memref<!tpu.dma_semaphore, #tpu.memory_space<semaphore_mem>>)
    %dma_wait3A_503 = arith.constant 400 : i32
    %dma_wait3A_504 = tpu.memref_slice %arg5[%dma_wait3A_503] : memref<512xi32, #tpu.memory_space<vmem>> -> memref<16xi32, #tpu.memory_space<vmem>>
    %dma_wait3A_505 = arith.constant 0 : i32
    %dma_wait3A_506 = arith.constant 0 : i32
    %dma_wait3A_507 = tpu.memref_slice %arg2[%dma_wait3A_505, %dma_wait3A_506] : memref<1000x1024xf32, #tpu.memory_space<hbm>> -> memref<1000x1024xf32, #tpu.memory_space<hbm>>
    tpu.wait_indirect_dma semaphore(%arg11 : memref<!tpu.dma_semaphore, #tpu.memory_space<semaphore_mem>>) src(%dma_wait3A_507 : memref<1000x1024xf32, #tpu.memory_space<hbm>>) dst(%arg7 : memref<16x1024xf32, #tpu.memory_space<vmem>>)
    %add3A_508 = arith.constant 400 : i32
    %add3A_509 = arith.addi %mul3A_2, %add3A_508 : i32
    %dma_start3A_510 = arith.constant 0 : i32
    %dma_start3A_511 = tpu.memref_slice %arg4[%add3A_509, %dma_start3A_510] : memref<16384x1024xf32, #tpu.memory_space<hbm>> -> memref<16x1024xf32, #tpu.memory_space<hbm>>
    %dma_start3A_512 = arith.constant 0 : i32
    %dma_start3A_513 = tpu.memref_slice %arg4[%add3A_509, %dma_start3A_512] : memref<16384x1024xf32, #tpu.memory_space<hbm>> -> memref<16x1024xf32, #tpu.memory_space<hbm>>
    tpu.enqueue_dma source(%arg7 : memref<16x1024xf32, #tpu.memory_space<vmem>>) target(%dma_start3A_513 : memref<16x1024xf32, #tpu.memory_space<hbm>>) target_semaphore(%arg15 : memref<!tpu.dma_semaphore, #tpu.memory_space<semaphore_mem>>)
    %dma_wait3A_514 = arith.constant 0 : i32
    %dma_wait3A_515 = tpu.memref_slice %arg4[%add3A_469, %dma_wait3A_514] : memref<16384x1024xf32, #tpu.memory_space<hbm>> -> memref<16x1024xf32, #tpu.memory_space<hbm>>
    %dma_wait3A_516 = arith.constant 0 : i32
    %dma_wait3A_517 = tpu.memref_slice %arg4[%add3A_469, %dma_wait3A_516] : memref<16384x1024xf32, #tpu.memory_space<hbm>> -> memref<16x1024xf32, #tpu.memory_space<hbm>>
    tpu.wait_dma2 semaphore(%arg17 : memref<!tpu.dma_semaphore, #tpu.memory_space<semaphore_mem>>) src(%arg9 : memref<16x1024xf32, #tpu.memory_space<vmem>>) dst(%dma_wait3A_517 : memref<16x1024xf32, #tpu.memory_space<hbm>>)
    %dma_start3A_518 = arith.constant 432 : i32
    %dma_start3A_519 = tpu.memref_slice %arg5[%dma_start3A_518] : memref<512xi32, #tpu.memory_space<vmem>> -> memref<16xi32, #tpu.memory_space<vmem>>
    %dma_start3A_520 = arith.constant 0 : i32
    %dma_start3A_521 = arith.constant 0 : i32
    %dma_start3A_522 = tpu.memref_slice %arg2[%dma_start3A_520, %dma_start3A_521] : memref<1000x1024xf32, #tpu.memory_space<hbm>> -> memref<1000x1024xf32, #tpu.memory_space<hbm>>
    tpu.enqueue_indirect_dma source(%dma_start3A_522 : memref<1000x1024xf32, #tpu.memory_space<hbm>>) target(%arg9 : memref<16x1024xf32, #tpu.memory_space<vmem>>) offsets(%dma_start3A_519 : memref<16xi32, #tpu.memory_space<vmem>>) semaphore(%arg13 : memref<!tpu.dma_semaphore, #tpu.memory_space<semaphore_mem>>)
    %dma_wait3A_523 = arith.constant 416 : i32
    %dma_wait3A_524 = tpu.memref_slice %arg5[%dma_wait3A_523] : memref<512xi32, #tpu.memory_space<vmem>> -> memref<16xi32, #tpu.memory_space<vmem>>
    %dma_wait3A_525 = arith.constant 0 : i32
    %dma_wait3A_526 = arith.constant 0 : i32
    %dma_wait3A_527 = tpu.memref_slice %arg2[%dma_wait3A_525, %dma_wait3A_526] : memref<1000x1024xf32, #tpu.memory_space<hbm>> -> memref<1000x1024xf32, #tpu.memory_space<hbm>>
    tpu.wait_indirect_dma semaphore(%arg12 : memref<!tpu.dma_semaphore, #tpu.memory_space<semaphore_mem>>) src(%dma_wait3A_527 : memref<1000x1024xf32, #tpu.memory_space<hbm>>) dst(%arg8 : memref<16x1024xf32, #tpu.memory_space<vmem>>)
    %add3A_528 = arith.constant 416 : i32
    %add3A_529 = arith.addi %mul3A_2, %add3A_528 : i32
    %dma_start3A_530 = arith.constant 0 : i32
    %dma_start3A_531 = tpu.memref_slice %arg4[%add3A_529, %dma_start3A_530] : memref<16384x1024xf32, #tpu.memory_space<hbm>> -> memref<16x1024xf32, #tpu.memory_space<hbm>>
    %dma_start3A_532 = arith.constant 0 : i32
    %dma_start3A_533 = tpu.memref_slice %arg4[%add3A_529, %dma_start3A_532] : memref<16384x1024xf32, #tpu.memory_space<hbm>> -> memref<16x1024xf32, #tpu.memory_space<hbm>>
    tpu.enqueue_dma source(%arg8 : memref<16x1024xf32, #tpu.memory_space<vmem>>) target(%dma_start3A_533 : memref<16x1024xf32, #tpu.memory_space<hbm>>) target_semaphore(%arg16 : memref<!tpu.dma_semaphore, #tpu.memory_space<semaphore_mem>>)
    %dma_wait3A_534 = arith.constant 0 : i32
    %dma_wait3A_535 = tpu.memref_slice %arg4[%add3A_489, %dma_wait3A_534] : memref<16384x1024xf32, #tpu.memory_space<hbm>> -> memref<16x1024xf32, #tpu.memory_space<hbm>>
    %dma_wait3A_536 = arith.constant 0 : i32
    %dma_wait3A_537 = tpu.memref_slice %arg4[%add3A_489, %dma_wait3A_536] : memref<16384x1024xf32, #tpu.memory_space<hbm>> -> memref<16x1024xf32, #tpu.memory_space<hbm>>
    tpu.wait_dma2 semaphore(%arg14 : memref<!tpu.dma_semaphore, #tpu.memory_space<semaphore_mem>>) src(%arg6 : memref<16x1024xf32, #tpu.memory_space<vmem>>) dst(%dma_wait3A_537 : memref<16x1024xf32, #tpu.memory_space<hbm>>)
    %dma_start3A_538 = arith.constant 448 : i32
    %dma_start3A_539 = tpu.memref_slice %arg5[%dma_start3A_538] : memref<512xi32, #tpu.memory_space<vmem>> -> memref<16xi32, #tpu.memory_space<vmem>>
    %dma_start3A_540 = arith.constant 0 : i32
    %dma_start3A_541 = arith.constant 0 : i32
    %dma_start3A_542 = tpu.memref_slice %arg2[%dma_start3A_540, %dma_start3A_541] : memref<1000x1024xf32, #tpu.memory_space<hbm>> -> memref<1000x1024xf32, #tpu.memory_space<hbm>>
    tpu.enqueue_indirect_dma source(%dma_start3A_542 : memref<1000x1024xf32, #tpu.memory_space<hbm>>) target(%arg6 : memref<16x1024xf32, #tpu.memory_space<vmem>>) offsets(%dma_start3A_539 : memref<16xi32, #tpu.memory_space<vmem>>) semaphore(%arg10 : memref<!tpu.dma_semaphore, #tpu.memory_space<semaphore_mem>>)
    %dma_wait3A_543 = arith.constant 432 : i32
    %dma_wait3A_544 = tpu.memref_slice %arg5[%dma_wait3A_543] : memref<512xi32, #tpu.memory_space<vmem>> -> memref<16xi32, #tpu.memory_space<vmem>>
    %dma_wait3A_545 = arith.constant 0 : i32
    %dma_wait3A_546 = arith.constant 0 : i32
    %dma_wait3A_547 = tpu.memref_slice %arg2[%dma_wait3A_545, %dma_wait3A_546] : memref<1000x1024xf32, #tpu.memory_space<hbm>> -> memref<1000x1024xf32, #tpu.memory_space<hbm>>
    tpu.wait_indirect_dma semaphore(%arg13 : memref<!tpu.dma_semaphore, #tpu.memory_space<semaphore_mem>>) src(%dma_wait3A_547 : memref<1000x1024xf32, #tpu.memory_space<hbm>>) dst(%arg9 : memref<16x1024xf32, #tpu.memory_space<vmem>>)
    %add3A_548 = arith.constant 432 : i32
    %add3A_549 = arith.addi %mul3A_2, %add3A_548 : i32
    %dma_start3A_550 = arith.constant 0 : i32
    %dma_start3A_551 = tpu.memref_slice %arg4[%add3A_549, %dma_start3A_550] : memref<16384x1024xf32, #tpu.memory_space<hbm>> -> memref<16x1024xf32, #tpu.memory_space<hbm>>
    %dma_start3A_552 = arith.constant 0 : i32
    %dma_start3A_553 = tpu.memref_slice %arg4[%add3A_549, %dma_start3A_552] : memref<16384x1024xf32, #tpu.memory_space<hbm>> -> memref<16x1024xf32, #tpu.memory_space<hbm>>
    tpu.enqueue_dma source(%arg9 : memref<16x1024xf32, #tpu.memory_space<vmem>>) target(%dma_start3A_553 : memref<16x1024xf32, #tpu.memory_space<hbm>>) target_semaphore(%arg17 : memref<!tpu.dma_semaphore, #tpu.memory_space<semaphore_mem>>)
    %dma_wait3A_554 = arith.constant 0 : i32
    %dma_wait3A_555 = tpu.memref_slice %arg4[%add3A_509, %dma_wait3A_554] : memref<16384x1024xf32, #tpu.memory_space<hbm>> -> memref<16x1024xf32, #tpu.memory_space<hbm>>
    %dma_wait3A_556 = arith.constant 0 : i32
    %dma_wait3A_557 = tpu.memref_slice %arg4[%add3A_509, %dma_wait3A_556] : memref<16384x1024xf32, #tpu.memory_space<hbm>> -> memref<16x1024xf32, #tpu.memory_space<hbm>>
    tpu.wait_dma2 semaphore(%arg15 : memref<!tpu.dma_semaphore, #tpu.memory_space<semaphore_mem>>) src(%arg7 : memref<16x1024xf32, #tpu.memory_space<vmem>>) dst(%dma_wait3A_557 : memref<16x1024xf32, #tpu.memory_space<hbm>>)
    %dma_start3A_558 = arith.constant 464 : i32
    %dma_start3A_559 = tpu.memref_slice %arg5[%dma_start3A_558] : memref<512xi32, #tpu.memory_space<vmem>> -> memref<16xi32, #tpu.memory_space<vmem>>
    %dma_start3A_560 = arith.constant 0 : i32
    %dma_start3A_561 = arith.constant 0 : i32
    %dma_start3A_562 = tpu.memref_slice %arg2[%dma_start3A_560, %dma_start3A_561] : memref<1000x1024xf32, #tpu.memory_space<hbm>> -> memref<1000x1024xf32, #tpu.memory_space<hbm>>
    tpu.enqueue_indirect_dma source(%dma_start3A_562 : memref<1000x1024xf32, #tpu.memory_space<hbm>>) target(%arg7 : memref<16x1024xf32, #tpu.memory_space<vmem>>) offsets(%dma_start3A_559 : memref<16xi32, #tpu.memory_space<vmem>>) semaphore(%arg11 : memref<!tpu.dma_semaphore, #tpu.memory_space<semaphore_mem>>)
    %dma_wait3A_563 = arith.constant 448 : i32
    %dma_wait3A_564 = tpu.memref_slice %arg5[%dma_wait3A_563] : memref<512xi32, #tpu.memory_space<vmem>> -> memref<16xi32, #tpu.memory_space<vmem>>
    %dma_wait3A_565 = arith.constant 0 : i32
    %dma_wait3A_566 = arith.constant 0 : i32
    %dma_wait3A_567 = tpu.memref_slice %arg2[%dma_wait3A_565, %dma_wait3A_566] : memref<1000x1024xf32, #tpu.memory_space<hbm>> -> memref<1000x1024xf32, #tpu.memory_space<hbm>>
    tpu.wait_indirect_dma semaphore(%arg10 : memref<!tpu.dma_semaphore, #tpu.memory_space<semaphore_mem>>) src(%dma_wait3A_567 : memref<1000x1024xf32, #tpu.memory_space<hbm>>) dst(%arg6 : memref<16x1024xf32, #tpu.memory_space<vmem>>)
    %add3A_568 = arith.constant 448 : i32
    %add3A_569 = arith.addi %mul3A_2, %add3A_568 : i32
    %dma_start3A_570 = arith.constant 0 : i32
    %dma_start3A_571 = tpu.memref_slice %arg4[%add3A_569, %dma_start3A_570] : memref<16384x1024xf32, #tpu.memory_space<hbm>> -> memref<16x1024xf32, #tpu.memory_space<hbm>>
    %dma_start3A_572 = arith.constant 0 : i32
    %dma_start3A_573 = tpu.memref_slice %arg4[%add3A_569, %dma_start3A_572] : memref<16384x1024xf32, #tpu.memory_space<hbm>> -> memref<16x1024xf32, #tpu.memory_space<hbm>>
    tpu.enqueue_dma source(%arg6 : memref<16x1024xf32, #tpu.memory_space<vmem>>) target(%dma_start3A_573 : memref<16x1024xf32, #tpu.memory_space<hbm>>) target_semaphore(%arg14 : memref<!tpu.dma_semaphore, #tpu.memory_space<semaphore_mem>>)
    %dma_wait3A_574 = arith.constant 0 : i32
    %dma_wait3A_575 = tpu.memref_slice %arg4[%add3A_529, %dma_wait3A_574] : memref<16384x1024xf32, #tpu.memory_space<hbm>> -> memref<16x1024xf32, #tpu.memory_space<hbm>>
    %dma_wait3A_576 = arith.constant 0 : i32
    %dma_wait3A_577 = tpu.memref_slice %arg4[%add3A_529, %dma_wait3A_576] : memref<16384x1024xf32, #tpu.memory_space<hbm>> -> memref<16x1024xf32, #tpu.memory_space<hbm>>
    tpu.wait_dma2 semaphore(%arg16 : memref<!tpu.dma_semaphore, #tpu.memory_space<semaphore_mem>>) src(%arg8 : memref<16x1024xf32, #tpu.memory_space<vmem>>) dst(%dma_wait3A_577 : memref<16x1024xf32, #tpu.memory_space<hbm>>)
    %dma_start3A_578 = arith.constant 480 : i32
    %dma_start3A_579 = tpu.memref_slice %arg5[%dma_start3A_578] : memref<512xi32, #tpu.memory_space<vmem>> -> memref<16xi32, #tpu.memory_space<vmem>>
    %dma_start3A_580 = arith.constant 0 : i32
    %dma_start3A_581 = arith.constant 0 : i32
    %dma_start3A_582 = tpu.memref_slice %arg2[%dma_start3A_580, %dma_start3A_581] : memref<1000x1024xf32, #tpu.memory_space<hbm>> -> memref<1000x1024xf32, #tpu.memory_space<hbm>>
    tpu.enqueue_indirect_dma source(%dma_start3A_582 : memref<1000x1024xf32, #tpu.memory_space<hbm>>) target(%arg8 : memref<16x1024xf32, #tpu.memory_space<vmem>>) offsets(%dma_start3A_579 : memref<16xi32, #tpu.memory_space<vmem>>) semaphore(%arg12 : memref<!tpu.dma_semaphore, #tpu.memory_space<semaphore_mem>>)
    %dma_wait3A_583 = arith.constant 464 : i32
    %dma_wait3A_584 = tpu.memref_slice %arg5[%dma_wait3A_583] : memref<512xi32, #tpu.memory_space<vmem>> -> memref<16xi32, #tpu.memory_space<vmem>>
    %dma_wait3A_585 = arith.constant 0 : i32
    %dma_wait3A_586 = arith.constant 0 : i32
    %dma_wait3A_587 = tpu.memref_slice %arg2[%dma_wait3A_585, %dma_wait3A_586] : memref<1000x1024xf32, #tpu.memory_space<hbm>> -> memref<1000x1024xf32, #tpu.memory_space<hbm>>
    tpu.wait_indirect_dma semaphore(%arg11 : memref<!tpu.dma_semaphore, #tpu.memory_space<semaphore_mem>>) src(%dma_wait3A_587 : memref<1000x1024xf32, #tpu.memory_space<hbm>>) dst(%arg7 : memref<16x1024xf32, #tpu.memory_space<vmem>>)
    %add3A_588 = arith.constant 464 : i32
    %add3A_589 = arith.addi %mul3A_2, %add3A_588 : i32
    %dma_start3A_590 = arith.constant 0 : i32
    %dma_start3A_591 = tpu.memref_slice %arg4[%add3A_589, %dma_start3A_590] : memref<16384x1024xf32, #tpu.memory_space<hbm>> -> memref<16x1024xf32, #tpu.memory_space<hbm>>
    %dma_start3A_592 = arith.constant 0 : i32
    %dma_start3A_593 = tpu.memref_slice %arg4[%add3A_589, %dma_start3A_592] : memref<16384x1024xf32, #tpu.memory_space<hbm>> -> memref<16x1024xf32, #tpu.memory_space<hbm>>
    tpu.enqueue_dma source(%arg7 : memref<16x1024xf32, #tpu.memory_space<vmem>>) target(%dma_start3A_593 : memref<16x1024xf32, #tpu.memory_space<hbm>>) target_semaphore(%arg15 : memref<!tpu.dma_semaphore, #tpu.memory_space<semaphore_mem>>)
    %dma_wait3A_594 = arith.constant 0 : i32
    %dma_wait3A_595 = tpu.memref_slice %arg4[%add3A_549, %dma_wait3A_594] : memref<16384x1024xf32, #tpu.memory_space<hbm>> -> memref<16x1024xf32, #tpu.memory_space<hbm>>
    %dma_wait3A_596 = arith.constant 0 : i32
    %dma_wait3A_597 = tpu.memref_slice %arg4[%add3A_549, %dma_wait3A_596] : memref<16384x1024xf32, #tpu.memory_space<hbm>> -> memref<16x1024xf32, #tpu.memory_space<hbm>>
    tpu.wait_dma2 semaphore(%arg17 : memref<!tpu.dma_semaphore, #tpu.memory_space<semaphore_mem>>) src(%arg9 : memref<16x1024xf32, #tpu.memory_space<vmem>>) dst(%dma_wait3A_597 : memref<16x1024xf32, #tpu.memory_space<hbm>>)
    %dma_start3A_598 = arith.constant 496 : i32
    %dma_start3A_599 = tpu.memref_slice %arg5[%dma_start3A_598] : memref<512xi32, #tpu.memory_space<vmem>> -> memref<16xi32, #tpu.memory_space<vmem>>
    %dma_start3A_600 = arith.constant 0 : i32
    %dma_start3A_601 = arith.constant 0 : i32
    %dma_start3A_602 = tpu.memref_slice %arg2[%dma_start3A_600, %dma_start3A_601] : memref<1000x1024xf32, #tpu.memory_space<hbm>> -> memref<1000x1024xf32, #tpu.memory_space<hbm>>
    tpu.enqueue_indirect_dma source(%dma_start3A_602 : memref<1000x1024xf32, #tpu.memory_space<hbm>>) target(%arg9 : memref<16x1024xf32, #tpu.memory_space<vmem>>) offsets(%dma_start3A_599 : memref<16xi32, #tpu.memory_space<vmem>>) semaphore(%arg13 : memref<!tpu.dma_semaphore, #tpu.memory_space<semaphore_mem>>)
    %dma_wait3A_603 = arith.constant 480 : i32
    %dma_wait3A_604 = tpu.memref_slice %arg5[%dma_wait3A_603] : memref<512xi32, #tpu.memory_space<vmem>> -> memref<16xi32, #tpu.memory_space<vmem>>
    %dma_wait3A_605 = arith.constant 0 : i32
    %dma_wait3A_606 = arith.constant 0 : i32
    %dma_wait3A_607 = tpu.memref_slice %arg2[%dma_wait3A_605, %dma_wait3A_606] : memref<1000x1024xf32, #tpu.memory_space<hbm>> -> memref<1000x1024xf32, #tpu.memory_space<hbm>>
    tpu.wait_indirect_dma semaphore(%arg12 : memref<!tpu.dma_semaphore, #tpu.memory_space<semaphore_mem>>) src(%dma_wait3A_607 : memref<1000x1024xf32, #tpu.memory_space<hbm>>) dst(%arg8 : memref<16x1024xf32, #tpu.memory_space<vmem>>)
    %add3A_608 = arith.constant 480 : i32
    %add3A_609 = arith.addi %mul3A_2, %add3A_608 : i32
    %dma_start3A_610 = arith.constant 0 : i32
    %dma_start3A_611 = tpu.memref_slice %arg4[%add3A_609, %dma_start3A_610] : memref<16384x1024xf32, #tpu.memory_space<hbm>> -> memref<16x1024xf32, #tpu.memory_space<hbm>>
    %dma_start3A_612 = arith.constant 0 : i32
    %dma_start3A_613 = tpu.memref_slice %arg4[%add3A_609, %dma_start3A_612] : memref<16384x1024xf32, #tpu.memory_space<hbm>> -> memref<16x1024xf32, #tpu.memory_space<hbm>>
    tpu.enqueue_dma source(%arg8 : memref<16x1024xf32, #tpu.memory_space<vmem>>) target(%dma_start3A_613 : memref<16x1024xf32, #tpu.memory_space<hbm>>) target_semaphore(%arg16 : memref<!tpu.dma_semaphore, #tpu.memory_space<semaphore_mem>>)
    %dma_wait3A_614 = arith.constant 496 : i32
    %dma_wait3A_615 = tpu.memref_slice %arg5[%dma_wait3A_614] : memref<512xi32, #tpu.memory_space<vmem>> -> memref<16xi32, #tpu.memory_space<vmem>>
    %dma_wait3A_616 = arith.constant 0 : i32
    %dma_wait3A_617 = arith.constant 0 : i32
    %dma_wait3A_618 = tpu.memref_slice %arg2[%dma_wait3A_616, %dma_wait3A_617] : memref<1000x1024xf32, #tpu.memory_space<hbm>> -> memref<1000x1024xf32, #tpu.memory_space<hbm>>
    tpu.wait_indirect_dma semaphore(%arg13 : memref<!tpu.dma_semaphore, #tpu.memory_space<semaphore_mem>>) src(%dma_wait3A_618 : memref<1000x1024xf32, #tpu.memory_space<hbm>>) dst(%arg9 : memref<16x1024xf32, #tpu.memory_space<vmem>>)
    %add3A_619 = arith.constant 496 : i32
    %add3A_620 = arith.addi %mul3A_2, %add3A_619 : i32
    %dma_start3A_621 = arith.constant 0 : i32
    %dma_start3A_622 = tpu.memref_slice %arg4[%add3A_620, %dma_start3A_621] : memref<16384x1024xf32, #tpu.memory_space<hbm>> -> memref<16x1024xf32, #tpu.memory_space<hbm>>
    %dma_start3A_623 = arith.constant 0 : i32
    %dma_start3A_624 = tpu.memref_slice %arg4[%add3A_620, %dma_start3A_623] : memref<16384x1024xf32, #tpu.memory_space<hbm>> -> memref<16x1024xf32, #tpu.memory_space<hbm>>
    tpu.enqueue_dma source(%arg9 : memref<16x1024xf32, #tpu.memory_space<vmem>>) target(%dma_start3A_624 : memref<16x1024xf32, #tpu.memory_space<hbm>>) target_semaphore(%arg17 : memref<!tpu.dma_semaphore, #tpu.memory_space<semaphore_mem>>)
    %dma_wait3A_625 = arith.constant 0 : i32
    %dma_wait3A_626 = tpu.memref_slice %arg4[%add3A_569, %dma_wait3A_625] : memref<16384x1024xf32, #tpu.memory_space<hbm>> -> memref<16x1024xf32, #tpu.memory_space<hbm>>
    %dma_wait3A_627 = arith.constant 0 : i32
    %dma_wait3A_628 = tpu.memref_slice %arg4[%add3A_569, %dma_wait3A_627] : memref<16384x1024xf32, #tpu.memory_space<hbm>> -> memref<16x1024xf32, #tpu.memory_space<hbm>>
    tpu.wait_dma2 semaphore(%arg14 : memref<!tpu.dma_semaphore, #tpu.memory_space<semaphore_mem>>) src(%arg6 : memref<16x1024xf32, #tpu.memory_space<vmem>>) dst(%dma_wait3A_628 : memref<16x1024xf32, #tpu.memory_space<hbm>>)
    %dma_wait3A_629 = arith.constant 0 : i32
    %dma_wait3A_630 = tpu.memref_slice %arg4[%add3A_589, %dma_wait3A_629] : memref<16384x1024xf32, #tpu.memory_space<hbm>> -> memref<16x1024xf32, #tpu.memory_space<hbm>>
    %dma_wait3A_631 = arith.constant 0 : i32
    %dma_wait3A_632 = tpu.memref_slice %arg4[%add3A_589, %dma_wait3A_631] : memref<16384x1024xf32, #tpu.memory_space<hbm>> -> memref<16x1024xf32, #tpu.memory_space<hbm>>
    tpu.wait_dma2 semaphore(%arg15 : memref<!tpu.dma_semaphore, #tpu.memory_space<semaphore_mem>>) src(%arg7 : memref<16x1024xf32, #tpu.memory_space<vmem>>) dst(%dma_wait3A_632 : memref<16x1024xf32, #tpu.memory_space<hbm>>)
    %dma_wait3A_633 = arith.constant 0 : i32
    %dma_wait3A_634 = tpu.memref_slice %arg4[%add3A_609, %dma_wait3A_633] : memref<16384x1024xf32, #tpu.memory_space<hbm>> -> memref<16x1024xf32, #tpu.memory_space<hbm>>
    %dma_wait3A_635 = arith.constant 0 : i32
    %dma_wait3A_636 = tpu.memref_slice %arg4[%add3A_609, %dma_wait3A_635] : memref<16384x1024xf32, #tpu.memory_space<hbm>> -> memref<16x1024xf32, #tpu.memory_space<hbm>>
    tpu.wait_dma2 semaphore(%arg16 : memref<!tpu.dma_semaphore, #tpu.memory_space<semaphore_mem>>) src(%arg8 : memref<16x1024xf32, #tpu.memory_space<vmem>>) dst(%dma_wait3A_636 : memref<16x1024xf32, #tpu.memory_space<hbm>>)
    %dma_wait3A_637 = arith.constant 0 : i32
    %dma_wait3A_638 = tpu.memref_slice %arg4[%add3A_620, %dma_wait3A_637] : memref<16384x1024xf32, #tpu.memory_space<hbm>> -> memref<16x1024xf32, #tpu.memory_space<hbm>>
    %dma_wait3A_639 = arith.constant 0 : i32
    %dma_wait3A_640 = tpu.memref_slice %arg4[%add3A_620, %dma_wait3A_639] : memref<16384x1024xf32, #tpu.memory_space<hbm>> -> memref<16x1024xf32, #tpu.memory_space<hbm>>
    tpu.wait_dma2 semaphore(%arg17 : memref<!tpu.dma_semaphore, #tpu.memory_space<semaphore_mem>>) src(%arg9 : memref<16x1024xf32, #tpu.memory_space<vmem>>) dst(%dma_wait3A_640 : memref<16x1024xf32, #tpu.memory_space<hbm>>)
    return
  }
}

module attributes {stable_mosaic.version = 14 : i64} {
  func.func @_sigmoid_pad_body(%arg0: memref<1000x1000xf32, #tpu.memory_space<vmem>>, %arg1: memref<1000x1024xf32, #tpu.memory_space<vmem>>) attributes {dimension_semantics = [], scalar_prefetch = 0 : i64, scratch_operands = 0 : i64, tpu.core_type = #tpu.core_type<tc>} {
    %get3A = arith.constant 0 : index
    %get3A_0 = arith.constant 0 : index
    %get3A_1 = vector.load %arg0[%get3A, %get3A_0] : memref<1000x1000xf32, #tpu.memory_space<vmem>>, vector<1000x1000xf32>
    %logistic3A = arith.negf %get3A_1 : vector<1000x1000xf32>
    %logistic3A_2 = math.exp %logistic3A : vector<1000x1000xf32>
    %logistic3A_3 = arith.constant 1.000000e+00 : f32
    %logistic3A_4 = vector.broadcast %logistic3A_3 : f32 to vector<1000x1000xf32>
    %logistic3A_5 = arith.addf %logistic3A_4, %logistic3A_2 : vector<1000x1000xf32>
    %logistic3A_6 = arith.divf %logistic3A_4, %logistic3A_5 : vector<1000x1000xf32>
    %swap3A = arith.constant 0 : index
    %swap3A_7 = arith.constant 0 : index
    %swap3A_8 = vector.load %arg1[%swap3A, %swap3A_7] : memref<1000x1024xf32, #tpu.memory_space<vmem>>, vector<1000x1000xf32>
    tpu.vector_store %arg1[%swap3A, %swap3A_7], %logistic3A_6 {strides = array<i32>} : memref<1000x1024xf32, #tpu.memory_space<vmem>>, vector<1000x1000xf32>,
    %broadcast_in_dim3A = arith.constant 0.000000e+00 : f32
    %broadcast_in_dim3A_9 = vector.broadcast %broadcast_in_dim3A : f32 to vector<1000x24xf32>
    %swap3A_10 = arith.constant 0 : index
    %swap3A_11 = arith.constant 1000 : index
    %swap3A_12 = vector.load %arg1[%swap3A_10, %swap3A_11] : memref<1000x1024xf32, #tpu.memory_space<vmem>>, vector<1000x24xf32>
    tpu.vector_store %arg1[%swap3A_10, %swap3A_11], %broadcast_in_dim3A_9 {strides = array<i32>} : memref<1000x1024xf32, #tpu.memory_space<vmem>>, vector<1000x24xf32>,
    return
  }
}

</mosaic_0001>

<sc_bundles>
// kernel: kernel.4.cloned.1.call-start
scs
__scs_entry_jumppad:
0x0: {  	(pc) =	sbr.rel $0x88, $3  }
0x1: {  	(tag) =	ssettag $0x0;
	lr =	simm.s32 $0x1  }
0x2: {  	[smem:$0x3F9F] =	sst lr;
	_ =	strace $0xD0000000  }
0x3: {  	_ = 	snop  }
0x4: {  	_ = 	snop  }
0x5: {  	_ = 	snop  }
0x6: {  	_ = 	snop  }
0x7: {  	_ = 	snop  }
__scs_overlays_trampoline_lowered:
0x8: {  	[smem:$0x3FAE] =	sst s0  }
0x9: {  	[smem:$0x3FAF] =	sst s1  }
0xa: {  	[smem:$0x3FB0] =	sst s2  }
0xb: {  	[smem:$0x3FB1] =	sst s3  }
0xc: {  	[smem:$0x3FB2] =	sst s4  }
0xd: {  	[smem:$0x3FB3] =	sst s5  }
0xe: {  	[smem:$0x3FB4] =	sst s6  }
0xf: {  	[smem:$0x3FB5] =	sst s7  }
0x10: {  	[smem:$0x3FB6] =	sst s8  }
0x11: {  	[smem:$0x3FB7] =	sst s9;
	s0 =	simm.s32 @!p0 $0x0  }
0x12: {  	s1 =	sld [smem:$0x3F9D];
	s0 =	simm.s32 @p0 $0x1  }
0x13: {  	[smem:$0x3FB8] =	sst s0;
	s0 =	simm.s32 @!p1 $0x0  }
0x14: {  	s2 =	sld [smem:$0x3F9C];
	s0 =	simm.s32 @p1 $0x1  }
0x15: {  	[smem:$0x3FB9] =	sst s0;
	s0 =	simm.s32 @!p2 $0x0  }
0x16: {  	s3 =	sld [smem:$0x3FDB];
	s0 =	simm.s32 @p2 $0x1  }
0x17: {  	s4 =	simm.s32 $0x1BF5;
	[smem:$0x3FBB] =	sst s0  }
0x18: {  	s0 =	sld [smem:$0x3F9E];
	_ =	swait.ge [sflag:s4], $0x0  }
0x19: {  	s7 =	sld [smem:$0x3F9F]  }
0x1a: {  	s8 =	sadd.s32 $0xFFFFE003, lr  }
0x1b: {  	s9 =	sadd.s32 $0xFFFFFEF7, lr;
	s5 =	simm.s32 $0xFFFFFFFF;
	p2 =	slt.u32 s8, $0xFFFFF086  }
0x1c: {  	p1 =	slt.u32 s9, $0xF7A;
	s5 =	simm.s32 @!p2 $0x0  }
0x1d: {  	s5 =	simm.s32 @p1 $0x1;
	p0 =	seq.s32 s7, s2  }
0x1e: {  	s7 =	smul.u32 @!p0 $0xF7A, s2;
	p2 =	seq.s32 @!p0 s5, $0x0  }
0x1f: {  	s9 =	smul.u32 $0xF7A, s1;
	s8 =	simm.s32 @!p0 $0x1BF5;
	p2 =	por !p2, p0  }
0x20: {  	[sflag:s8] =	ssyncset.s32 @!p0 $0xFFFFF086;
	s6 =	sadd.s32 @!p0 s3, s7;
	s7 =	simm.s32 @!p0 $0x108  }
0x21: {  	s3 =	sadd.s32 s3, s9;
	s6 =	sadd.s32 @!p0 $0x88, s6;
	s7 =	simm.s32 @p2 $0x1082  }
0x22: {  	[simem:s7], [sflag:s8] =	dma.local @!p0 [hbm:s6], $0xF7A  }
0x23: {  	s9 =	sor.u32 $0xD0000000, s2;
	s6 =	simm.s32 $0x108;
	_ =	swait.ge @!p0 [sflag:s8], $0x0  }
0x24: {  	s3 =	sadd.s32 $0x88, s3;
	s6 =	simm.s32 @!p1 $0x1082;
	[sflag:s4] =	ssyncset.s32 $0xFFFFF086  }
0x25: {  	[simem:s6], [sflag:s4] =	dma.local [hbm:s3], $0xF7A  }
0x26: {  	[smem:$0x3F9F] =	sst s1;
	(tag) =	ssettag s2;
	_ =	strace s9  }
0x27: {  	s1 =	sld [smem:$0x3FAF]  }
0x28: {  	s2 =	sld [smem:$0x3FB0]  }
0x29: {  	s4 =	sld [smem:$0x3FB2]  }
0x2a: {  	p0 =	seq.s32 s5, $0x0;
	s5 =	sld [smem:$0x3FB3]  }
0x2b: {  	s6 =	sld [smem:$0x3FB4]  }
0x2c: {  	s7 =	sld [smem:$0x3FB5]  }
0x2d: {  	s3 =	simm.s32 $0x108;
	s8 =	sld [smem:$0x3FB6]  }
0x2e: {  	s3 =	simm.s32 @!p0 $0x1082;
	s9 =	sld [smem:$0x3FB7]  }
0x2f: {  	lr =	sadd.s32 s0, s3;
	s0 =	sld [smem:$0x3FAE]  }
0x30: {  	s3 =	sld [smem:$0x3FB1]  }
0x31: {  	[smem:$0x3FBA] =	sst s10  }
0x32: {  	s10 =	sld [smem:$0x3FB8];
	_ =	sdelay $0x3  }
0x33: {  	p0 =	seq.s32 s10, $0x1;
	s10 =	sld [smem:$0x3FBA];
	_ =	sdelay $0x3  }
0x34: {  	[smem:$0x3FBA] =	sst s10  }
0x35: {  	s10 =	sld [smem:$0x3FB9];
	_ =	sdelay $0x3  }
0x36: {  	p1 =	seq.s32 s10, $0x1;
	s10 =	sld [smem:$0x3FBA];
	_ =	sdelay $0x3  }
0x37: {  	[smem:$0x3FBA] =	sst s10  }
0x38: {  	s10 =	sld [smem:$0x3FBB]  }
0x39: {  	_ = 	snop;
	(pc) =	sbr.ind lr, $3  }
0x3a: {  	_ = 	snop  }
0x3b: {  	_ = 	snop  }
0x3c: {  	p2 =	seq.s32 s10, $0x1;
	s10 =	sld [smem:$0x3FBA]  }
0x3d: {  	_ =	shalt  }
0x3e: {  	_ =	shalt  }
0x3f: {  	_ =	shalt  }
0x40: {  	_ =	shalt  }
0x41: {  	_ =	shalt  }
0x42: {  	_ =	shalt  }
0x43: {  	_ =	shalt  }
0x44: {  	_ =	shalt  }
0x45: {  	_ =	shalt  }
0x46: {  	_ =	shalt  }
0x47: {  	_ =	shalt  }
0x48: {  	_ =	shalt  }
0x49: {  	_ =	shalt  }
0x4a: {  	_ =	shalt  }
0x4b: {  	_ =	shalt  }
0x4c: {  	_ =	shalt  }
0x4d: {  	_ =	shalt  }
0x4e: {  	_ =	shalt  }
0x4f: {  	_ =	shalt  }
0x50: {  	_ =	shalt  }
0x51: {  	_ =	shalt  }
0x52: {  	_ =	shalt  }
0x53: {  	_ =	shalt  }
0x54: {  	_ =	shalt  }
0x55: {  	_ =	shalt  }
0x56: {  	_ =	shalt  }
0x57: {  	_ =	shalt  }
0x58: {  	_ =	shalt  }
0x59: {  	_ =	shalt  }
0x5a: {  	_ =	shalt  }
0x5b: {  	_ =	shalt  }
0x5c: {  	_ =	shalt  }
0x5d: {  	_ =	shalt  }
0x5e: {  	_ =	shalt  }
0x5f: {  	_ =	shalt  }
0x60: {  	_ =	shalt  }
0x61: {  	_ =	shalt  }
0x62: {  	_ =	shalt  }
0x63: {  	_ =	shalt  }
0x64: {  	_ =	shalt  }
0x65: {  	_ =	shalt  }
0x66: {  	_ =	shalt  }
0x67: {  	_ =	shalt  }
0x68: {  	_ =	shalt  }
0x69: {  	_ =	shalt  }
0x6a: {  	_ =	shalt  }
0x6b: {  	_ =	shalt  }
0x6c: {  	_ =	shalt  }
0x6d: {  	_ =	shalt  }
0x6e: {  	_ =	shalt  }
0x6f: {  	_ =	shalt  }
0x70: {  	_ =	shalt  }
0x71: {  	_ =	shalt  }
0x72: {  	_ =	shalt  }
0x73: {  	_ =	shalt  }
0x74: {  	_ =	shalt  }
0x75: {  	_ =	shalt  }
0x76: {  	_ =	shalt  }
0x77: {  	_ =	shalt  }
0x78: {  	_ =	shalt  }
0x79: {  	_ =	shalt  }
0x7a: {  	_ =	shalt  }
0x7b: {  	_ =	shalt  }
0x7c: {  	_ =	shalt  }
0x7d: {  	_ =	shalt  }
0x7e: {  	_ =	shalt  }
0x7f: {  	_ =	shalt  }
0x80: {  	_ =	shalt  }
0x81: {  	_ =	shalt  }
0x82: {  	_ =	shalt  }
0x83: {  	_ =	shalt  }
0x84: {  	_ =	shalt  }
0x85: {  	_ =	shalt  }
0x86: {  	_ =	shalt  }
0x87: {  	_ =	shalt  }
.Lfunc_end0:
.L_simem_size_0:
called_computation.1_lowered:
.L_overlay_start_0:
0x88: {  	s2 =	sld [smem:$0x3FD9]  }
0x89: {  	s3 =	sld [smem:$0x3FFE];
	_ =	sdelay $0x1  }
0x8a: {  	s1 =	srdreg.scid  }
0x8b: {  	s0 =	sand.u32 $0x1, s1  }
0x8c: {  	s17 =	sshll.u32 s0, $0xA;
	s2 =	sadd.s32 s3, s2  }
0x8d: {  	s2 =	sadd.s32 s2, s17  }
0x8e: {  	[smem:$0x3FC6] =	sst s2  }
0x8f: {  	_ = 	snop  }
0x90: {  	s2 =	sld [smem:$0x3FC9]  }
0x91: {  	s18 =	sld [smem:$0x3FD0];
	(tm) =	ssettm $0x1  }
0x92: {  	s4 =	sld [smem:$0x3FFB];
	_ =	sdelay $0x3  }
0x93: {  	_ =	strace s4  }
0x94: {  	s4 =	sld [smem:$0x3FFC];
	_ =	sdelay $0x3  }
0x95: {  	_ =	strace s4  }
0x96: {  	s4 =	sld [smem:$0x3FFD];
	_ =	sdelay $0x3  }
0x97: {  	_ =	strace s4  }
0x98: {  	_ =	strace $0x8FFFFFFF  }
0x99: {  	s19 =	sld [smem:$0x3FDB];
	_ =	sdelay $0x1  }
0x9a: {  	s5 =	simm.s32 $_scs_section_size  }
0x9b: {  	s6 =	simm.s32 $_size__tile_overlayer_lowered;
	s7 =	simm.s32 $_tile_overlayer_lowered  }
0x9c: {  	s22 =	simm.s32 $0x1BFF;
	s21 =	sshll.u32 s7, $0x1;
	s4 =	sadd.s32 s5, s19  }
0x9d: {  	s8 =	simm.s32 $0x0;
	s20 =	sshll.u32 s6, $0x1;
	s6 =	sadd.s32 s21, s4  }
0x9e: {  	[timem:s8], [sflag:s22] =	dma.local [hbm:s6], s20  }
0x9f: {  	_ =	swait.ge [sflag:s22], s20  }
0xa0: {  	s5 =	ssub.s32 $0x0, s20;
	[sflag:s22] =	ssyncset.done $0x0  }
0xa1: {  	[sflag:s22] =	ssyncadd.s32 s5;
	_ =	sdelay $0x1  }
0xa2: {  	s23 =	simm.s32 $0x1B8B  }
0xa3: {  	_ =	swait.ge [sflag:s23], $0x1  }
0xa4: {  	[sflag:s23] =	ssyncset.done $0x0  }
0xa5: {  	s25 =	simm.s32 $0x1B8E;
	s24 =	sld [smem:$0x3FFE];
	[sflag:s23] =	ssyncadd.s32 $0xFFFFFFFF  }
0xa6: {  	s26 =	simm.s32 $execute0_lowered;
	[smem:$0x3FD2] =	sst s25  }
0xa7: {  	s6 =	sshll.u32 s26, $0x1;
	_ =	strace $0x80000046;
	[dreg:$0x1] =	wrdreg $0xFFFFFFFF  }
0xa8: {  	s28 =	simm.s32 $_size_execute0_lowered;
	s4 =	sadd.s32 s4, s6;
	[dreg:$0x0] =	wrdreg $0x0  }
0xa9: {  	s6 =	sshll.u32 s28, $0x1;
	[dreg:$0x2] =	wrdreg s4  }
0xaa: {  	[dreg:$0x3] =	wrdreg s6  }
0xab: {  	[dreg:$0x4] =	wrdreg $0xC0  }
0xac: {  	_ =	task [dreg:s8], $0x5FFFF  }
0xad: {  	[dreg:$0x1] =	wrdreg $0xFFFFFFFF  }
0xae: {  	[dreg:$0x0] =	wrdreg $0x60  }
0xaf: {  	[dreg:$0x2] =	wrdreg s18  }
0xb0: {  	[dreg:$0x3] =	wrdreg s2  }
0xb1: {  	[dreg:$0x4] =	wrdreg s24  }
0xb2: {  	[dreg:$0x5] =	wrdreg $0x9  }
0xb3: {  	_ =	task.clear_ibuf [dreg:s8], $0x6FFFF;
	_ =	strace $0x90000046  }
0xb4: {  	s29 =	simm.s32 $0x9;
	_ =	strace $0x80000048  }
0xb5: {  	_ =	swait.ge [sflag:s29], $0x1  }
0xb6: {  	[sflag:s29] =	ssyncadd.s32 $0xFFFFFFFF  }
0xb7: {  	_ =	strace $0x90000048  }
0xb8: {  	_ =	sfence  }
0xb9: {  	s30 =	sld [smem:$0x0];
	_ =	sdelay $0x2  }
0xba: {  	s31 =	sshll.u32 s1, $0xD;
	s1 =	sshrl.u32 s1, $0x2  }
0xbb: {  	s3 =	sand.u32 $0x4000, s31;
	s1 =	sadd.s32 s1, s30  }
0xbc: {  	s0 =	sor.u32 s3, s0;
	s1 =	sshll.u32 s1, $0x11  }
0xbd: {  	s0 =	sor.u32 s1, s0  }
0xbe: {  	s0 =	sadd.s32 $0x8F2B, s0  }
0xbf: {  	[sflag:s0] =	ssyncadd.remote.s32 $0x1  }
0xc0: {  	_ =	sfence.sel $0xFFFF  }
0xc1: {  	[dreg:$0x0] =	wrdreg $0xFFFFFFFF;
	(pc) =	sbr.abs _section_cstart, $3  }
0xc2: {  	[dreg:$0x1] =	wrdreg $0xFFFFFFFF  }
0xc3: {  	_ =	task.clear_ibuf [dreg:s8], $0x2FFFF;
	_ =	strace $0x9FFFFFFF  }
0xc4: {  	(tm) =	ssettm $0x7FFFFFFF  }
0xc5: {  	_ =	shalt  }
tec
execute0_lowered:
.L_overlay_start_1:
0x0: {  	(tag) =	ssettag $0x1  }
0x1: {  	s0 =	srdreg.scid  }
0x2: {  	s1 =	rddreg [dreg:$0x0];
	s3 =	stileid.u32;
	s0 =	sand.u32 $0x1, s0  }
0x3: {  	s4 =	rddreg [dreg:$0x1];
	s5 =	sshll.u32 s3, $0xA;
	s6 =	sshll.u32 s0, $0x9  }
0x4: {  	s2 =	rddreg [dreg:$0x2];
	s5 =	sor.u32 s6, s5  }
0x5: {  	s3 =	simm.s32 $0x0;
	s6 =	sshll.u32 s5, $0x7;
	s5 =	sshrl.u32 s5, $0x3  }
0x6: {  	[smem:$0x7FF] =	sst s3;
	s2 =	sadd.s32 s6, s2;
	s4 =	sadd.s32 s4, s5  }
0x7: {  	_ =	strace $0x80000047;
	[dreg:$0x4] =	wrdreg s4;
	s23 =	sadd.s32 $0xC00, s2  }
0x8: {  	s24 =	sadd.s32 $0x1400, s2;
	[dreg:$0x5] =	wrdreg s23  }
0x9: {  	s25 =	sadd.s32 $0x1C00, s2;
	[dreg:$0x6] =	wrdreg s24  }
0xa: {  	s26 =	sadd.s32 $0x2400, s2;
	[dreg:$0x7] =	wrdreg s25  }
0xb: {  	s29 =	sadd.s32 $0x2C00, s2;
	[dreg:$0x8] =	wrdreg s26  }
0xc: {  	s30 =	sadd.s32 $0x3400, s2;
	[dreg:$0x9] =	wrdreg s29  }
0xd: {  	s31 =	sadd.s32 $0x3C00, s2;
	[dreg:$0xa] =	wrdreg s30  }
0xe: {  	s5 =	sadd.s32 $0x4400, s2;
	[dreg:$0xb] =	wrdreg s31  }
0xf: {  	s6 =	sadd.s32 $0x4C00, s2;
	[dreg:$0xc] =	wrdreg s5  }
0x10: {  	s7 =	sadd.s32 $0x5400, s2;
	[dreg:$0xd] =	wrdreg s6  }
0x11: {  	s8 =	sadd.s32 $0x5C00, s2;
	[dreg:$0xe] =	wrdreg s7  }
0x12: {  	s9 =	sadd.s32 $0x6400, s2;
	[dreg:$0xf] =	wrdreg s8  }
0x13: {  	s10 =	sadd.s32 $0x6C00, s2;
	[dreg:$0x10] =	wrdreg s9  }
0x14: {  	s11 =	sadd.s32 $0x7400, s2;
	[dreg:$0x11] =	wrdreg s10  }
0x15: {  	s12 =	sadd.s32 $0x7C00, s2;
	[dreg:$0x12] =	wrdreg s11  }
0x16: {  	s13 =	sadd.s32 $0x8400, s2;
	[dreg:$0x13] =	wrdreg s12  }
0x17: {  	s14 =	sadd.s32 $0x8C00, s2;
	[dreg:$0x14] =	wrdreg s13  }
0x18: {  	s15 =	sadd.s32 $0x9400, s2;
	[dreg:$0x15] =	wrdreg s14  }
0x19: {  	s16 =	sadd.s32 $0x9C00, s2;
	[dreg:$0x16] =	wrdreg s15  }
0x1a: {  	s17 =	sadd.s32 $0xA400, s2;
	[dreg:$0x17] =	wrdreg s16  }
0x1b: {  	s18 =	sadd.s32 $0xAC00, s2;
	[dreg:$0x18] =	wrdreg s17  }
0x1c: {  	s19 =	sadd.s32 $0xB400, s2;
	[dreg:$0x19] =	wrdreg s18  }
0x1d: {  	s20 =	sadd.s32 $0xBC00, s2;
	[dreg:$0x1a] =	wrdreg s19  }
0x1e: {  	s21 =	sadd.s32 $0xC400, s2;
	[dreg:$0x1b] =	wrdreg s20  }
0x1f: {  	s28 =	simm.s32 $0x8;
	s22 =	sadd.s32 $0xCC00, s2;
	[dreg:$0x1c] =	wrdreg s21  }
0x20: {  	s0 =	ssub.s32 $0x2, s0;
	s4 =	sadd.s32 $0x100, s1;
	[dreg:$0x1d] =	wrdreg s22  }
0x21: {  	s23 =	sadd.s32 $0xD400, s2;
	s24 =	sadd.s32 $0xDC00, s2;
	s25 =	sadd.s32 $0xE400, s2  }
0x22: {  	s26 =	sadd.s32 $0xEC00, s2;
	s29 =	sshrl.u32 s0, $0x1;
	s30 =	sadd.s32 $0xF400, s2  }
0x23: {  	s31 =	sadd.s32 $0xFC00, s2;
	s2 =	sadd.s32 $0x10400, s2;
	[dreg:$0x1e] =	wrdreg s23  }
0x24: {  	s5 =	sadd.s32 $0x200, s1;
	s6 =	sadd.s32 $0x300, s1;
	[dreg:$0x1f] =	wrdreg s24  }
0x25: {  	s16 =	simm.s32 $0x200;
	s17 =	simm.s32 $0x4200;
	[smem:$0x7F9] =	sst s25  }
0x26: {  	s10 =	simm.s32 $0x2;
	s11 =	simm.s32 $0xC200;
	[smem:$0x7FA] =	sst s26  }
0x27: {  	s20 =	simm.s32 $0x3;
	s21 =	simm.s32 $0x5;
	[smem:$0x7FB] =	sst s30  }
0x28: {  	v2 =	vlaneseq.u32;
	s22 =	simm.s32 $0x4;
	s0 =	ssub.s32 s0, s29;
	[smem:$0x7FC] =	sst s31  }
0x29: {  	vm0 =	vmmov $0xffff;
	v1 =	vshrl.u32 v2, $0x3;
	[smem:$0x7FD] =	sst s2;
	s25 =	simm.s32 $0x1;
	s26 =	simm.s32 $0x8200  }
0x2a: {  	v0 =	vand.u32 $0x7, v2;
	v2 =	vor.u32 $0x8, v2;
	v1 =	vmul.u32 $0x8, v1;
	s23 =	simm.s32 $0x6;
	s24 =	simm.s32 $0x7;
	s0 =	smax.u32 s0, $0x1  }
.LBB2_1:
0x2b: {  	[smem:$0x7F8] =	sst s0  }
0x2c: {  	s29 =	rddreg [dreg:$0x4];
	s7 =	simm.s32 $0x9  }
0x2d: {  	[tilespmem:s3], [sflag:$0x9] =	stream.linear.gather [hbm4b:s29+s3], $0x200, $0x38;
	[tilespmem:$0x10200] =	vst v63  }
0x2e: {  	_ =	swait.ge [sflag:s7], $0x200  }
0x2f: {  	[sflag:s7] =	ssyncset.done $0x0  }
0x30: {  	[sflag:s7] =	ssyncadd.s32 $0xFFFFFE00  }
0x31: {  	v3 =	vld [tilespmem:$0x0];
	_ =	sdelay $0x4  }
0x32: {  	v4 =	vshll.u32 v3, $0x3  }
0x33: {  	v3 =	vand.u32 $0x7, v3;
	v4 =	vand.u32 $0xFFFFFFC0, v4  }
0x34: {  	v3 =	vor.u32 v3, v4  }
0x35: {  	v4 =	vperm.xlane v3, v0;
	_ =	sdelay $0x1  }
0x36: {  	v4 =	vadd.s32 v1, v4;
	_ =	sdelay $0x4  }
0x37: {  	[tilespmem:s16], [sflag:$0x1] =	stream.indirect_vreg.gather [hbm4b:s1+s3], $0x80, v4, vm0, $0xb8;
	[tilespmem:$0x10200] =	vst v63  }
0x38: {  	s8 =	simm.s32 $0xA00;
	v3 =	vperm.xlane v3, v2  }
0x39: {  	[tilespmem:s8], [sflag:$0x1] =	stream.indirect_vreg.gather [hbm4b:s4+s3], $0x80, v4, vm0, $0xb8;
	[tilespmem:$0x10200] =	vst v63  }
0x3a: {  	s9 =	simm.s32 $0x1200;
	v3 =	vadd.s32 v1, v3  }
0x3b: {  	[tilespmem:s9], [sflag:$0x1] =	stream.indirect_vreg.gather [hbm4b:s5+s3], $0x80, v4, vm0, $0xb8;
	[tilespmem:$0x10200] =	vst v63  }
0x3c: {  	s12 =	simm.s32 $0x1A00  }
0x3d: {  	[tilespmem:s12], [sflag:$0x1] =	stream.indirect_vreg.gather [hbm4b:s6+s3], $0x80, v4, vm0, $0xb8;
	[tilespmem:$0x10200] =	vst v63  }
0x3e: {  	s13 =	simm.s32 $0x2200  }
0x3f: {  	[tilespmem:s13], [sflag:$0x1] =	stream.indirect_vreg.gather [hbm4b:s1+s3], $0x80, v3, vm0, $0xb8;
	[tilespmem:$0x10200] =	vst v63  }
0x40: {  	s14 =	simm.s32 $0x2A00  }
0x41: {  	[tilespmem:s14], [sflag:$0x1] =	stream.indirect_vreg.gather [hbm4b:s4+s3], $0x80, v3, vm0, $0xb8;
	[tilespmem:$0x10200] =	vst v63  }
0x42: {  	s15 =	simm.s32 $0x3200  }
0x43: {  	[tilespmem:s15], [sflag:$0x1] =	stream.indirect_vreg.gather [hbm4b:s5+s3], $0x80, v3, vm0, $0xb8;
	[tilespmem:$0x10200] =	vst v63  }
0x44: {  	s18 =	simm.s32 $0x3A00  }
0x45: {  	[tilespmem:s18], [sflag:$0x1] =	stream.indirect_vreg.gather [hbm4b:s6+s3], $0x80, v3, vm0, $0xb8;
	[tilespmem:$0x10200] =	vst v63  }
0x46: {  	v3 =	vld [tilespmem:$0x10];
	_ =	sdelay $0x4  }
0x47: {  	v33 =	vshll.u32 v3, $0x3  }
0x48: {  	v3 =	vand.u32 $0x7, v3;
	v4 =	vand.u32 $0xFFFFFFC0, v33  }
0x49: {  	v3 =	vor.u32 v3, v4  }
0x4a: {  	v4 =	vperm.xlane v3, v0;
	_ =	sdelay $0x1  }
0x4b: {  	v4 =	vadd.s32 v1, v4;
	_ =	sdelay $0x4  }
0x4c: {  	[tilespmem:s17], [sflag:$0x2] =	stream.indirect_vreg.gather [hbm4b:s1+s3], $0x80, v4, vm0, $0xb8;
	[tilespmem:$0x10200] =	vst v63  }
0x4d: {  	s19 =	simm.s32 $0x4A00;
	v3 =	vperm.xlane v3, v2  }
0x4e: {  	[tilespmem:s19], [sflag:$0x2] =	stream.indirect_vreg.gather [hbm4b:s4+s3], $0x80, v4, vm0, $0xb8;
	[tilespmem:$0x10200] =	vst v63  }
0x4f: {  	s29 =	simm.s32 $0x5200;
	v3 =	vadd.s32 v1, v3  }
0x50: {  	[tilespmem:s29], [sflag:$0x2] =	stream.indirect_vreg.gather [hbm4b:s5+s3], $0x80, v4, vm0, $0xb8;
	[tilespmem:$0x10200] =	vst v63  }
0x51: {  	s30 =	simm.s32 $0x5A00  }
0x52: {  	[tilespmem:s30], [sflag:$0x2] =	stream.indirect_vreg.gather [hbm4b:s6+s3], $0x80, v4, vm0, $0xb8;
	[tilespmem:$0x10200] =	vst v63  }
0x53: {  	s31 =	simm.s32 $0x6200  }
0x54: {  	[tilespmem:s31], [sflag:$0x2] =	stream.indirect_vreg.gather [hbm4b:s1+s3], $0x80, v3, vm0, $0xb8;
	[tilespmem:$0x10200] =	vst v63  }
0x55: {  	s9 =	simm.s32 $0x6A00  }
0x56: {  	[tilespmem:s9], [sflag:$0x2] =	stream.indirect_vreg.gather [hbm4b:s4+s3], $0x80, v3, vm0, $0xb8;
	[tilespmem:$0x10200] =	vst v63  }
0x57: {  	s12 =	simm.s32 $0x7200  }
0x58: {  	[tilespmem:s12], [sflag:$0x2] =	stream.indirect_vreg.gather [hbm4b:s5+s3], $0x80, v3, vm0, $0xb8;
	[tilespmem:$0x10200] =	vst v63  }
0x59: {  	s13 =	simm.s32 $0x7A00  }
0x5a: {  	[tilespmem:s13], [sflag:$0x2] =	stream.indirect_vreg.gather [hbm4b:s6+s3], $0x80, v3, vm0, $0xb8;
	[tilespmem:$0x10200] =	vst v63  }
0x5b: {  	_ =	swait.ge [sflag:s25], $0x4000  }
0x5c: {  	[sflag:s25] =	ssyncset.done $0x0  }
0x5d: {  	s14 =	rddreg [dreg:$0x5];
	[sflag:s25] =	ssyncadd.s32 $0xFFFFC000  }
0x5e: {  	[hbm4b:s14+s3] =	stream.linear.scatter [tilespmem:s16], [sflag:$0x5], $0x4000, $0x38;
	[tilespmem:$0x10200] =	vst v63  }
0x5f: {  	v3 =	vld [tilespmem:$0x20];
	_ =	sdelay $0x4  }
0x60: {  	v34 =	vshll.u32 v3, $0x3  }
0x61: {  	v3 =	vand.u32 $0x7, v3;
	v4 =	vand.u32 $0xFFFFFFC0, v34  }
0x62: {  	v3 =	vor.u32 v3, v4  }
0x63: {  	v4 =	vperm.xlane v3, v0;
	_ =	sdelay $0x1  }
0x64: {  	v4 =	vadd.s32 v1, v4;
	_ =	sdelay $0x4  }
0x65: {  	[tilespmem:s26], [sflag:$0x3] =	stream.indirect_vreg.gather [hbm4b:s1+s3], $0x80, v4, vm0, $0xb8;
	[tilespmem:$0x10200] =	vst v63  }
0x66: {  	s29 =	simm.s32 $0x8A00;
	v3 =	vperm.xlane v3, v2  }
0x67: {  	[tilespmem:s29], [sflag:$0x3] =	stream.indirect_vreg.gather [hbm4b:s4+s3], $0x80, v4, vm0, $0xb8;
	[tilespmem:$0x10200] =	vst v63  }
0x68: {  	s31 =	simm.s32 $0x9200;
	v3 =	vadd.s32 v1, v3  }
0x69: {  	[tilespmem:s31], [sflag:$0x3] =	stream.indirect_vreg.gather [hbm4b:s5+s3], $0x80, v4, vm0, $0xb8;
	[tilespmem:$0x10200] =	vst v63  }
0x6a: {  	s9 =	simm.s32 $0x9A00  }
0x6b: {  	[tilespmem:s9], [sflag:$0x3] =	stream.indirect_vreg.gather [hbm4b:s6+s3], $0x80, v4, vm0, $0xb8;
	[tilespmem:$0x10200] =	vst v63  }
0x6c: {  	s12 =	simm.s32 $0xA200  }
0x6d: {  	[tilespmem:s12], [sflag:$0x3] =	stream.indirect_vreg.gather [hbm4b:s1+s3], $0x80, v3, vm0, $0xb8;
	[tilespmem:$0x10200] =	vst v63  }
0x6e: {  	s13 =	simm.s32 $0xAA00  }
0x6f: {  	[tilespmem:s13], [sflag:$0x3] =	stream.indirect_vreg.gather [hbm4b:s4+s3], $0x80, v3, vm0, $0xb8;
	[tilespmem:$0x10200] =	vst v63  }
0x70: {  	s29 =	simm.s32 $0xB200  }
0x71: {  	[tilespmem:s29], [sflag:$0x3] =	stream.indirect_vreg.gather [hbm4b:s5+s3], $0x80, v3, vm0, $0xb8;
	[tilespmem:$0x10200] =	vst v63  }
0x72: {  	s31 =	simm.s32 $0xBA00  }
0x73: {  	[tilespmem:s31], [sflag:$0x3] =	stream.indirect_vreg.gather [hbm4b:s6+s3], $0x80, v3, vm0, $0xb8;
	[tilespmem:$0x10200] =	vst v63  }
0x74: {  	_ =	swait.ge [sflag:s10], $0x4000  }
0x75: {  	[sflag:s10] =	ssyncset.done $0x0  }
0x76: {  	s0 =	rddreg [dreg:$0x6];
	[sflag:s10] =	ssyncadd.s32 $0xFFFFC000  }
0x77: {  	[hbm4b:s0+s3] =	stream.linear.scatter [tilespmem:s17], [sflag:$0x6], $0x4000, $0x38;
	[tilespmem:$0x10200] =	vst v63  }
0x78: {  	v3 =	vld [tilespmem:$0x30];
	_ =	sdelay $0x4  }
0x79: {  	v35 =	vshll.u32 v3, $0x3  }
0x7a: {  	v3 =	vand.u32 $0x7, v3;
	v4 =	vand.u32 $0xFFFFFFC0, v35  }
0x7b: {  	v3 =	vor.u32 v3, v4  }
0x7c: {  	v4 =	vperm.xlane v3, v0;
	_ =	sdelay $0x1  }
0x7d: {  	v4 =	vadd.s32 v1, v4;
	_ =	sdelay $0x4  }
0x7e: {  	[tilespmem:s11], [sflag:$0x4] =	stream.indirect_vreg.gather [hbm4b:s1+s3], $0x80, v4, vm0, $0xb8;
	[tilespmem:$0x10200] =	vst v63  }
0x7f: {  	s9 =	simm.s32 $0xCA00;
	v3 =	vperm.xlane v3, v2  }
0x80: {  	[tilespmem:s9], [sflag:$0x4] =	stream.indirect_vreg.gather [hbm4b:s4+s3], $0x80, v4, vm0, $0xb8;
	[tilespmem:$0x10200] =	vst v63  }
0x81: {  	s12 =	simm.s32 $0xD200;
	v3 =	vadd.s32 v1, v3  }
0x82: {  	[tilespmem:s12], [sflag:$0x4] =	stream.indirect_vreg.gather [hbm4b:s5+s3], $0x80, v4, vm0, $0xb8;
	[tilespmem:$0x10200] =	vst v63  }
0x83: {  	s13 =	simm.s32 $0xDA00  }
0x84: {  	[tilespmem:s13], [sflag:$0x4] =	stream.indirect_vreg.gather [hbm4b:s6+s3], $0x80, v4, vm0, $0xb8;
	[tilespmem:$0x10200] =	vst v63  }
0x85: {  	s0 =	simm.s32 $0xE200  }
0x86: {  	[tilespmem:s0], [sflag:$0x4] =	stream.indirect_vreg.gather [hbm4b:s1+s3], $0x80, v3, vm0, $0xb8;
	[tilespmem:$0x10200] =	vst v63  }
0x87: {  	s9 =	simm.s32 $0xEA00  }
0x88: {  	[tilespmem:s9], [sflag:$0x4] =	stream.indirect_vreg.gather [hbm4b:s4+s3], $0x80, v3, vm0, $0xb8;
	[tilespmem:$0x10200] =	vst v63  }
0x89: {  	s12 =	simm.s32 $0xF200  }
0x8a: {  	[tilespmem:s12], [sflag:$0x4] =	stream.indirect_vreg.gather [hbm4b:s5+s3], $0x80, v3, vm0, $0xb8;
	[tilespmem:$0x10200] =	vst v63  }
0x8b: {  	s13 =	simm.s32 $0xFA00  }
0x8c: {  	[tilespmem:s13], [sflag:$0x4] =	stream.indirect_vreg.gather [hbm4b:s6+s3], $0x80, v3, vm0, $0xb8;
	[tilespmem:$0x10200] =	vst v63  }
0x8d: {  	_ =	swait.ge [sflag:s20], $0x4000  }
0x8e: {  	[sflag:s20] =	ssyncset.done $0x0  }
0x8f: {  	s0 =	rddreg [dreg:$0x7];
	[sflag:s20] =	ssyncadd.s32 $0xFFFFC000  }
0x90: {  	[hbm4b:s0+s3] =	stream.linear.scatter [tilespmem:s26], [sflag:$0x7], $0x4000, $0x38;
	[tilespmem:$0x10200] =	vst v63  }
0x91: {  	_ =	swait.ge [sflag:s21], $0x4000  }
0x92: {  	[sflag:s21] =	ssyncset.done $0x0  }
0x93: {  	[sflag:s21] =	ssyncadd.s32 $0xFFFFC000  }
0x94: {  	v3 =	vld [tilespmem:$0x40];
	_ =	sdelay $0x4  }
0x95: {  	v36 =	vshll.u32 v3, $0x3  }
0x96: {  	v3 =	vand.u32 $0x7, v3;
	v4 =	vand.u32 $0xFFFFFFC0, v36  }
0x97: {  	v3 =	vor.u32 v3, v4  }
0x98: {  	v4 =	vperm.xlane v3, v0;
	_ =	sdelay $0x1  }
0x99: {  	v4 =	vadd.s32 v1, v4;
	_ =	sdelay $0x4  }
0x9a: {  	[tilespmem:s16], [sflag:$0x1] =	stream.indirect_vreg.gather [hbm4b:s1+s3], $0x80, v4, vm0, $0xb8;
	[tilespmem:$0x10200] =	vst v63  }
0x9b: {  	s8 =	simm.s32 $0xA00;
	v3 =	vperm.xlane v3, v2  }
0x9c: {  	[tilespmem:s8], [sflag:$0x1] =	stream.indirect_vreg.gather [hbm4b:s4+s3], $0x80, v4, vm0, $0xb8;
	[tilespmem:$0x10200] =	vst v63  }
0x9d: {  	s2 =	simm.s32 $0x1200;
	v3 =	vadd.s32 v1, v3  }
0x9e: {  	[tilespmem:s2], [sflag:$0x1] =	stream.indirect_vreg.gather [hbm4b:s5+s3], $0x80, v4, vm0, $0xb8;
	[tilespmem:$0x10200] =	vst v63  }
0x9f: {  	s7 =	simm.s32 $0x1A00  }
0xa0: {  	[tilespmem:s7], [sflag:$0x1] =	stream.indirect_vreg.gather [hbm4b:s6+s3], $0x80, v4, vm0, $0xb8;
	[tilespmem:$0x10200] =	vst v63  }
0xa1: {  	s9 =	simm.s32 $0x2200  }
0xa2: {  	[tilespmem:s9], [sflag:$0x1] =	stream.indirect_vreg.gather [hbm4b:s1+s3], $0x80, v3, vm0, $0xb8;
	[tilespmem:$0x10200] =	vst v63  }
0xa3: {  	s8 =	simm.s32 $0x2A00  }
0xa4: {  	[tilespmem:s8], [sflag:$0x1] =	stream.indirect_vreg.gather [hbm4b:s4+s3], $0x80, v3, vm0, $0xb8;
	[tilespmem:$0x10200] =	vst v63  }
0xa5: {  	s12 =	simm.s32 $0x3200  }
0xa6: {  	[tilespmem:s12], [sflag:$0x1] =	stream.indirect_vreg.gather [hbm4b:s5+s3], $0x80, v3, vm0, $0xb8;
	[tilespmem:$0x10200] =	vst v63  }
0xa7: {  	s13 =	simm.s32 $0x3A00  }
0xa8: {  	[tilespmem:s13], [sflag:$0x1] =	stream.indirect_vreg.gather [hbm4b:s6+s3], $0x80, v3, vm0, $0xb8;
	[tilespmem:$0x10200] =	vst v63  }
0xa9: {  	_ =	swait.ge [sflag:s22], $0x4000  }
0xaa: {  	[sflag:s22] =	ssyncset.done $0x0  }
0xab: {  	s7 =	rddreg [dreg:$0x8];
	[sflag:s22] =	ssyncadd.s32 $0xFFFFC000  }
0xac: {  	[hbm4b:s7+s3] =	stream.linear.scatter [tilespmem:s11], [sflag:$0x8], $0x4000, $0x38;
	[tilespmem:$0x10200] =	vst v63  }
0xad: {  	_ =	swait.ge [sflag:s23], $0x4000  }
0xae: {  	[sflag:s23] =	ssyncset.done $0x0  }
0xaf: {  	[sflag:s23] =	ssyncadd.s32 $0xFFFFC000  }
0xb0: {  	v3 =	vld [tilespmem:$0x50];
	_ =	sdelay $0x4  }
0xb1: {  	v37 =	vshll.u32 v3, $0x3  }
0xb2: {  	v3 =	vand.u32 $0x7, v3;
	v4 =	vand.u32 $0xFFFFFFC0, v37  }
0xb3: {  	v3 =	vor.u32 v3, v4  }
0xb4: {  	v4 =	vperm.xlane v3, v0;
	_ =	sdelay $0x1  }
0xb5: {  	v4 =	vadd.s32 v1, v4;
	_ =	sdelay $0x4  }
0xb6: {  	[tilespmem:s17], [sflag:$0x2] =	stream.indirect_vreg.gather [hbm4b:s1+s3], $0x80, v4, vm0, $0xb8;
	[tilespmem:$0x10200] =	vst v63  }
0xb7: {  	s2 =	simm.s32 $0x4A00;
	v3 =	vperm.xlane v3, v2  }
0xb8: {  	[tilespmem:s2], [sflag:$0x2] =	stream.indirect_vreg.gather [hbm4b:s4+s3], $0x80, v4, vm0, $0xb8;
	[tilespmem:$0x10200] =	vst v63  }
0xb9: {  	s15 =	simm.s32 $0x5200;
	v3 =	vadd.s32 v1, v3  }
0xba: {  	[tilespmem:s15], [sflag:$0x2] =	stream.indirect_vreg.gather [hbm4b:s5+s3], $0x80, v4, vm0, $0xb8;
	[tilespmem:$0x10200] =	vst v63  }
0xbb: {  	s18 =	simm.s32 $0x5A00  }
0xbc: {  	[tilespmem:s18], [sflag:$0x2] =	stream.indirect_vreg.gather [hbm4b:s6+s3], $0x80, v4, vm0, $0xb8;
	[tilespmem:$0x10200] =	vst v63  }
0xbd: {  	s19 =	simm.s32 $0x6200  }
0xbe: {  	[tilespmem:s19], [sflag:$0x2] =	stream.indirect_vreg.gather [hbm4b:s1+s3], $0x80, v3, vm0, $0xb8;
	[tilespmem:$0x10200] =	vst v63  }
0xbf: {  	s30 =	simm.s32 $0x6A00  }
0xc0: {  	[tilespmem:s30], [sflag:$0x2] =	stream.indirect_vreg.gather [hbm4b:s4+s3], $0x80, v3, vm0, $0xb8;
	[tilespmem:$0x10200] =	vst v63  }
0xc1: {  	s0 =	simm.s32 $0x7200  }
0xc2: {  	[tilespmem:s0], [sflag:$0x2] =	stream.indirect_vreg.gather [hbm4b:s5+s3], $0x80, v3, vm0, $0xb8;
	[tilespmem:$0x10200] =	vst v63  }
0xc3: {  	s7 =	simm.s32 $0x7A00  }
0xc4: {  	[tilespmem:s7], [sflag:$0x2] =	stream.indirect_vreg.gather [hbm4b:s6+s3], $0x80, v3, vm0, $0xb8;
	[tilespmem:$0x10200] =	vst v63  }
0xc5: {  	_ =	swait.ge [sflag:s25], $0x4000  }
0xc6: {  	[sflag:s25] =	ssyncset.done $0x0  }
0xc7: {  	s30 =	rddreg [dreg:$0x9];
	[sflag:s25] =	ssyncadd.s32 $0xFFFFC000  }
0xc8: {  	[hbm4b:s30+s3] =	stream.linear.scatter [tilespmem:s16], [sflag:$0x5], $0x4000, $0x38;
	[tilespmem:$0x10200] =	vst v63  }
0xc9: {  	_ =	swait.ge [sflag:s24], $0x4000  }
0xca: {  	[sflag:s24] =	ssyncset.done $0x0  }
0xcb: {  	[sflag:s24] =	ssyncadd.s32 $0xFFFFC000  }
0xcc: {  	v3 =	vld [tilespmem:$0x60];
	_ =	sdelay $0x4  }
0xcd: {  	v38 =	vshll.u32 v3, $0x3  }
0xce: {  	v3 =	vand.u32 $0x7, v3;
	v4 =	vand.u32 $0xFFFFFFC0, v38  }
0xcf: {  	v3 =	vor.u32 v3, v4  }
0xd0: {  	v4 =	vperm.xlane v3, v0;
	_ =	sdelay $0x1  }
0xd1: {  	v4 =	vadd.s32 v1, v4;
	_ =	sdelay $0x4  }
0xd2: {  	[tilespmem:s26], [sflag:$0x3] =	stream.indirect_vreg.gather [hbm4b:s1+s3], $0x80, v4, vm0, $0xb8;
	[tilespmem:$0x10200] =	vst v63  }
0xd3: {  	s14 =	simm.s32 $0x8A00;
	v3 =	vperm.xlane v3, v2  }
0xd4: {  	[tilespmem:s14], [sflag:$0x3] =	stream.indirect_vreg.gather [hbm4b:s4+s3], $0x80, v4, vm0, $0xb8;
	[tilespmem:$0x10200] =	vst v63  }
0xd5: {  	v3 =	vadd.s32 v1, v3;
	s14 =	simm.s32 $0x9200  }
0xd6: {  	[tilespmem:s14], [sflag:$0x3] =	stream.indirect_vreg.gather [hbm4b:s5+s3], $0x80, v4, vm0, $0xb8;
	[tilespmem:$0x10200] =	vst v63  }
0xd7: {  	s15 =	simm.s32 $0x9A00  }
0xd8: {  	[tilespmem:s15], [sflag:$0x3] =	stream.indirect_vreg.gather [hbm4b:s6+s3], $0x80, v4, vm0, $0xb8;
	[tilespmem:$0x10200] =	vst v63  }
0xd9: {  	s18 =	simm.s32 $0xA200  }
0xda: {  	[tilespmem:s18], [sflag:$0x3] =	stream.indirect_vreg.gather [hbm4b:s1+s3], $0x80, v3, vm0, $0xb8;
	[tilespmem:$0x10200] =	vst v63  }
0xdb: {  	s19 =	simm.s32 $0xAA00  }
0xdc: {  	[tilespmem:s19], [sflag:$0x3] =	stream.indirect_vreg.gather [hbm4b:s4+s3], $0x80, v3, vm0, $0xb8;
	[tilespmem:$0x10200] =	vst v63  }
0xdd: {  	s30 =	simm.s32 $0xB200  }
0xde: {  	[tilespmem:s30], [sflag:$0x3] =	stream.indirect_vreg.gather [hbm4b:s5+s3], $0x80, v3, vm0, $0xb8;
	[tilespmem:$0x10200] =	vst v63  }
0xdf: {  	s31 =	simm.s32 $0xBA00  }
0xe0: {  	[tilespmem:s31], [sflag:$0x3] =	stream.indirect_vreg.gather [hbm4b:s6+s3], $0x80, v3, vm0, $0xb8;
	[tilespmem:$0x10200] =	vst v63  }
0xe1: {  	_ =	swait.ge [sflag:s10], $0x4000  }
0xe2: {  	[sflag:s10] =	ssyncset.done $0x0  }
0xe3: {  	s31 =	rddreg [dreg:$0xa];
	[sflag:s10] =	ssyncadd.s32 $0xFFFFC000  }
0xe4: {  	[hbm4b:s31+s3] =	stream.linear.scatter [tilespmem:s17], [sflag:$0x6], $0x4000, $0x38;
	[tilespmem:$0x10200] =	vst v63  }
0xe5: {  	_ =	swait.ge [sflag:s28], $0x4000  }
0xe6: {  	[sflag:s28] =	ssyncset.done $0x0  }
0xe7: {  	[sflag:s28] =	ssyncadd.s32 $0xFFFFC000  }
0xe8: {  	v3 =	vld [tilespmem:$0x70];
	_ =	sdelay $0x4  }
0xe9: {  	v39 =	vshll.u32 v3, $0x3  }
0xea: {  	v3 =	vand.u32 $0x7, v3;
	v4 =	vand.u32 $0xFFFFFFC0, v39  }
0xeb: {  	v3 =	vor.u32 v3, v4  }
0xec: {  	v4 =	vperm.xlane v3, v0;
	_ =	sdelay $0x1  }
0xed: {  	v4 =	vadd.s32 v1, v4;
	_ =	sdelay $0x4  }
0xee: {  	[tilespmem:s11], [sflag:$0x4] =	stream.indirect_vreg.gather [hbm4b:s1+s3], $0x80, v4, vm0, $0xb8;
	[tilespmem:$0x10200] =	vst v63  }
0xef: {  	s31 =	simm.s32 $0xCA00;
	v3 =	vperm.xlane v3, v2  }
0xf0: {  	[tilespmem:s31], [sflag:$0x4] =	stream.indirect_vreg.gather [hbm4b:s4+s3], $0x80, v4, vm0, $0xb8;
	[tilespmem:$0x10200] =	vst v63  }
0xf1: {  	v3 =	vadd.s32 v1, v3;
	s31 =	simm.s32 $0xD200  }
0xf2: {  	[tilespmem:s31], [sflag:$0x4] =	stream.indirect_vreg.gather [hbm4b:s5+s3], $0x80, v4, vm0, $0xb8;
	[tilespmem:$0x10200] =	vst v63  }
0xf3: {  	s29 =	simm.s32 $0xDA00  }
0xf4: {  	[tilespmem:s29], [sflag:$0x4] =	stream.indirect_vreg.gather [hbm4b:s6+s3], $0x80, v4, vm0, $0xb8;
	[tilespmem:$0x10200] =	vst v63  }
0xf5: {  	s29 =	simm.s32 $0xE200  }
0xf6: {  	[tilespmem:s29], [sflag:$0x4] =	stream.indirect_vreg.gather [hbm4b:s1+s3], $0x80, v3, vm0, $0xb8;
	[tilespmem:$0x10200] =	vst v63  }
0xf7: {  	s29 =	simm.s32 $0xEA00  }
0xf8: {  	[tilespmem:s29], [sflag:$0x4] =	stream.indirect_vreg.gather [hbm4b:s4+s3], $0x80, v3, vm0, $0xb8;
	[tilespmem:$0x10200] =	vst v63  }
0xf9: {  	s29 =	simm.s32 $0xF200  }
0xfa: {  	[tilespmem:s29], [sflag:$0x4] =	stream.indirect_vreg.gather [hbm4b:s5+s3], $0x80, v3, vm0, $0xb8;
	[tilespmem:$0x10200] =	vst v63  }
0xfb: {  	s29 =	simm.s32 $0xFA00  }
0xfc: {  	[tilespmem:s29], [sflag:$0x4] =	stream.indirect_vreg.gather [hbm4b:s6+s3], $0x80, v3, vm0, $0xb8;
	[tilespmem:$0x10200] =	vst v63  }
0xfd: {  	_ =	swait.ge [sflag:s20], $0x4000  }
0xfe: {  	[sflag:s20] =	ssyncset.done $0x0  }
0xff: {  	s29 =	rddreg [dreg:$0xb];
	[sflag:s20] =	ssyncadd.s32 $0xFFFFC000  }
0x100: {  	[hbm4b:s29+s3] =	stream.linear.scatter [tilespmem:s26], [sflag:$0x7], $0x4000, $0x38;
	[tilespmem:$0x10200] =	vst v63  }
0x101: {  	_ =	swait.ge [sflag:s21], $0x4000  }
0x102: {  	[sflag:s21] =	ssyncset.done $0x0  }
0x103: {  	[sflag:s21] =	ssyncadd.s32 $0xFFFFC000  }
0x104: {  	v3 =	vld [tilespmem:$0x80];
	_ =	sdelay $0x4  }
0x105: {  	v40 =	vshll.u32 v3, $0x3  }
0x106: {  	v3 =	vand.u32 $0x7, v3;
	v4 =	vand.u32 $0xFFFFFFC0, v40  }
0x107: {  	v3 =	vor.u32 v3, v4  }
0x108: {  	v4 =	vperm.xlane v3, v0;
	_ =	sdelay $0x1  }
0x109: {  	v4 =	vadd.s32 v1, v4;
	_ =	sdelay $0x4  }
0x10a: {  	[tilespmem:s16], [sflag:$0x1] =	stream.indirect_vreg.gather [hbm4b:s1+s3], $0x80, v4, vm0, $0xb8;
	[tilespmem:$0x10200] =	vst v63  }
0x10b: {  	s29 =	simm.s32 $0xA00;
	v3 =	vperm.xlane v3, v2  }
0x10c: {  	[tilespmem:s29], [sflag:$0x1] =	stream.indirect_vreg.gather [hbm4b:s4+s3], $0x80, v4, vm0, $0xb8;
	[tilespmem:$0x10200] =	vst v63  }
0x10d: {  	v3 =	vadd.s32 v1, v3;
	s29 =	simm.s32 $0x1200  }
0x10e: {  	[tilespmem:s29], [sflag:$0x1] =	stream.indirect_vreg.gather [hbm4b:s5+s3], $0x80, v4, vm0, $0xb8;
	[tilespmem:$0x10200] =	vst v63  }
0x10f: {  	s29 =	simm.s32 $0x1A00  }
0x110: {  	[tilespmem:s29], [sflag:$0x1] =	stream.indirect_vreg.gather [hbm4b:s6+s3], $0x80, v4, vm0, $0xb8;
	[tilespmem:$0x10200] =	vst v63  }
0x111: {  	_ = 	snop  }
0x112: {  	[tilespmem:s9], [sflag:$0x1] =	stream.indirect_vreg.gather [hbm4b:s1+s3], $0x80, v3, vm0, $0xb8;
	[tilespmem:$0x10200] =	vst v63  }
0x113: {  	_ = 	snop  }
0x114: {  	[tilespmem:s8], [sflag:$0x1] =	stream.indirect_vreg.gather [hbm4b:s4+s3], $0x80, v3, vm0, $0xb8;
	[tilespmem:$0x10200] =	vst v63  }
0x115: {  	_ = 	snop  }
0x116: {  	[tilespmem:s12], [sflag:$0x1] =	stream.indirect_vreg.gather [hbm4b:s5+s3], $0x80, v3, vm0, $0xb8;
	[tilespmem:$0x10200] =	vst v63  }
0x117: {  	_ = 	snop  }
0x118: {  	[tilespmem:s13], [sflag:$0x1] =	stream.indirect_vreg.gather [hbm4b:s6+s3], $0x80, v3, vm0, $0xb8;
	[tilespmem:$0x10200] =	vst v63  }
0x119: {  	_ =	swait.ge [sflag:s22], $0x4000  }
0x11a: {  	[sflag:s22] =	ssyncset.done $0x0  }
0x11b: {  	s8 =	rddreg [dreg:$0xc];
	[sflag:s22] =	ssyncadd.s32 $0xFFFFC000  }
0x11c: {  	[hbm4b:s8+s3] =	stream.linear.scatter [tilespmem:s11], [sflag:$0x8], $0x4000, $0x38;
	[tilespmem:$0x10200] =	vst v63  }
0x11d: {  	_ =	swait.ge [sflag:s23], $0x4000  }
0x11e: {  	[sflag:s23] =	ssyncset.done $0x0  }
0x11f: {  	[sflag:s23] =	ssyncadd.s32 $0xFFFFC000  }
0x120: {  	v3 =	vld [tilespmem:$0x90];
	_ =	sdelay $0x4  }
0x121: {  	v41 =	vshll.u32 v3, $0x3  }
0x122: {  	v3 =	vand.u32 $0x7, v3;
	v4 =	vand.u32 $0xFFFFFFC0, v41  }
0x123: {  	v3 =	vor.u32 v3, v4  }
0x124: {  	v4 =	vperm.xlane v3, v0;
	_ =	sdelay $0x1  }
0x125: {  	v4 =	vadd.s32 v1, v4;
	_ =	sdelay $0x4  }
0x126: {  	[tilespmem:s17], [sflag:$0x2] =	stream.indirect_vreg.gather [hbm4b:s1+s3], $0x80, v4, vm0, $0xb8;
	[tilespmem:$0x10200] =	vst v63  }
0x127: {  	v3 =	vperm.xlane v3, v2  }
0x128: {  	[tilespmem:s2], [sflag:$0x2] =	stream.indirect_vreg.gather [hbm4b:s4+s3], $0x80, v4, vm0, $0xb8;
	[tilespmem:$0x10200] =	vst v63  }
0x129: {  	s12 =	simm.s32 $0x5200;
	v3 =	vadd.s32 v1, v3  }
0x12a: {  	[tilespmem:s12], [sflag:$0x2] =	stream.indirect_vreg.gather [hbm4b:s5+s3], $0x80, v4, vm0, $0xb8;
	[tilespmem:$0x10200] =	vst v63  }
0x12b: {  	s13 =	simm.s32 $0x5A00  }
0x12c: {  	[tilespmem:s13], [sflag:$0x2] =	stream.indirect_vreg.gather [hbm4b:s6+s3], $0x80, v4, vm0, $0xb8;
	[tilespmem:$0x10200] =	vst v63  }
0x12d: {  	s29 =	simm.s32 $0x6200  }
0x12e: {  	[tilespmem:s29], [sflag:$0x2] =	stream.indirect_vreg.gather [hbm4b:s1+s3], $0x80, v3, vm0, $0xb8;
	[tilespmem:$0x10200] =	vst v63  }
0x12f: {  	s12 =	simm.s32 $0x6A00  }
0x130: {  	[tilespmem:s12], [sflag:$0x2] =	stream.indirect_vreg.gather [hbm4b:s4+s3], $0x80, v3, vm0, $0xb8;
	[tilespmem:$0x10200] =	vst v63  }
0x131: {  	_ = 	snop  }
0x132: {  	[tilespmem:s0], [sflag:$0x2] =	stream.indirect_vreg.gather [hbm4b:s5+s3], $0x80, v3, vm0, $0xb8;
	[tilespmem:$0x10200] =	vst v63  }
0x133: {  	_ = 	snop  }
0x134: {  	[tilespmem:s7], [sflag:$0x2] =	stream.indirect_vreg.gather [hbm4b:s6+s3], $0x80, v3, vm0, $0xb8;
	[tilespmem:$0x10200] =	vst v63  }
0x135: {  	_ =	swait.ge [sflag:s25], $0x4000  }
0x136: {  	[sflag:s25] =	ssyncset.done $0x0  }
0x137: {  	s13 =	rddreg [dreg:$0xd];
	[sflag:s25] =	ssyncadd.s32 $0xFFFFC000  }
0x138: {  	[hbm4b:s13+s3] =	stream.linear.scatter [tilespmem:s16], [sflag:$0x5], $0x4000, $0x38;
	[tilespmem:$0x10200] =	vst v63  }
0x139: {  	_ =	swait.ge [sflag:s24], $0x4000  }
0x13a: {  	[sflag:s24] =	ssyncset.done $0x0  }
0x13b: {  	[sflag:s24] =	ssyncadd.s32 $0xFFFFC000  }
0x13c: {  	v3 =	vld [tilespmem:$0xA0];
	_ =	sdelay $0x4  }
0x13d: {  	v42 =	vshll.u32 v3, $0x3  }
0x13e: {  	v3 =	vand.u32 $0x7, v3;
	v4 =	vand.u32 $0xFFFFFFC0, v42  }
0x13f: {  	v3 =	vor.u32 v3, v4  }
0x140: {  	v4 =	vperm.xlane v3, v0;
	_ =	sdelay $0x1  }
0x141: {  	v4 =	vadd.s32 v1, v4;
	_ =	sdelay $0x4  }
0x142: {  	[tilespmem:s26], [sflag:$0x3] =	stream.indirect_vreg.gather [hbm4b:s1+s3], $0x80, v4, vm0, $0xb8;
	[tilespmem:$0x10200] =	vst v63  }
0x143: {  	s29 =	simm.s32 $0x8A00;
	v3 =	vperm.xlane v3, v2  }
0x144: {  	[tilespmem:s29], [sflag:$0x3] =	stream.indirect_vreg.gather [hbm4b:s4+s3], $0x80, v4, vm0, $0xb8;
	[tilespmem:$0x10200] =	vst v63  }
0x145: {  	v3 =	vadd.s32 v1, v3  }
0x146: {  	[tilespmem:s14], [sflag:$0x3] =	stream.indirect_vreg.gather [hbm4b:s5+s3], $0x80, v4, vm0, $0xb8;
	[tilespmem:$0x10200] =	vst v63  }
0x147: {  	_ = 	snop  }
0x148: {  	[tilespmem:s15], [sflag:$0x3] =	stream.indirect_vreg.gather [hbm4b:s6+s3], $0x80, v4, vm0, $0xb8;
	[tilespmem:$0x10200] =	vst v63  }
0x149: {  	_ = 	snop  }
0x14a: {  	[tilespmem:s18], [sflag:$0x3] =	stream.indirect_vreg.gather [hbm4b:s1+s3], $0x80, v3, vm0, $0xb8;
	[tilespmem:$0x10200] =	vst v63  }
0x14b: {  	_ = 	snop  }
0x14c: {  	[tilespmem:s19], [sflag:$0x3] =	stream.indirect_vreg.gather [hbm4b:s4+s3], $0x80, v3, vm0, $0xb8;
	[tilespmem:$0x10200] =	vst v63  }
0x14d: {  	_ = 	snop  }
0x14e: {  	[tilespmem:s30], [sflag:$0x3] =	stream.indirect_vreg.gather [hbm4b:s5+s3], $0x80, v3, vm0, $0xb8;
	[tilespmem:$0x10200] =	vst v63  }
0x14f: {  	s30 =	simm.s32 $0xBA00  }
0x150: {  	[tilespmem:s30], [sflag:$0x3] =	stream.indirect_vreg.gather [hbm4b:s6+s3], $0x80, v3, vm0, $0xb8;
	[tilespmem:$0x10200] =	vst v63  }
0x151: {  	_ =	swait.ge [sflag:s10], $0x4000  }
0x152: {  	[sflag:s10] =	ssyncset.done $0x0  }
0x153: {  	s14 =	rddreg [dreg:$0xe];
	[sflag:s10] =	ssyncadd.s32 $0xFFFFC000  }
0x154: {  	[hbm4b:s14+s3] =	stream.linear.scatter [tilespmem:s17], [sflag:$0x6], $0x4000, $0x38;
	[tilespmem:$0x10200] =	vst v63  }
0x155: {  	_ =	swait.ge [sflag:s28], $0x4000  }
0x156: {  	[sflag:s28] =	ssyncset.done $0x0  }
0x157: {  	[sflag:s28] =	ssyncadd.s32 $0xFFFFC000  }
0x158: {  	v3 =	vld [tilespmem:$0xB0];
	_ =	sdelay $0x4  }
0x159: {  	v43 =	vshll.u32 v3, $0x3  }
0x15a: {  	v3 =	vand.u32 $0x7, v3;
	v4 =	vand.u32 $0xFFFFFFC0, v43  }
0x15b: {  	v3 =	vor.u32 v3, v4  }
0x15c: {  	v4 =	vperm.xlane v3, v0;
	_ =	sdelay $0x1  }
0x15d: {  	v4 =	vadd.s32 v1, v4;
	_ =	sdelay $0x4  }
0x15e: {  	[tilespmem:s11], [sflag:$0x4] =	stream.indirect_vreg.gather [hbm4b:s1+s3], $0x80, v4, vm0, $0xb8;
	[tilespmem:$0x10200] =	vst v63  }
0x15f: {  	s19 =	simm.s32 $0xCA00;
	v3 =	vperm.xlane v3, v2  }
0x160: {  	[tilespmem:s19], [sflag:$0x4] =	stream.indirect_vreg.gather [hbm4b:s4+s3], $0x80, v4, vm0, $0xb8;
	[tilespmem:$0x10200] =	vst v63  }
0x161: {  	s31 =	simm.s32 $0xD200;
	v3 =	vadd.s32 v1, v3  }
0x162: {  	[tilespmem:s31], [sflag:$0x4] =	stream.indirect_vreg.gather [hbm4b:s5+s3], $0x80, v4, vm0, $0xb8;
	[tilespmem:$0x10200] =	vst v63  }
0x163: {  	s29 =	simm.s32 $0xDA00  }
0x164: {  	[tilespmem:s29], [sflag:$0x4] =	stream.indirect_vreg.gather [hbm4b:s6+s3], $0x80, v4, vm0, $0xb8;
	[tilespmem:$0x10200] =	vst v63  }
0x165: {  	s30 =	simm.s32 $0xE200  }
0x166: {  	[tilespmem:s30], [sflag:$0x4] =	stream.indirect_vreg.gather [hbm4b:s1+s3], $0x80, v3, vm0, $0xb8;
	[tilespmem:$0x10200] =	vst v63  }
0x167: {  	s31 =	simm.s32 $0xEA00  }
0x168: {  	[tilespmem:s31], [sflag:$0x4] =	stream.indirect_vreg.gather [hbm4b:s4+s3], $0x80, v3, vm0, $0xb8;
	[tilespmem:$0x10200] =	vst v63  }
0x169: {  	s29 =	simm.s32 $0xF200  }
0x16a: {  	[tilespmem:s29], [sflag:$0x4] =	stream.indirect_vreg.gather [hbm4b:s5+s3], $0x80, v3, vm0, $0xb8;
	[tilespmem:$0x10200] =	vst v63  }
0x16b: {  	s29 =	simm.s32 $0xFA00  }
0x16c: {  	[tilespmem:s29], [sflag:$0x4] =	stream.indirect_vreg.gather [hbm4b:s6+s3], $0x80, v3, vm0, $0xb8;
	[tilespmem:$0x10200] =	vst v63  }
0x16d: {  	_ =	swait.ge [sflag:s20], $0x4000  }
0x16e: {  	[sflag:s20] =	ssyncset.done $0x0  }
0x16f: {  	s29 =	rddreg [dreg:$0xf];
	[sflag:s20] =	ssyncadd.s32 $0xFFFFC000  }
0x170: {  	[hbm4b:s29+s3] =	stream.linear.scatter [tilespmem:s26], [sflag:$0x7], $0x4000, $0x38;
	[tilespmem:$0x10200] =	vst v63  }
0x171: {  	_ =	swait.ge [sflag:s21], $0x4000  }
0x172: {  	[sflag:s21] =	ssyncset.done $0x0  }
0x173: {  	[sflag:s21] =	ssyncadd.s32 $0xFFFFC000  }
0x174: {  	v3 =	vld [tilespmem:$0xC0];
	_ =	sdelay $0x4  }
0x175: {  	v44 =	vshll.u32 v3, $0x3  }
0x176: {  	v3 =	vand.u32 $0x7, v3;
	v4 =	vand.u32 $0xFFFFFFC0, v44  }
0x177: {  	v3 =	vor.u32 v3, v4  }
0x178: {  	v4 =	vperm.xlane v3, v0;
	_ =	sdelay $0x1  }
0x179: {  	v4 =	vadd.s32 v1, v4;
	_ =	sdelay $0x4  }
0x17a: {  	[tilespmem:s16], [sflag:$0x1] =	stream.indirect_vreg.gather [hbm4b:s1+s3], $0x80, v4, vm0, $0xb8;
	[tilespmem:$0x10200] =	vst v63  }
0x17b: {  	s29 =	simm.s32 $0xA00;
	v3 =	vperm.xlane v3, v2  }
0x17c: {  	[tilespmem:s29], [sflag:$0x1] =	stream.indirect_vreg.gather [hbm4b:s4+s3], $0x80, v4, vm0, $0xb8;
	[tilespmem:$0x10200] =	vst v63  }
0x17d: {  	v3 =	vadd.s32 v1, v3;
	s29 =	simm.s32 $0x1200  }
0x17e: {  	[tilespmem:s29], [sflag:$0x1] =	stream.indirect_vreg.gather [hbm4b:s5+s3], $0x80, v4, vm0, $0xb8;
	[tilespmem:$0x10200] =	vst v63  }
0x17f: {  	s29 =	simm.s32 $0x1A00  }
0x180: {  	[tilespmem:s29], [sflag:$0x1] =	stream.indirect_vreg.gather [hbm4b:s6+s3], $0x80, v4, vm0, $0xb8;
	[tilespmem:$0x10200] =	vst v63  }
0x181: {  	s9 =	simm.s32 $0x2200  }
0x182: {  	[tilespmem:s9], [sflag:$0x1] =	stream.indirect_vreg.gather [hbm4b:s1+s3], $0x80, v3, vm0, $0xb8;
	[tilespmem:$0x10200] =	vst v63  }
0x183: {  	s29 =	simm.s32 $0x2A00  }
0x184: {  	[tilespmem:s29], [sflag:$0x1] =	stream.indirect_vreg.gather [hbm4b:s4+s3], $0x80, v3, vm0, $0xb8;
	[tilespmem:$0x10200] =	vst v63  }
0x185: {  	s29 =	simm.s32 $0x3200  }
0x186: {  	[tilespmem:s29], [sflag:$0x1] =	stream.indirect_vreg.gather [hbm4b:s5+s3], $0x80, v3, vm0, $0xb8;
	[tilespmem:$0x10200] =	vst v63  }
0x187: {  	s29 =	simm.s32 $0x3A00  }
0x188: {  	[tilespmem:s29], [sflag:$0x1] =	stream.indirect_vreg.gather [hbm4b:s6+s3], $0x80, v3, vm0, $0xb8;
	[tilespmem:$0x10200] =	vst v63  }
0x189: {  	_ =	swait.ge [sflag:s22], $0x4000  }
0x18a: {  	[sflag:s22] =	ssyncset.done $0x0  }
0x18b: {  	s29 =	rddreg [dreg:$0x10];
	[sflag:s22] =	ssyncadd.s32 $0xFFFFC000  }
0x18c: {  	[hbm4b:s29+s3] =	stream.linear.scatter [tilespmem:s11], [sflag:$0x8], $0x4000, $0x38;
	[tilespmem:$0x10200] =	vst v63  }
0x18d: {  	_ =	swait.ge [sflag:s23], $0x4000  }
0x18e: {  	[sflag:s23] =	ssyncset.done $0x0  }
0x18f: {  	[sflag:s23] =	ssyncadd.s32 $0xFFFFC000  }
0x190: {  	v3 =	vld [tilespmem:$0xD0];
	_ =	sdelay $0x4  }
0x191: {  	v45 =	vshll.u32 v3, $0x3  }
0x192: {  	v3 =	vand.u32 $0x7, v3;
	v4 =	vand.u32 $0xFFFFFFC0, v45  }
0x193: {  	v3 =	vor.u32 v3, v4  }
0x194: {  	v4 =	vperm.xlane v3, v0;
	_ =	sdelay $0x1  }
0x195: {  	v4 =	vadd.s32 v1, v4;
	_ =	sdelay $0x4  }
0x196: {  	[tilespmem:s17], [sflag:$0x2] =	stream.indirect_vreg.gather [hbm4b:s1+s3], $0x80, v4, vm0, $0xb8;
	[tilespmem:$0x10200] =	vst v63  }
0x197: {  	s8 =	simm.s32 $0x4A00;
	v3 =	vperm.xlane v3, v2  }
0x198: {  	[tilespmem:s8], [sflag:$0x2] =	stream.indirect_vreg.gather [hbm4b:s4+s3], $0x80, v4, vm0, $0xb8;
	[tilespmem:$0x10200] =	vst v63  }
0x199: {  	s29 =	simm.s32 $0x5200;
	v3 =	vadd.s32 v1, v3  }
0x19a: {  	[tilespmem:s29], [sflag:$0x2] =	stream.indirect_vreg.gather [hbm4b:s5+s3], $0x80, v4, vm0, $0xb8;
	[tilespmem:$0x10200] =	vst v63  }
0x19b: {  	s29 =	simm.s32 $0x5A00  }
0x19c: {  	[tilespmem:s29], [sflag:$0x2] =	stream.indirect_vreg.gather [hbm4b:s6+s3], $0x80, v4, vm0, $0xb8;
	[tilespmem:$0x10200] =	vst v63  }
0x19d: {  	s29 =	simm.s32 $0x6200  }
0x19e: {  	[tilespmem:s29], [sflag:$0x2] =	stream.indirect_vreg.gather [hbm4b:s1+s3], $0x80, v3, vm0, $0xb8;
	[tilespmem:$0x10200] =	vst v63  }
0x19f: {  	s29 =	simm.s32 $0x6A00  }
0x1a0: {  	[tilespmem:s29], [sflag:$0x2] =	stream.indirect_vreg.gather [hbm4b:s4+s3], $0x80, v3, vm0, $0xb8;
	[tilespmem:$0x10200] =	vst v63  }
0x1a1: {  	s0 =	simm.s32 $0x7200  }
0x1a2: {  	[tilespmem:s0], [sflag:$0x2] =	stream.indirect_vreg.gather [hbm4b:s5+s3], $0x80, v3, vm0, $0xb8;
	[tilespmem:$0x10200] =	vst v63  }
0x1a3: {  	s2 =	simm.s32 $0x7A00  }
0x1a4: {  	[tilespmem:s2], [sflag:$0x2] =	stream.indirect_vreg.gather [hbm4b:s6+s3], $0x80, v3, vm0, $0xb8;
	[tilespmem:$0x10200] =	vst v63  }
0x1a5: {  	_ =	swait.ge [sflag:s25], $0x4000  }
0x1a6: {  	[sflag:s25] =	ssyncset.done $0x0  }
0x1a7: {  	s29 =	rddreg [dreg:$0x11];
	[sflag:s25] =	ssyncadd.s32 $0xFFFFC000  }
0x1a8: {  	[hbm4b:s29+s3] =	stream.linear.scatter [tilespmem:s16], [sflag:$0x5], $0x4000, $0x38;
	[tilespmem:$0x10200] =	vst v63  }
0x1a9: {  	_ =	swait.ge [sflag:s24], $0x4000  }
0x1aa: {  	[sflag:s24] =	ssyncset.done $0x0  }
0x1ab: {  	[sflag:s24] =	ssyncadd.s32 $0xFFFFC000  }
0x1ac: {  	v3 =	vld [tilespmem:$0xE0];
	_ =	sdelay $0x4  }
0x1ad: {  	v46 =	vshll.u32 v3, $0x3  }
0x1ae: {  	v3 =	vand.u32 $0x7, v3;
	v4 =	vand.u32 $0xFFFFFFC0, v46  }
0x1af: {  	v3 =	vor.u32 v3, v4  }
0x1b0: {  	v4 =	vperm.xlane v3, v0;
	_ =	sdelay $0x1  }
0x1b1: {  	v4 =	vadd.s32 v1, v4;
	_ =	sdelay $0x4  }
0x1b2: {  	[tilespmem:s26], [sflag:$0x3] =	stream.indirect_vreg.gather [hbm4b:s1+s3], $0x80, v4, vm0, $0xb8;
	[tilespmem:$0x10200] =	vst v63  }
0x1b3: {  	s29 =	simm.s32 $0x8A00;
	v3 =	vperm.xlane v3, v2  }
0x1b4: {  	[tilespmem:s29], [sflag:$0x3] =	stream.indirect_vreg.gather [hbm4b:s4+s3], $0x80, v4, vm0, $0xb8;
	[tilespmem:$0x10200] =	vst v63  }
0x1b5: {  	s7 =	simm.s32 $0x9200;
	v3 =	vadd.s32 v1, v3  }
0x1b6: {  	[tilespmem:s7], [sflag:$0x3] =	stream.indirect_vreg.gather [hbm4b:s5+s3], $0x80, v4, vm0, $0xb8;
	[tilespmem:$0x10200] =	vst v63  }
0x1b7: {  	s15 =	simm.s32 $0x9A00  }
0x1b8: {  	[tilespmem:s15], [sflag:$0x3] =	stream.indirect_vreg.gather [hbm4b:s6+s3], $0x80, v4, vm0, $0xb8;
	[tilespmem:$0x10200] =	vst v63  }
0x1b9: {  	s18 =	simm.s32 $0xA200  }
0x1ba: {  	[tilespmem:s18], [sflag:$0x3] =	stream.indirect_vreg.gather [hbm4b:s1+s3], $0x80, v3, vm0, $0xb8;
	[tilespmem:$0x10200] =	vst v63  }
0x1bb: {  	s12 =	simm.s32 $0xAA00  }
0x1bc: {  	[tilespmem:s12], [sflag:$0x3] =	stream.indirect_vreg.gather [hbm4b:s4+s3], $0x80, v3, vm0, $0xb8;
	[tilespmem:$0x10200] =	vst v63  }
0x1bd: {  	s13 =	simm.s32 $0xB200  }
0x1be: {  	[tilespmem:s13], [sflag:$0x3] =	stream.indirect_vreg.gather [hbm4b:s5+s3], $0x80, v3, vm0, $0xb8;
	[tilespmem:$0x10200] =	vst v63  }
0x1bf: {  	s29 =	simm.s32 $0xBA00  }
0x1c0: {  	[tilespmem:s29], [sflag:$0x3] =	stream.indirect_vreg.gather [hbm4b:s6+s3], $0x80, v3, vm0, $0xb8;
	[tilespmem:$0x10200] =	vst v63  }
0x1c1: {  	_ =	swait.ge [sflag:s10], $0x4000  }
0x1c2: {  	[sflag:s10] =	ssyncset.done $0x0  }
0x1c3: {  	s29 =	rddreg [dreg:$0x12];
	[sflag:s10] =	ssyncadd.s32 $0xFFFFC000  }
0x1c4: {  	[hbm4b:s29+s3] =	stream.linear.scatter [tilespmem:s17], [sflag:$0x6], $0x4000, $0x38;
	[tilespmem:$0x10200] =	vst v63  }
0x1c5: {  	_ =	swait.ge [sflag:s28], $0x4000  }
0x1c6: {  	[sflag:s28] =	ssyncset.done $0x0  }
0x1c7: {  	[sflag:s28] =	ssyncadd.s32 $0xFFFFC000  }
0x1c8: {  	v3 =	vld [tilespmem:$0xF0];
	_ =	sdelay $0x4  }
0x1c9: {  	v47 =	vshll.u32 v3, $0x3  }
0x1ca: {  	v3 =	vand.u32 $0x7, v3;
	v4 =	vand.u32 $0xFFFFFFC0, v47  }
0x1cb: {  	v3 =	vor.u32 v3, v4  }
0x1cc: {  	v4 =	vperm.xlane v3, v0;
	_ =	sdelay $0x1  }
0x1cd: {  	v4 =	vadd.s32 v1, v4;
	_ =	sdelay $0x4  }
0x1ce: {  	[tilespmem:s11], [sflag:$0x4] =	stream.indirect_vreg.gather [hbm4b:s1+s3], $0x80, v4, vm0, $0xb8;
	[tilespmem:$0x10200] =	vst v63  }
0x1cf: {  	s29 =	simm.s32 $0xCA00;
	v3 =	vperm.xlane v3, v2  }
0x1d0: {  	[tilespmem:s29], [sflag:$0x4] =	stream.indirect_vreg.gather [hbm4b:s4+s3], $0x80, v4, vm0, $0xb8;
	[tilespmem:$0x10200] =	vst v63  }
0x1d1: {  	s14 =	simm.s32 $0xD200;
	v3 =	vadd.s32 v1, v3  }
0x1d2: {  	[tilespmem:s14], [sflag:$0x4] =	stream.indirect_vreg.gather [hbm4b:s5+s3], $0x80, v4, vm0, $0xb8;
	[tilespmem:$0x10200] =	vst v63  }
0x1d3: {  	s19 =	simm.s32 $0xDA00  }
0x1d4: {  	[tilespmem:s19], [sflag:$0x4] =	stream.indirect_vreg.gather [hbm4b:s6+s3], $0x80, v4, vm0, $0xb8;
	[tilespmem:$0x10200] =	vst v63  }
0x1d5: {  	s30 =	simm.s32 $0xE200  }
0x1d6: {  	[tilespmem:s30], [sflag:$0x4] =	stream.indirect_vreg.gather [hbm4b:s1+s3], $0x80, v3, vm0, $0xb8;
	[tilespmem:$0x10200] =	vst v63  }
0x1d7: {  	s31 =	simm.s32 $0xEA00  }
0x1d8: {  	[tilespmem:s31], [sflag:$0x4] =	stream.indirect_vreg.gather [hbm4b:s4+s3], $0x80, v3, vm0, $0xb8;
	[tilespmem:$0x10200] =	vst v63  }
0x1d9: {  	s29 =	simm.s32 $0xF200  }
0x1da: {  	[tilespmem:s29], [sflag:$0x4] =	stream.indirect_vreg.gather [hbm4b:s5+s3], $0x80, v3, vm0, $0xb8;
	[tilespmem:$0x10200] =	vst v63  }
0x1db: {  	s29 =	simm.s32 $0xFA00  }
0x1dc: {  	[tilespmem:s29], [sflag:$0x4] =	stream.indirect_vreg.gather [hbm4b:s6+s3], $0x80, v3, vm0, $0xb8;
	[tilespmem:$0x10200] =	vst v63  }
0x1dd: {  	_ =	swait.ge [sflag:s20], $0x4000  }
0x1de: {  	[sflag:s20] =	ssyncset.done $0x0  }
0x1df: {  	s29 =	rddreg [dreg:$0x13];
	[sflag:s20] =	ssyncadd.s32 $0xFFFFC000  }
0x1e0: {  	[hbm4b:s29+s3] =	stream.linear.scatter [tilespmem:s26], [sflag:$0x7], $0x4000, $0x38;
	[tilespmem:$0x10200] =	vst v63  }
0x1e1: {  	_ =	swait.ge [sflag:s21], $0x4000  }
0x1e2: {  	[sflag:s21] =	ssyncset.done $0x0  }
0x1e3: {  	[sflag:s21] =	ssyncadd.s32 $0xFFFFC000  }
0x1e4: {  	v3 =	vld [tilespmem:$0x100];
	_ =	sdelay $0x4  }
0x1e5: {  	v48 =	vshll.u32 v3, $0x3  }
0x1e6: {  	v3 =	vand.u32 $0x7, v3;
	v4 =	vand.u32 $0xFFFFFFC0, v48  }
0x1e7: {  	v3 =	vor.u32 v3, v4  }
0x1e8: {  	v4 =	vperm.xlane v3, v0;
	_ =	sdelay $0x1  }
0x1e9: {  	v4 =	vadd.s32 v1, v4;
	_ =	sdelay $0x4  }
0x1ea: {  	[tilespmem:s16], [sflag:$0x1] =	stream.indirect_vreg.gather [hbm4b:s1+s3], $0x80, v4, vm0, $0xb8;
	[tilespmem:$0x10200] =	vst v63  }
0x1eb: {  	s29 =	simm.s32 $0xA00;
	v3 =	vperm.xlane v3, v2  }
0x1ec: {  	[tilespmem:s29], [sflag:$0x1] =	stream.indirect_vreg.gather [hbm4b:s4+s3], $0x80, v4, vm0, $0xb8;
	[tilespmem:$0x10200] =	vst v63  }
0x1ed: {  	v3 =	vadd.s32 v1, v3;
	s29 =	simm.s32 $0x1200  }
0x1ee: {  	[tilespmem:s29], [sflag:$0x1] =	stream.indirect_vreg.gather [hbm4b:s5+s3], $0x80, v4, vm0, $0xb8;
	[tilespmem:$0x10200] =	vst v63  }
0x1ef: {  	s29 =	simm.s32 $0x1A00  }
0x1f0: {  	[tilespmem:s29], [sflag:$0x1] =	stream.indirect_vreg.gather [hbm4b:s6+s3], $0x80, v4, vm0, $0xb8;
	[tilespmem:$0x10200] =	vst v63  }
0x1f1: {  	s9 =	simm.s32 $0x2200  }
0x1f2: {  	[tilespmem:s9], [sflag:$0x1] =	stream.indirect_vreg.gather [hbm4b:s1+s3], $0x80, v3, vm0, $0xb8;
	[tilespmem:$0x10200] =	vst v63  }
0x1f3: {  	s29 =	simm.s32 $0x2A00  }
0x1f4: {  	[tilespmem:s29], [sflag:$0x1] =	stream.indirect_vreg.gather [hbm4b:s4+s3], $0x80, v3, vm0, $0xb8;
	[tilespmem:$0x10200] =	vst v63  }
0x1f5: {  	s29 =	simm.s32 $0x3200  }
0x1f6: {  	[tilespmem:s29], [sflag:$0x1] =	stream.indirect_vreg.gather [hbm4b:s5+s3], $0x80, v3, vm0, $0xb8;
	[tilespmem:$0x10200] =	vst v63  }
0x1f7: {  	s29 =	simm.s32 $0x3A00  }
0x1f8: {  	[tilespmem:s29], [sflag:$0x1] =	stream.indirect_vreg.gather [hbm4b:s6+s3], $0x80, v3, vm0, $0xb8;
	[tilespmem:$0x10200] =	vst v63  }
0x1f9: {  	_ =	swait.ge [sflag:s22], $0x4000  }
0x1fa: {  	[sflag:s22] =	ssyncset.done $0x0  }
0x1fb: {  	s29 =	rddreg [dreg:$0x14];
	[sflag:s22] =	ssyncadd.s32 $0xFFFFC000  }
0x1fc: {  	[hbm4b:s29+s3] =	stream.linear.scatter [tilespmem:s11], [sflag:$0x8], $0x4000, $0x38;
	[tilespmem:$0x10200] =	vst v63  }
0x1fd: {  	_ =	swait.ge [sflag:s23], $0x4000  }
0x1fe: {  	[sflag:s23] =	ssyncset.done $0x0  }
0x1ff: {  	[sflag:s23] =	ssyncadd.s32 $0xFFFFC000  }
0x200: {  	v3 =	vld [tilespmem:$0x110];
	_ =	sdelay $0x4  }
0x201: {  	v49 =	vshll.u32 v3, $0x3  }
0x202: {  	v3 =	vand.u32 $0x7, v3;
	v4 =	vand.u32 $0xFFFFFFC0, v49  }
0x203: {  	v3 =	vor.u32 v3, v4  }
0x204: {  	v4 =	vperm.xlane v3, v0;
	_ =	sdelay $0x1  }
0x205: {  	v4 =	vadd.s32 v1, v4;
	_ =	sdelay $0x4  }
0x206: {  	[tilespmem:s17], [sflag:$0x2] =	stream.indirect_vreg.gather [hbm4b:s1+s3], $0x80, v4, vm0, $0xb8;
	[tilespmem:$0x10200] =	vst v63  }
0x207: {  	s8 =	simm.s32 $0x4A00;
	v3 =	vperm.xlane v3, v2  }
0x208: {  	[tilespmem:s8], [sflag:$0x2] =	stream.indirect_vreg.gather [hbm4b:s4+s3], $0x80, v4, vm0, $0xb8;
	[tilespmem:$0x10200] =	vst v63  }
0x209: {  	s29 =	simm.s32 $0x5200;
	v3 =	vadd.s32 v1, v3  }
0x20a: {  	[tilespmem:s29], [sflag:$0x2] =	stream.indirect_vreg.gather [hbm4b:s5+s3], $0x80, v4, vm0, $0xb8;
	[tilespmem:$0x10200] =	vst v63  }
0x20b: {  	s29 =	simm.s32 $0x5A00  }
0x20c: {  	[tilespmem:s29], [sflag:$0x2] =	stream.indirect_vreg.gather [hbm4b:s6+s3], $0x80, v4, vm0, $0xb8;
	[tilespmem:$0x10200] =	vst v63  }
0x20d: {  	s29 =	simm.s32 $0x6200  }
0x20e: {  	[tilespmem:s29], [sflag:$0x2] =	stream.indirect_vreg.gather [hbm4b:s1+s3], $0x80, v3, vm0, $0xb8;
	[tilespmem:$0x10200] =	vst v63  }
0x20f: {  	s29 =	simm.s32 $0x6A00  }
0x210: {  	[tilespmem:s29], [sflag:$0x2] =	stream.indirect_vreg.gather [hbm4b:s4+s3], $0x80, v3, vm0, $0xb8;
	[tilespmem:$0x10200] =	vst v63  }
0x211: {  	s0 =	simm.s32 $0x7200  }
0x212: {  	[tilespmem:s0], [sflag:$0x2] =	stream.indirect_vreg.gather [hbm4b:s5+s3], $0x80, v3, vm0, $0xb8;
	[tilespmem:$0x10200] =	vst v63  }
0x213: {  	s2 =	simm.s32 $0x7A00  }
0x214: {  	[tilespmem:s2], [sflag:$0x2] =	stream.indirect_vreg.gather [hbm4b:s6+s3], $0x80, v3, vm0, $0xb8;
	[tilespmem:$0x10200] =	vst v63  }
0x215: {  	_ =	swait.ge [sflag:s25], $0x4000  }
0x216: {  	[sflag:s25] =	ssyncset.done $0x0  }
0x217: {  	s29 =	rddreg [dreg:$0x15];
	[sflag:s25] =	ssyncadd.s32 $0xFFFFC000  }
0x218: {  	[hbm4b:s29+s3] =	stream.linear.scatter [tilespmem:s16], [sflag:$0x5], $0x4000, $0x38;
	[tilespmem:$0x10200] =	vst v63  }
0x219: {  	_ =	swait.ge [sflag:s24], $0x4000  }
0x21a: {  	[sflag:s24] =	ssyncset.done $0x0  }
0x21b: {  	[sflag:s24] =	ssyncadd.s32 $0xFFFFC000  }
0x21c: {  	v3 =	vld [tilespmem:$0x120];
	_ =	sdelay $0x4  }
0x21d: {  	v50 =	vshll.u32 v3, $0x3  }
0x21e: {  	v3 =	vand.u32 $0x7, v3;
	v4 =	vand.u32 $0xFFFFFFC0, v50  }
0x21f: {  	v3 =	vor.u32 v3, v4  }
0x220: {  	v4 =	vperm.xlane v3, v0;
	_ =	sdelay $0x1  }
0x221: {  	v4 =	vadd.s32 v1, v4;
	_ =	sdelay $0x4  }
0x222: {  	[tilespmem:s26], [sflag:$0x3] =	stream.indirect_vreg.gather [hbm4b:s1+s3], $0x80, v4, vm0, $0xb8;
	[tilespmem:$0x10200] =	vst v63  }
0x223: {  	s29 =	simm.s32 $0x8A00;
	v3 =	vperm.xlane v3, v2  }
0x224: {  	[tilespmem:s29], [sflag:$0x3] =	stream.indirect_vreg.gather [hbm4b:s4+s3], $0x80, v4, vm0, $0xb8;
	[tilespmem:$0x10200] =	vst v63  }
0x225: {  	s7 =	simm.s32 $0x9200;
	v3 =	vadd.s32 v1, v3  }
0x226: {  	[tilespmem:s7], [sflag:$0x3] =	stream.indirect_vreg.gather [hbm4b:s5+s3], $0x80, v4, vm0, $0xb8;
	[tilespmem:$0x10200] =	vst v63  }
0x227: {  	s15 =	simm.s32 $0x9A00  }
0x228: {  	[tilespmem:s15], [sflag:$0x3] =	stream.indirect_vreg.gather [hbm4b:s6+s3], $0x80, v4, vm0, $0xb8;
	[tilespmem:$0x10200] =	vst v63  }
0x229: {  	s18 =	simm.s32 $0xA200  }
0x22a: {  	[tilespmem:s18], [sflag:$0x3] =	stream.indirect_vreg.gather [hbm4b:s1+s3], $0x80, v3, vm0, $0xb8;
	[tilespmem:$0x10200] =	vst v63  }
0x22b: {  	s12 =	simm.s32 $0xAA00  }
0x22c: {  	[tilespmem:s12], [sflag:$0x3] =	stream.indirect_vreg.gather [hbm4b:s4+s3], $0x80, v3, vm0, $0xb8;
	[tilespmem:$0x10200] =	vst v63  }
0x22d: {  	s13 =	simm.s32 $0xB200  }
0x22e: {  	[tilespmem:s13], [sflag:$0x3] =	stream.indirect_vreg.gather [hbm4b:s5+s3], $0x80, v3, vm0, $0xb8;
	[tilespmem:$0x10200] =	vst v63  }
0x22f: {  	s29 =	simm.s32 $0xBA00  }
0x230: {  	[tilespmem:s29], [sflag:$0x3] =	stream.indirect_vreg.gather [hbm4b:s6+s3], $0x80, v3, vm0, $0xb8;
	[tilespmem:$0x10200] =	vst v63  }
0x231: {  	_ =	swait.ge [sflag:s10], $0x4000  }
0x232: {  	[sflag:s10] =	ssyncset.done $0x0  }
0x233: {  	s29 =	rddreg [dreg:$0x16];
	[sflag:s10] =	ssyncadd.s32 $0xFFFFC000  }
0x234: {  	[hbm4b:s29+s3] =	stream.linear.scatter [tilespmem:s17], [sflag:$0x6], $0x4000, $0x38;
	[tilespmem:$0x10200] =	vst v63  }
0x235: {  	_ =	swait.ge [sflag:s28], $0x4000  }
0x236: {  	[sflag:s28] =	ssyncset.done $0x0  }
0x237: {  	[sflag:s28] =	ssyncadd.s32 $0xFFFFC000  }
0x238: {  	v3 =	vld [tilespmem:$0x130];
	_ =	sdelay $0x4  }
0x239: {  	v51 =	vshll.u32 v3, $0x3  }
0x23a: {  	v3 =	vand.u32 $0x7, v3;
	v4 =	vand.u32 $0xFFFFFFC0, v51  }
0x23b: {  	v3 =	vor.u32 v3, v4  }
0x23c: {  	v4 =	vperm.xlane v3, v0;
	_ =	sdelay $0x1  }
0x23d: {  	v4 =	vadd.s32 v1, v4;
	_ =	sdelay $0x4  }
0x23e: {  	[tilespmem:s11], [sflag:$0x4] =	stream.indirect_vreg.gather [hbm4b:s1+s3], $0x80, v4, vm0, $0xb8;
	[tilespmem:$0x10200] =	vst v63  }
0x23f: {  	s29 =	simm.s32 $0xCA00;
	v3 =	vperm.xlane v3, v2  }
0x240: {  	[tilespmem:s29], [sflag:$0x4] =	stream.indirect_vreg.gather [hbm4b:s4+s3], $0x80, v4, vm0, $0xb8;
	[tilespmem:$0x10200] =	vst v63  }
0x241: {  	s14 =	simm.s32 $0xD200;
	v3 =	vadd.s32 v1, v3  }
0x242: {  	[tilespmem:s14], [sflag:$0x4] =	stream.indirect_vreg.gather [hbm4b:s5+s3], $0x80, v4, vm0, $0xb8;
	[tilespmem:$0x10200] =	vst v63  }
0x243: {  	s19 =	simm.s32 $0xDA00  }
0x244: {  	[tilespmem:s19], [sflag:$0x4] =	stream.indirect_vreg.gather [hbm4b:s6+s3], $0x80, v4, vm0, $0xb8;
	[tilespmem:$0x10200] =	vst v63  }
0x245: {  	s30 =	simm.s32 $0xE200  }
0x246: {  	[tilespmem:s30], [sflag:$0x4] =	stream.indirect_vreg.gather [hbm4b:s1+s3], $0x80, v3, vm0, $0xb8;
	[tilespmem:$0x10200] =	vst v63  }
0x247: {  	s31 =	simm.s32 $0xEA00  }
0x248: {  	[tilespmem:s31], [sflag:$0x4] =	stream.indirect_vreg.gather [hbm4b:s4+s3], $0x80, v3, vm0, $0xb8;
	[tilespmem:$0x10200] =	vst v63  }
0x249: {  	s29 =	simm.s32 $0xF200  }
0x24a: {  	[tilespmem:s29], [sflag:$0x4] =	stream.indirect_vreg.gather [hbm4b:s5+s3], $0x80, v3, vm0, $0xb8;
	[tilespmem:$0x10200] =	vst v63  }
0x24b: {  	s29 =	simm.s32 $0xFA00  }
0x24c: {  	[tilespmem:s29], [sflag:$0x4] =	stream.indirect_vreg.gather [hbm4b:s6+s3], $0x80, v3, vm0, $0xb8;
	[tilespmem:$0x10200] =	vst v63  }
0x24d: {  	_ =	swait.ge [sflag:s20], $0x4000  }
0x24e: {  	[sflag:s20] =	ssyncset.done $0x0  }
0x24f: {  	s29 =	rddreg [dreg:$0x17];
	[sflag:s20] =	ssyncadd.s32 $0xFFFFC000  }
0x250: {  	[hbm4b:s29+s3] =	stream.linear.scatter [tilespmem:s26], [sflag:$0x7], $0x4000, $0x38;
	[tilespmem:$0x10200] =	vst v63  }
0x251: {  	_ =	swait.ge [sflag:s21], $0x4000  }
0x252: {  	[sflag:s21] =	ssyncset.done $0x0  }
0x253: {  	[sflag:s21] =	ssyncadd.s32 $0xFFFFC000  }
0x254: {  	v3 =	vld [tilespmem:$0x140];
	_ =	sdelay $0x4  }
0x255: {  	v52 =	vshll.u32 v3, $0x3  }
0x256: {  	v3 =	vand.u32 $0x7, v3;
	v4 =	vand.u32 $0xFFFFFFC0, v52  }
0x257: {  	v3 =	vor.u32 v3, v4  }
0x258: {  	v4 =	vperm.xlane v3, v0;
	_ =	sdelay $0x1  }
0x259: {  	v4 =	vadd.s32 v1, v4;
	_ =	sdelay $0x4  }
0x25a: {  	[tilespmem:s16], [sflag:$0x1] =	stream.indirect_vreg.gather [hbm4b:s1+s3], $0x80, v4, vm0, $0xb8;
	[tilespmem:$0x10200] =	vst v63  }
0x25b: {  	s29 =	simm.s32 $0xA00;
	v3 =	vperm.xlane v3, v2  }
0x25c: {  	[tilespmem:s29], [sflag:$0x1] =	stream.indirect_vreg.gather [hbm4b:s4+s3], $0x80, v4, vm0, $0xb8;
	[tilespmem:$0x10200] =	vst v63  }
0x25d: {  	v3 =	vadd.s32 v1, v3;
	s29 =	simm.s32 $0x1200  }
0x25e: {  	[tilespmem:s29], [sflag:$0x1] =	stream.indirect_vreg.gather [hbm4b:s5+s3], $0x80, v4, vm0, $0xb8;
	[tilespmem:$0x10200] =	vst v63  }
0x25f: {  	s29 =	simm.s32 $0x1A00  }
0x260: {  	[tilespmem:s29], [sflag:$0x1] =	stream.indirect_vreg.gather [hbm4b:s6+s3], $0x80, v4, vm0, $0xb8;
	[tilespmem:$0x10200] =	vst v63  }
0x261: {  	s9 =	simm.s32 $0x2200  }
0x262: {  	[tilespmem:s9], [sflag:$0x1] =	stream.indirect_vreg.gather [hbm4b:s1+s3], $0x80, v3, vm0, $0xb8;
	[tilespmem:$0x10200] =	vst v63  }
0x263: {  	s29 =	simm.s32 $0x2A00  }
0x264: {  	[tilespmem:s29], [sflag:$0x1] =	stream.indirect_vreg.gather [hbm4b:s4+s3], $0x80, v3, vm0, $0xb8;
	[tilespmem:$0x10200] =	vst v63  }
0x265: {  	s29 =	simm.s32 $0x3200  }
0x266: {  	[tilespmem:s29], [sflag:$0x1] =	stream.indirect_vreg.gather [hbm4b:s5+s3], $0x80, v3, vm0, $0xb8;
	[tilespmem:$0x10200] =	vst v63  }
0x267: {  	s29 =	simm.s32 $0x3A00  }
0x268: {  	[tilespmem:s29], [sflag:$0x1] =	stream.indirect_vreg.gather [hbm4b:s6+s3], $0x80, v3, vm0, $0xb8;
	[tilespmem:$0x10200] =	vst v63  }
0x269: {  	_ =	swait.ge [sflag:s22], $0x4000  }
0x26a: {  	[sflag:s22] =	ssyncset.done $0x0  }
0x26b: {  	s29 =	rddreg [dreg:$0x18];
	[sflag:s22] =	ssyncadd.s32 $0xFFFFC000  }
0x26c: {  	[hbm4b:s29+s3] =	stream.linear.scatter [tilespmem:s11], [sflag:$0x8], $0x4000, $0x38;
	[tilespmem:$0x10200] =	vst v63  }
0x26d: {  	_ =	swait.ge [sflag:s23], $0x4000  }
0x26e: {  	[sflag:s23] =	ssyncset.done $0x0  }
0x26f: {  	[sflag:s23] =	ssyncadd.s32 $0xFFFFC000  }
0x270: {  	v3 =	vld [tilespmem:$0x150];
	_ =	sdelay $0x4  }
0x271: {  	v53 =	vshll.u32 v3, $0x3  }
0x272: {  	v3 =	vand.u32 $0x7, v3;
	v4 =	vand.u32 $0xFFFFFFC0, v53  }
0x273: {  	v3 =	vor.u32 v3, v4  }
0x274: {  	v4 =	vperm.xlane v3, v0;
	_ =	sdelay $0x1  }
0x275: {  	v4 =	vadd.s32 v1, v4;
	_ =	sdelay $0x4  }
0x276: {  	[tilespmem:s17], [sflag:$0x2] =	stream.indirect_vreg.gather [hbm4b:s1+s3], $0x80, v4, vm0, $0xb8;
	[tilespmem:$0x10200] =	vst v63  }
0x277: {  	s8 =	simm.s32 $0x4A00;
	v3 =	vperm.xlane v3, v2  }
0x278: {  	[tilespmem:s8], [sflag:$0x2] =	stream.indirect_vreg.gather [hbm4b:s4+s3], $0x80, v4, vm0, $0xb8;
	[tilespmem:$0x10200] =	vst v63  }
0x279: {  	s29 =	simm.s32 $0x5200;
	v3 =	vadd.s32 v1, v3  }
0x27a: {  	[tilespmem:s29], [sflag:$0x2] =	stream.indirect_vreg.gather [hbm4b:s5+s3], $0x80, v4, vm0, $0xb8;
	[tilespmem:$0x10200] =	vst v63  }
0x27b: {  	s29 =	simm.s32 $0x5A00  }
0x27c: {  	[tilespmem:s29], [sflag:$0x2] =	stream.indirect_vreg.gather [hbm4b:s6+s3], $0x80, v4, vm0, $0xb8;
	[tilespmem:$0x10200] =	vst v63  }
0x27d: {  	s29 =	simm.s32 $0x6200  }
0x27e: {  	[tilespmem:s29], [sflag:$0x2] =	stream.indirect_vreg.gather [hbm4b:s1+s3], $0x80, v3, vm0, $0xb8;
	[tilespmem:$0x10200] =	vst v63  }
0x27f: {  	s29 =	simm.s32 $0x6A00  }
0x280: {  	[tilespmem:s29], [sflag:$0x2] =	stream.indirect_vreg.gather [hbm4b:s4+s3], $0x80, v3, vm0, $0xb8;
	[tilespmem:$0x10200] =	vst v63  }
0x281: {  	s0 =	simm.s32 $0x7200  }
0x282: {  	[tilespmem:s0], [sflag:$0x2] =	stream.indirect_vreg.gather [hbm4b:s5+s3], $0x80, v3, vm0, $0xb8;
	[tilespmem:$0x10200] =	vst v63  }
0x283: {  	s2 =	simm.s32 $0x7A00  }
0x284: {  	[tilespmem:s2], [sflag:$0x2] =	stream.indirect_vreg.gather [hbm4b:s6+s3], $0x80, v3, vm0, $0xb8;
	[tilespmem:$0x10200] =	vst v63  }
0x285: {  	_ =	swait.ge [sflag:s25], $0x4000  }
0x286: {  	[sflag:s25] =	ssyncset.done $0x0  }
0x287: {  	s0 =	rddreg [dreg:$0x19];
	[sflag:s25] =	ssyncadd.s32 $0xFFFFC000  }
0x288: {  	[hbm4b:s0+s3] =	stream.linear.scatter [tilespmem:s16], [sflag:$0x5], $0x4000, $0x38;
	[tilespmem:$0x10200] =	vst v63  }
0x289: {  	_ =	swait.ge [sflag:s24], $0x4000  }
0x28a: {  	[sflag:s24] =	ssyncset.done $0x0  }
0x28b: {  	[sflag:s24] =	ssyncadd.s32 $0xFFFFC000  }
0x28c: {  	v3 =	vld [tilespmem:$0x160];
	_ =	sdelay $0x4  }
0x28d: {  	v54 =	vshll.u32 v3, $0x3  }
0x28e: {  	v3 =	vand.u32 $0x7, v3;
	v4 =	vand.u32 $0xFFFFFFC0, v54  }
0x28f: {  	v3 =	vor.u32 v3, v4  }
0x290: {  	v4 =	vperm.xlane v3, v0;
	_ =	sdelay $0x1  }
0x291: {  	v4 =	vadd.s32 v1, v4;
	_ =	sdelay $0x4  }
0x292: {  	[tilespmem:s26], [sflag:$0x3] =	stream.indirect_vreg.gather [hbm4b:s1+s3], $0x80, v4, vm0, $0xb8;
	[tilespmem:$0x10200] =	vst v63  }
0x293: {  	s29 =	simm.s32 $0x8A00;
	v3 =	vperm.xlane v3, v2  }
0x294: {  	[tilespmem:s29], [sflag:$0x3] =	stream.indirect_vreg.gather [hbm4b:s4+s3], $0x80, v4, vm0, $0xb8;
	[tilespmem:$0x10200] =	vst v63  }
0x295: {  	s7 =	simm.s32 $0x9200;
	v3 =	vadd.s32 v1, v3  }
0x296: {  	[tilespmem:s7], [sflag:$0x3] =	stream.indirect_vreg.gather [hbm4b:s5+s3], $0x80, v4, vm0, $0xb8;
	[tilespmem:$0x10200] =	vst v63  }
0x297: {  	s15 =	simm.s32 $0x9A00  }
0x298: {  	[tilespmem:s15], [sflag:$0x3] =	stream.indirect_vreg.gather [hbm4b:s6+s3], $0x80, v4, vm0, $0xb8;
	[tilespmem:$0x10200] =	vst v63  }
0x299: {  	s18 =	simm.s32 $0xA200  }
0x29a: {  	[tilespmem:s18], [sflag:$0x3] =	stream.indirect_vreg.gather [hbm4b:s1+s3], $0x80, v3, vm0, $0xb8;
	[tilespmem:$0x10200] =	vst v63  }
0x29b: {  	s12 =	simm.s32 $0xAA00  }
0x29c: {  	[tilespmem:s12], [sflag:$0x3] =	stream.indirect_vreg.gather [hbm4b:s4+s3], $0x80, v3, vm0, $0xb8;
	[tilespmem:$0x10200] =	vst v63  }
0x29d: {  	s13 =	simm.s32 $0xB200  }
0x29e: {  	[tilespmem:s13], [sflag:$0x3] =	stream.indirect_vreg.gather [hbm4b:s5+s3], $0x80, v3, vm0, $0xb8;
	[tilespmem:$0x10200] =	vst v63  }
0x29f: {  	s12 =	simm.s32 $0xBA00  }
0x2a0: {  	[tilespmem:s12], [sflag:$0x3] =	stream.indirect_vreg.gather [hbm4b:s6+s3], $0x80, v3, vm0, $0xb8;
	[tilespmem:$0x10200] =	vst v63  }
0x2a1: {  	_ =	swait.ge [sflag:s10], $0x4000  }
0x2a2: {  	[sflag:s10] =	ssyncset.done $0x0  }
0x2a3: {  	s13 =	rddreg [dreg:$0x1a];
	[sflag:s10] =	ssyncadd.s32 $0xFFFFC000  }
0x2a4: {  	[hbm4b:s13+s3] =	stream.linear.scatter [tilespmem:s17], [sflag:$0x6], $0x4000, $0x38;
	[tilespmem:$0x10200] =	vst v63  }
0x2a5: {  	_ =	swait.ge [sflag:s28], $0x4000  }
0x2a6: {  	[sflag:s28] =	ssyncset.done $0x0  }
0x2a7: {  	[sflag:s28] =	ssyncadd.s32 $0xFFFFC000  }
0x2a8: {  	v3 =	vld [tilespmem:$0x170];
	_ =	sdelay $0x4  }
0x2a9: {  	v55 =	vshll.u32 v3, $0x3  }
0x2aa: {  	v3 =	vand.u32 $0x7, v3;
	v4 =	vand.u32 $0xFFFFFFC0, v55  }
0x2ab: {  	v3 =	vor.u32 v3, v4  }
0x2ac: {  	v4 =	vperm.xlane v3, v0;
	_ =	sdelay $0x1  }
0x2ad: {  	v4 =	vadd.s32 v1, v4;
	_ =	sdelay $0x4  }
0x2ae: {  	[tilespmem:s11], [sflag:$0x4] =	stream.indirect_vreg.gather [hbm4b:s1+s3], $0x80, v4, vm0, $0xb8;
	[tilespmem:$0x10200] =	vst v63  }
0x2af: {  	s29 =	simm.s32 $0xCA00;
	v3 =	vperm.xlane v3, v2  }
0x2b0: {  	[tilespmem:s29], [sflag:$0x4] =	stream.indirect_vreg.gather [hbm4b:s4+s3], $0x80, v4, vm0, $0xb8;
	[tilespmem:$0x10200] =	vst v63  }
0x2b1: {  	s14 =	simm.s32 $0xD200;
	v3 =	vadd.s32 v1, v3  }
0x2b2: {  	[tilespmem:s14], [sflag:$0x4] =	stream.indirect_vreg.gather [hbm4b:s5+s3], $0x80, v4, vm0, $0xb8;
	[tilespmem:$0x10200] =	vst v63  }
0x2b3: {  	s19 =	simm.s32 $0xDA00  }
0x2b4: {  	[tilespmem:s19], [sflag:$0x4] =	stream.indirect_vreg.gather [hbm4b:s6+s3], $0x80, v4, vm0, $0xb8;
	[tilespmem:$0x10200] =	vst v63  }
0x2b5: {  	s30 =	simm.s32 $0xE200  }
0x2b6: {  	[tilespmem:s30], [sflag:$0x4] =	stream.indirect_vreg.gather [hbm4b:s1+s3], $0x80, v3, vm0, $0xb8;
	[tilespmem:$0x10200] =	vst v63  }
0x2b7: {  	s31 =	simm.s32 $0xEA00  }
0x2b8: {  	[tilespmem:s31], [sflag:$0x4] =	stream.indirect_vreg.gather [hbm4b:s4+s3], $0x80, v3, vm0, $0xb8;
	[tilespmem:$0x10200] =	vst v63  }
0x2b9: {  	s30 =	simm.s32 $0xF200  }
0x2ba: {  	[tilespmem:s30], [sflag:$0x4] =	stream.indirect_vreg.gather [hbm4b:s5+s3], $0x80, v3, vm0, $0xb8;
	[tilespmem:$0x10200] =	vst v63  }
0x2bb: {  	s31 =	simm.s32 $0xFA00  }
0x2bc: {  	[tilespmem:s31], [sflag:$0x4] =	stream.indirect_vreg.gather [hbm4b:s6+s3], $0x80, v3, vm0, $0xb8;
	[tilespmem:$0x10200] =	vst v63  }
0x2bd: {  	_ =	swait.ge [sflag:s20], $0x4000  }
0x2be: {  	[sflag:s20] =	ssyncset.done $0x0  }
0x2bf: {  	s12 =	rddreg [dreg:$0x1b];
	[sflag:s20] =	ssyncadd.s32 $0xFFFFC000  }
0x2c0: {  	[hbm4b:s12+s3] =	stream.linear.scatter [tilespmem:s26], [sflag:$0x7], $0x4000, $0x38;
	[tilespmem:$0x10200] =	vst v63  }
0x2c1: {  	_ =	swait.ge [sflag:s21], $0x4000  }
0x2c2: {  	[sflag:s21] =	ssyncset.done $0x0  }
0x2c3: {  	[sflag:s21] =	ssyncadd.s32 $0xFFFFC000  }
0x2c4: {  	v3 =	vld [tilespmem:$0x180];
	_ =	sdelay $0x4  }
0x2c5: {  	v56 =	vshll.u32 v3, $0x3  }
0x2c6: {  	v3 =	vand.u32 $0x7, v3;
	v4 =	vand.u32 $0xFFFFFFC0, v56  }
0x2c7: {  	v3 =	vor.u32 v3, v4  }
0x2c8: {  	v4 =	vperm.xlane v3, v0;
	_ =	sdelay $0x1  }
0x2c9: {  	v4 =	vadd.s32 v1, v4;
	_ =	sdelay $0x4  }
0x2ca: {  	[tilespmem:s16], [sflag:$0x1] =	stream.indirect_vreg.gather [hbm4b:s1+s3], $0x80, v4, vm0, $0xb8;
	[tilespmem:$0x10200] =	vst v63  }
0x2cb: {  	s13 =	simm.s32 $0xA00;
	v3 =	vperm.xlane v3, v2  }
0x2cc: {  	[tilespmem:s13], [sflag:$0x1] =	stream.indirect_vreg.gather [hbm4b:s4+s3], $0x80, v4, vm0, $0xb8;
	[tilespmem:$0x10200] =	vst v63  }
0x2cd: {  	s14 =	simm.s32 $0x1200;
	v3 =	vadd.s32 v1, v3  }
0x2ce: {  	[tilespmem:s14], [sflag:$0x1] =	stream.indirect_vreg.gather [hbm4b:s5+s3], $0x80, v4, vm0, $0xb8;
	[tilespmem:$0x10200] =	vst v63  }
0x2cf: {  	s19 =	simm.s32 $0x1A00  }
0x2d0: {  	[tilespmem:s19], [sflag:$0x1] =	stream.indirect_vreg.gather [hbm4b:s6+s3], $0x80, v4, vm0, $0xb8;
	[tilespmem:$0x10200] =	vst v63  }
0x2d1: {  	s9 =	simm.s32 $0x2200  }
0x2d2: {  	[tilespmem:s9], [sflag:$0x1] =	stream.indirect_vreg.gather [hbm4b:s1+s3], $0x80, v3, vm0, $0xb8;
	[tilespmem:$0x10200] =	vst v63  }
0x2d3: {  	s29 =	simm.s32 $0x2A00  }
0x2d4: {  	[tilespmem:s29], [sflag:$0x1] =	stream.indirect_vreg.gather [hbm4b:s4+s3], $0x80, v3, vm0, $0xb8;
	[tilespmem:$0x10200] =	vst v63  }
0x2d5: {  	s30 =	simm.s32 $0x3200  }
0x2d6: {  	[tilespmem:s30], [sflag:$0x1] =	stream.indirect_vreg.gather [hbm4b:s5+s3], $0x80, v3, vm0, $0xb8;
	[tilespmem:$0x10200] =	vst v63  }
0x2d7: {  	s31 =	simm.s32 $0x3A00  }
0x2d8: {  	[tilespmem:s31], [sflag:$0x1] =	stream.indirect_vreg.gather [hbm4b:s6+s3], $0x80, v3, vm0, $0xb8;
	[tilespmem:$0x10200] =	vst v63  }
0x2d9: {  	_ =	swait.ge [sflag:s22], $0x4000  }
0x2da: {  	[sflag:s22] =	ssyncset.done $0x0  }
0x2db: {  	s9 =	rddreg [dreg:$0x1c];
	[sflag:s22] =	ssyncadd.s32 $0xFFFFC000  }
0x2dc: {  	[hbm4b:s9+s3] =	stream.linear.scatter [tilespmem:s11], [sflag:$0x8], $0x4000, $0x38;
	[tilespmem:$0x10200] =	vst v63  }
0x2dd: {  	_ =	swait.ge [sflag:s23], $0x4000  }
0x2de: {  	[sflag:s23] =	ssyncset.done $0x0  }
0x2df: {  	[sflag:s23] =	ssyncadd.s32 $0xFFFFC000  }
0x2e0: {  	v3 =	vld [tilespmem:$0x190];
	_ =	sdelay $0x4  }
0x2e1: {  	v57 =	vshll.u32 v3, $0x3  }
0x2e2: {  	v3 =	vand.u32 $0x7, v3;
	v4 =	vand.u32 $0xFFFFFFC0, v57  }
0x2e3: {  	v3 =	vor.u32 v3, v4  }
0x2e4: {  	v4 =	vperm.xlane v3, v0;
	_ =	sdelay $0x1  }
0x2e5: {  	v4 =	vadd.s32 v1, v4;
	_ =	sdelay $0x4  }
0x2e6: {  	[tilespmem:s17], [sflag:$0x2] =	stream.indirect_vreg.gather [hbm4b:s1+s3], $0x80, v4, vm0, $0xb8;
	[tilespmem:$0x10200] =	vst v63  }
0x2e7: {  	s12 =	simm.s32 $0x4A00;
	v3 =	vperm.xlane v3, v2  }
0x2e8: {  	[tilespmem:s12], [sflag:$0x2] =	stream.indirect_vreg.gather [hbm4b:s4+s3], $0x80, v4, vm0, $0xb8;
	[tilespmem:$0x10200] =	vst v63  }
0x2e9: {  	s14 =	simm.s32 $0x5200;
	v3 =	vadd.s32 v1, v3  }
0x2ea: {  	[tilespmem:s14], [sflag:$0x2] =	stream.indirect_vreg.gather [hbm4b:s5+s3], $0x80, v4, vm0, $0xb8;
	[tilespmem:$0x10200] =	vst v63  }
0x2eb: {  	s19 =	simm.s32 $0x5A00  }
0x2ec: {  	[tilespmem:s19], [sflag:$0x2] =	stream.indirect_vreg.gather [hbm4b:s6+s3], $0x80, v4, vm0, $0xb8;
	[tilespmem:$0x10200] =	vst v63  }
0x2ed: {  	s29 =	simm.s32 $0x6200  }
0x2ee: {  	[tilespmem:s29], [sflag:$0x2] =	stream.indirect_vreg.gather [hbm4b:s1+s3], $0x80, v3, vm0, $0xb8;
	[tilespmem:$0x10200] =	vst v63  }
0x2ef: {  	s14 =	simm.s32 $0x6A00  }
0x2f0: {  	[tilespmem:s14], [sflag:$0x2] =	stream.indirect_vreg.gather [hbm4b:s4+s3], $0x80, v3, vm0, $0xb8;
	[tilespmem:$0x10200] =	vst v63  }
0x2f1: {  	s8 =	simm.s32 $0x7200  }
0x2f2: {  	[tilespmem:s8], [sflag:$0x2] =	stream.indirect_vreg.gather [hbm4b:s5+s3], $0x80, v3, vm0, $0xb8;
	[tilespmem:$0x10200] =	vst v63  }
0x2f3: {  	s2 =	simm.s32 $0x7A00  }
0x2f4: {  	[tilespmem:s2], [sflag:$0x2] =	stream.indirect_vreg.gather [hbm4b:s6+s3], $0x80, v3, vm0, $0xb8;
	[tilespmem:$0x10200] =	vst v63  }
0x2f5: {  	_ =	swait.ge [sflag:s25], $0x4000  }
0x2f6: {  	[sflag:s25] =	ssyncset.done $0x0  }
0x2f7: {  	s19 =	rddreg [dreg:$0x1d];
	[sflag:s25] =	ssyncadd.s32 $0xFFFFC000  }
0x2f8: {  	[hbm4b:s19+s3] =	stream.linear.scatter [tilespmem:s16], [sflag:$0x5], $0x4000, $0x38;
	[tilespmem:$0x10200] =	vst v63  }
0x2f9: {  	_ =	swait.ge [sflag:s24], $0x4000  }
0x2fa: {  	[sflag:s24] =	ssyncset.done $0x0  }
0x2fb: {  	[sflag:s24] =	ssyncadd.s32 $0xFFFFC000  }
0x2fc: {  	v3 =	vld [tilespmem:$0x1A0];
	_ =	sdelay $0x4  }
0x2fd: {  	v58 =	vshll.u32 v3, $0x3  }
0x2fe: {  	v3 =	vand.u32 $0x7, v3;
	v4 =	vand.u32 $0xFFFFFFC0, v58  }
0x2ff: {  	v3 =	vor.u32 v3, v4  }
0x300: {  	v4 =	vperm.xlane v3, v0;
	_ =	sdelay $0x1  }
0x301: {  	v4 =	vadd.s32 v1, v4;
	_ =	sdelay $0x4  }
0x302: {  	[tilespmem:s26], [sflag:$0x3] =	stream.indirect_vreg.gather [hbm4b:s1+s3], $0x80, v4, vm0, $0xb8;
	[tilespmem:$0x10200] =	vst v63  }
0x303: {  	s29 =	simm.s32 $0x8A00;
	v3 =	vperm.xlane v3, v2  }
0x304: {  	[tilespmem:s29], [sflag:$0x3] =	stream.indirect_vreg.gather [hbm4b:s4+s3], $0x80, v4, vm0, $0xb8;
	[tilespmem:$0x10200] =	vst v63  }
0x305: {  	s7 =	simm.s32 $0x9200;
	v3 =	vadd.s32 v1, v3  }
0x306: {  	[tilespmem:s7], [sflag:$0x3] =	stream.indirect_vreg.gather [hbm4b:s5+s3], $0x80, v4, vm0, $0xb8;
	[tilespmem:$0x10200] =	vst v63  }
0x307: {  	s14 =	simm.s32 $0x9A00  }
0x308: {  	[tilespmem:s14], [sflag:$0x3] =	stream.indirect_vreg.gather [hbm4b:s6+s3], $0x80, v4, vm0, $0xb8;
	[tilespmem:$0x10200] =	vst v63  }
0x309: {  	s19 =	simm.s32 $0xA200  }
0x30a: {  	[tilespmem:s19], [sflag:$0x3] =	stream.indirect_vreg.gather [hbm4b:s1+s3], $0x80, v3, vm0, $0xb8;
	[tilespmem:$0x10200] =	vst v63  }
0x30b: {  	s15 =	simm.s32 $0xAA00  }
0x30c: {  	[tilespmem:s15], [sflag:$0x3] =	stream.indirect_vreg.gather [hbm4b:s4+s3], $0x80, v3, vm0, $0xb8;
	[tilespmem:$0x10200] =	vst v63  }
0x30d: {  	s18 =	simm.s32 $0xB200  }
0x30e: {  	[tilespmem:s18], [sflag:$0x3] =	stream.indirect_vreg.gather [hbm4b:s5+s3], $0x80, v3, vm0, $0xb8;
	[tilespmem:$0x10200] =	vst v63  }
0x30f: {  	s29 =	simm.s32 $0xBA00  }
0x310: {  	[tilespmem:s29], [sflag:$0x3] =	stream.indirect_vreg.gather [hbm4b:s6+s3], $0x80, v3, vm0, $0xb8;
	[tilespmem:$0x10200] =	vst v63  }
0x311: {  	_ =	swait.ge [sflag:s10], $0x4000  }
0x312: {  	[sflag:s10] =	ssyncset.done $0x0  }
0x313: {  	s18 =	rddreg [dreg:$0x1e];
	[sflag:s10] =	ssyncadd.s32 $0xFFFFC000  }
0x314: {  	[hbm4b:s18+s3] =	stream.linear.scatter [tilespmem:s17], [sflag:$0x6], $0x4000, $0x38;
	[tilespmem:$0x10200] =	vst v63  }
0x315: {  	_ =	swait.ge [sflag:s28], $0x4000  }
0x316: {  	[sflag:s28] =	ssyncset.done $0x0  }
0x317: {  	[sflag:s28] =	ssyncadd.s32 $0xFFFFC000  }
0x318: {  	v3 =	vld [tilespmem:$0x1B0];
	_ =	sdelay $0x4  }
0x319: {  	v59 =	vshll.u32 v3, $0x3  }
0x31a: {  	v3 =	vand.u32 $0x7, v3;
	v4 =	vand.u32 $0xFFFFFFC0, v59  }
0x31b: {  	v3 =	vor.u32 v3, v4  }
0x31c: {  	v4 =	vperm.xlane v3, v0;
	_ =	sdelay $0x1  }
0x31d: {  	v4 =	vadd.s32 v1, v4;
	_ =	sdelay $0x4  }
0x31e: {  	[tilespmem:s11], [sflag:$0x4] =	stream.indirect_vreg.gather [hbm4b:s1+s3], $0x80, v4, vm0, $0xb8;
	[tilespmem:$0x10200] =	vst v63  }
0x31f: {  	s29 =	simm.s32 $0xCA00;
	v3 =	vperm.xlane v3, v2  }
0x320: {  	[tilespmem:s29], [sflag:$0x4] =	stream.indirect_vreg.gather [hbm4b:s4+s3], $0x80, v4, vm0, $0xb8;
	[tilespmem:$0x10200] =	vst v63  }
0x321: {  	v3 =	vadd.s32 v1, v3;
	s29 =	simm.s32 $0xD200  }
0x322: {  	[tilespmem:s29], [sflag:$0x4] =	stream.indirect_vreg.gather [hbm4b:s5+s3], $0x80, v4, vm0, $0xb8;
	[tilespmem:$0x10200] =	vst v63  }
0x323: {  	s29 =	simm.s32 $0xDA00  }
0x324: {  	[tilespmem:s29], [sflag:$0x4] =	stream.indirect_vreg.gather [hbm4b:s6+s3], $0x80, v4, vm0, $0xb8;
	[tilespmem:$0x10200] =	vst v63  }
0x325: {  	s29 =	simm.s32 $0xE200  }
0x326: {  	[tilespmem:s29], [sflag:$0x4] =	stream.indirect_vreg.gather [hbm4b:s1+s3], $0x80, v3, vm0, $0xb8;
	[tilespmem:$0x10200] =	vst v63  }
0x327: {  	s29 =	simm.s32 $0xEA00  }
0x328: {  	[tilespmem:s29], [sflag:$0x4] =	stream.indirect_vreg.gather [hbm4b:s4+s3], $0x80, v3, vm0, $0xb8;
	[tilespmem:$0x10200] =	vst v63  }
0x329: {  	s29 =	simm.s32 $0xF200  }
0x32a: {  	[tilespmem:s29], [sflag:$0x4] =	stream.indirect_vreg.gather [hbm4b:s5+s3], $0x80, v3, vm0, $0xb8;
	[tilespmem:$0x10200] =	vst v63  }
0x32b: {  	s29 =	simm.s32 $0xFA00  }
0x32c: {  	[tilespmem:s29], [sflag:$0x4] =	stream.indirect_vreg.gather [hbm4b:s6+s3], $0x80, v3, vm0, $0xb8;
	[tilespmem:$0x10200] =	vst v63  }
0x32d: {  	_ =	swait.ge [sflag:s20], $0x4000  }
0x32e: {  	[sflag:s20] =	ssyncset.done $0x0  }
0x32f: {  	s29 =	rddreg [dreg:$0x1f];
	[sflag:s20] =	ssyncadd.s32 $0xFFFFC000  }
0x330: {  	[hbm4b:s29+s3] =	stream.linear.scatter [tilespmem:s26], [sflag:$0x7], $0x4000, $0x38;
	[tilespmem:$0x10200] =	vst v63  }
0x331: {  	_ =	swait.ge [sflag:s21], $0x4000  }
0x332: {  	[sflag:s21] =	ssyncset.done $0x0  }
0x333: {  	[sflag:s21] =	ssyncadd.s32 $0xFFFFC000  }
0x334: {  	v3 =	vld [tilespmem:$0x1C0];
	_ =	sdelay $0x4  }
0x335: {  	v60 =	vshll.u32 v3, $0x3  }
0x336: {  	v3 =	vand.u32 $0x7, v3;
	v4 =	vand.u32 $0xFFFFFFC0, v60  }
0x337: {  	v3 =	vor.u32 v3, v4  }
0x338: {  	v4 =	vperm.xlane v3, v0;
	_ =	sdelay $0x1  }
0x339: {  	v4 =	vadd.s32 v1, v4;
	_ =	sdelay $0x4  }
0x33a: {  	[tilespmem:s16], [sflag:$0x1] =	stream.indirect_vreg.gather [hbm4b:s1+s3], $0x80, v4, vm0, $0xb8;
	[tilespmem:$0x10200] =	vst v63  }
0x33b: {  	s29 =	simm.s32 $0xA00;
	v3 =	vperm.xlane v3, v2  }
0x33c: {  	[tilespmem:s29], [sflag:$0x1] =	stream.indirect_vreg.gather [hbm4b:s4+s3], $0x80, v4, vm0, $0xb8;
	[tilespmem:$0x10200] =	vst v63  }
0x33d: {  	v3 =	vadd.s32 v1, v3;
	s29 =	simm.s32 $0x1200  }
0x33e: {  	[tilespmem:s29], [sflag:$0x1] =	stream.indirect_vreg.gather [hbm4b:s5+s3], $0x80, v4, vm0, $0xb8;
	[tilespmem:$0x10200] =	vst v63  }
0x33f: {  	s29 =	simm.s32 $0x1A00  }
0x340: {  	[tilespmem:s29], [sflag:$0x1] =	stream.indirect_vreg.gather [hbm4b:s6+s3], $0x80, v4, vm0, $0xb8;
	[tilespmem:$0x10200] =	vst v63  }
0x341: {  	s0 =	simm.s32 $0x2200  }
0x342: {  	[tilespmem:s0], [sflag:$0x1] =	stream.indirect_vreg.gather [hbm4b:s1+s3], $0x80, v3, vm0, $0xb8;
	[tilespmem:$0x10200] =	vst v63  }
0x343: {  	s13 =	simm.s32 $0x2A00  }
0x344: {  	[tilespmem:s13], [sflag:$0x1] =	stream.indirect_vreg.gather [hbm4b:s4+s3], $0x80, v3, vm0, $0xb8;
	[tilespmem:$0x10200] =	vst v63  }
0x345: {  	s30 =	simm.s32 $0x3200  }
0x346: {  	[tilespmem:s30], [sflag:$0x1] =	stream.indirect_vreg.gather [hbm4b:s5+s3], $0x80, v3, vm0, $0xb8;
	[tilespmem:$0x10200] =	vst v63  }
0x347: {  	s31 =	simm.s32 $0x3A00  }
0x348: {  	[tilespmem:s31], [sflag:$0x1] =	stream.indirect_vreg.gather [hbm4b:s6+s3], $0x80, v3, vm0, $0xb8;
	[tilespmem:$0x10200] =	vst v63  }
0x349: {  	_ =	swait.ge [sflag:s22], $0x4000  }
0x34a: {  	s30 =	sld [smem:$0x7F9]  }
0x34b: {  	[sflag:s22] =	ssyncset.done $0x0  }
0x34c: {  	[sflag:s22] =	ssyncadd.s32 $0xFFFFC000  }
0x34d: {  	[hbm4b:s30+s3] =	stream.linear.scatter [tilespmem:s11], [sflag:$0x8], $0x4000, $0x38;
	[tilespmem:$0x10200] =	vst v63  }
0x34e: {  	_ =	swait.ge [sflag:s23], $0x4000  }
0x34f: {  	[sflag:s23] =	ssyncset.done $0x0  }
0x350: {  	[sflag:s23] =	ssyncadd.s32 $0xFFFFC000  }
0x351: {  	v3 =	vld [tilespmem:$0x1D0];
	_ =	sdelay $0x4  }
0x352: {  	v61 =	vshll.u32 v3, $0x3  }
0x353: {  	v3 =	vand.u32 $0x7, v3;
	v4 =	vand.u32 $0xFFFFFFC0, v61  }
0x354: {  	v3 =	vor.u32 v3, v4  }
0x355: {  	v4 =	vperm.xlane v3, v0;
	_ =	sdelay $0x1  }
0x356: {  	v4 =	vadd.s32 v1, v4;
	_ =	sdelay $0x4  }
0x357: {  	[tilespmem:s17], [sflag:$0x2] =	stream.indirect_vreg.gather [hbm4b:s1+s3], $0x80, v4, vm0, $0xb8;
	[tilespmem:$0x10200] =	vst v63  }
0x358: {  	s12 =	simm.s32 $0x4A00;
	v3 =	vperm.xlane v3, v2  }
0x359: {  	[tilespmem:s12], [sflag:$0x2] =	stream.indirect_vreg.gather [hbm4b:s4+s3], $0x80, v4, vm0, $0xb8;
	[tilespmem:$0x10200] =	vst v63  }
0x35a: {  	s31 =	simm.s32 $0x5200;
	v3 =	vadd.s32 v1, v3  }
0x35b: {  	[tilespmem:s31], [sflag:$0x2] =	stream.indirect_vreg.gather [hbm4b:s5+s3], $0x80, v4, vm0, $0xb8;
	[tilespmem:$0x10200] =	vst v63  }
0x35c: {  	s12 =	simm.s32 $0x5A00  }
0x35d: {  	[tilespmem:s12], [sflag:$0x2] =	stream.indirect_vreg.gather [hbm4b:s6+s3], $0x80, v4, vm0, $0xb8;
	[tilespmem:$0x10200] =	vst v63  }
0x35e: {  	s13 =	simm.s32 $0x6200  }
0x35f: {  	[tilespmem:s13], [sflag:$0x2] =	stream.indirect_vreg.gather [hbm4b:s1+s3], $0x80, v3, vm0, $0xb8;
	[tilespmem:$0x10200] =	vst v63  }
0x360: {  	s29 =	simm.s32 $0x6A00  }
0x361: {  	[tilespmem:s29], [sflag:$0x2] =	stream.indirect_vreg.gather [hbm4b:s4+s3], $0x80, v3, vm0, $0xb8;
	[tilespmem:$0x10200] =	vst v63  }
0x362: {  	s9 =	simm.s32 $0x7200  }
0x363: {  	[tilespmem:s9], [sflag:$0x2] =	stream.indirect_vreg.gather [hbm4b:s5+s3], $0x80, v3, vm0, $0xb8;
	[tilespmem:$0x10200] =	vst v63  }
0x364: {  	s8 =	simm.s32 $0x7A00  }
0x365: {  	[tilespmem:s8], [sflag:$0x2] =	stream.indirect_vreg.gather [hbm4b:s6+s3], $0x80, v3, vm0, $0xb8;
	[tilespmem:$0x10200] =	vst v63  }
0x366: {  	_ =	swait.ge [sflag:s25], $0x4000  }
0x367: {  	s30 =	sld [smem:$0x7FA]  }
0x368: {  	[sflag:s25] =	ssyncset.done $0x0  }
0x369: {  	[sflag:s25] =	ssyncadd.s32 $0xFFFFC000  }
0x36a: {  	[hbm4b:s30+s3] =	stream.linear.scatter [tilespmem:s16], [sflag:$0x5], $0x4000, $0x38;
	[tilespmem:$0x10200] =	vst v63  }
0x36b: {  	_ =	swait.ge [sflag:s24], $0x4000  }
0x36c: {  	[sflag:s24] =	ssyncset.done $0x0  }
0x36d: {  	[sflag:s24] =	ssyncadd.s32 $0xFFFFC000  }
0x36e: {  	v3 =	vld [tilespmem:$0x1E0];
	_ =	sdelay $0x4  }
0x36f: {  	v62 =	vshll.u32 v3, $0x3  }
0x370: {  	v3 =	vand.u32 $0x7, v3;
	v4 =	vand.u32 $0xFFFFFFC0, v62  }
0x371: {  	v3 =	vor.u32 v3, v4  }
0x372: {  	v4 =	vperm.xlane v3, v0;
	_ =	sdelay $0x1  }
0x373: {  	v4 =	vadd.s32 v1, v4;
	_ =	sdelay $0x4  }
0x374: {  	[tilespmem:s26], [sflag:$0x3] =	stream.indirect_vreg.gather [hbm4b:s1+s3], $0x80, v4, vm0, $0xb8;
	[tilespmem:$0x10200] =	vst v63  }
0x375: {  	s31 =	simm.s32 $0x8A00;
	v3 =	vperm.xlane v3, v2  }
0x376: {  	[tilespmem:s31], [sflag:$0x3] =	stream.indirect_vreg.gather [hbm4b:s4+s3], $0x80, v4, vm0, $0xb8;
	[tilespmem:$0x10200] =	vst v63  }
0x377: {  	s2 =	simm.s32 $0x9200;
	v3 =	vadd.s32 v1, v3  }
0x378: {  	[tilespmem:s2], [sflag:$0x3] =	stream.indirect_vreg.gather [hbm4b:s5+s3], $0x80, v4, vm0, $0xb8;
	[tilespmem:$0x10200] =	vst v63  }
0x379: {  	s14 =	simm.s32 $0x9A00  }
0x37a: {  	[tilespmem:s14], [sflag:$0x3] =	stream.indirect_vreg.gather [hbm4b:s6+s3], $0x80, v4, vm0, $0xb8;
	[tilespmem:$0x10200] =	vst v63  }
0x37b: {  	s19 =	simm.s32 $0xA200  }
0x37c: {  	[tilespmem:s19], [sflag:$0x3] =	stream.indirect_vreg.gather [hbm4b:s1+s3], $0x80, v3, vm0, $0xb8;
	[tilespmem:$0x10200] =	vst v63  }
0x37d: {  	s7 =	simm.s32 $0xAA00  }
0x37e: {  	[tilespmem:s7], [sflag:$0x3] =	stream.indirect_vreg.gather [hbm4b:s4+s3], $0x80, v3, vm0, $0xb8;
	[tilespmem:$0x10200] =	vst v63  }
0x37f: {  	s15 =	simm.s32 $0xB200  }
0x380: {  	[tilespmem:s15], [sflag:$0x3] =	stream.indirect_vreg.gather [hbm4b:s5+s3], $0x80, v3, vm0, $0xb8;
	[tilespmem:$0x10200] =	vst v63  }
0x381: {  	s8 =	simm.s32 $0xBA00  }
0x382: {  	[tilespmem:s8], [sflag:$0x3] =	stream.indirect_vreg.gather [hbm4b:s6+s3], $0x80, v3, vm0, $0xb8;
	[tilespmem:$0x10200] =	vst v63  }
0x383: {  	_ =	swait.ge [sflag:s10], $0x4000  }
0x384: {  	s9 =	sld [smem:$0x7FB]  }
0x385: {  	[sflag:s10] =	ssyncset.done $0x0  }
0x386: {  	[sflag:s10] =	ssyncadd.s32 $0xFFFFC000  }
0x387: {  	[hbm4b:s9+s3] =	stream.linear.scatter [tilespmem:s17], [sflag:$0x6], $0x4000, $0x38;
	[tilespmem:$0x10200] =	vst v63  }
0x388: {  	_ =	swait.ge [sflag:s28], $0x4000  }
0x389: {  	[sflag:s28] =	ssyncset.done $0x0  }
0x38a: {  	[sflag:s28] =	ssyncadd.s32 $0xFFFFC000  }
0x38b: {  	v3 =	vld [tilespmem:$0x1F0];
	_ =	sdelay $0x4  }
0x38c: {  	v63 =	vshll.u32 v3, $0x3  }
0x38d: {  	v3 =	vand.u32 $0x7, v3;
	v4 =	vand.u32 $0xFFFFFFC0, v63  }
0x38e: {  	v3 =	vor.u32 v3, v4  }
0x38f: {  	v4 =	vperm.xlane v3, v0;
	_ =	sdelay $0x1  }
0x390: {  	v4 =	vadd.s32 v1, v4;
	_ =	sdelay $0x4  }
0x391: {  	[tilespmem:s11], [sflag:$0x4] =	stream.indirect_vreg.gather [hbm4b:s1+s3], $0x80, v4, vm0, $0xb8;
	[tilespmem:$0x10200] =	vst v63  }
0x392: {  	s12 =	simm.s32 $0xCA00;
	v3 =	vperm.xlane v3, v2  }
0x393: {  	[tilespmem:s12], [sflag:$0x4] =	stream.indirect_vreg.gather [hbm4b:s4+s3], $0x80, v4, vm0, $0xb8;
	[tilespmem:$0x10200] =	vst v63  }
0x394: {  	s18 =	simm.s32 $0xD200;
	v3 =	vadd.s32 v1, v3  }
0x395: {  	[tilespmem:s18], [sflag:$0x4] =	stream.indirect_vreg.gather [hbm4b:s5+s3], $0x80, v4, vm0, $0xb8;
	[tilespmem:$0x10200] =	vst v63  }
0x396: {  	s13 =	simm.s32 $0xDA00  }
0x397: {  	[tilespmem:s13], [sflag:$0x4] =	stream.indirect_vreg.gather [hbm4b:s6+s3], $0x80, v4, vm0, $0xb8;
	[tilespmem:$0x10200] =	vst v63  }
0x398: {  	s15 =	simm.s32 $0xE200  }
0x399: {  	[tilespmem:s15], [sflag:$0x4] =	stream.indirect_vreg.gather [hbm4b:s1+s3], $0x80, v3, vm0, $0xb8;
	[tilespmem:$0x10200] =	vst v63  }
0x39a: {  	s18 =	simm.s32 $0xEA00  }
0x39b: {  	[tilespmem:s18], [sflag:$0x4] =	stream.indirect_vreg.gather [hbm4b:s4+s3], $0x80, v3, vm0, $0xb8;
	[tilespmem:$0x10200] =	vst v63  }
0x39c: {  	s19 =	simm.s32 $0xF200  }
0x39d: {  	[tilespmem:s19], [sflag:$0x4] =	stream.indirect_vreg.gather [hbm4b:s5+s3], $0x80, v3, vm0, $0xb8;
	[tilespmem:$0x10200] =	vst v63  }
0x39e: {  	s29 =	simm.s32 $0xFA00  }
0x39f: {  	[tilespmem:s29], [sflag:$0x4] =	stream.indirect_vreg.gather [hbm4b:s6+s3], $0x80, v3, vm0, $0xb8;
	[tilespmem:$0x10200] =	vst v63  }
0x3a0: {  	s14 =	sld [smem:$0x7F8];
	_ =	swait.ge [sflag:s20], $0x4000  }
0x3a1: {  	s30 =	sld [smem:$0x7FC]  }
0x3a2: {  	[sflag:s20] =	ssyncset.done $0x0  }
0x3a3: {  	[sflag:s20] =	ssyncadd.s32 $0xFFFFC000  }
0x3a4: {  	[hbm4b:s30+s3] =	stream.linear.scatter [tilespmem:s26], [sflag:$0x7], $0x4000, $0x38;
	[tilespmem:$0x10200] =	vst v63  }
0x3a5: {  	_ =	swait.ge [sflag:s22], $0x4000  }
0x3a6: {  	s31 =	sld [smem:$0x7FD]  }
0x3a7: {  	[sflag:s22] =	ssyncset.done $0x0  }
0x3a8: {  	[sflag:s22] =	ssyncadd.s32 $0xFFFFC000  }
0x3a9: {  	[hbm4b:s31+s3] =	stream.linear.scatter [tilespmem:s11], [sflag:$0x8], $0x4000, $0x38;
	[tilespmem:$0x10200] =	vst v63  }
0x3aa: {  	_ =	swait.ge [sflag:s21], $0x4000  }
0x3ab: {  	[sflag:s21] =	ssyncset.done $0x0  }
0x3ac: {  	[sflag:s21] =	ssyncadd.s32 $0xFFFFC000  }
0x3ad: {  	_ =	swait.ge [sflag:s23], $0x4000  }
0x3ae: {  	[sflag:s23] =	ssyncset.done $0x0  }
0x3af: {  	[sflag:s23] =	ssyncadd.s32 $0xFFFFC000  }
0x3b0: {  	p0 =	sne.s32 s14, $0x1;
	_ =	swait.ge [sflag:s24], $0x4000  }
.Ltmp0:
0x3b1: {  	[sflag:s24] =	ssyncset.done $0x0;
	(pc) =	sbr.rel @p0 .LBB2_1-.Ltmp0, $4  }
0x3b2: {  	[sflag:s24] =	ssyncadd.s32 $0xFFFFC000  }
0x3b3: {  	_ =	swait.ge [sflag:s28], $0x4000  }
0x3b4: {  	[sflag:s28] =	ssyncset.done $0x0  }
0x3b5: {  	s0 =	sadd.s32 $0xFFFFFFFF, s14;
	[sflag:s28] =	ssyncadd.s32 $0xFFFFC000  }
0x3b6: {  	_ =	sfence.sel $0x180000  }
0x3b7: {  	[bflag:$0x0] =	sbarrier.arrive $0xFFFF  }
0x3b8: {  	_ =	strace $0x90000047  }
0x3b9: {  	s0 =	stileid.u32;
	[bflag:$0x2] =	sbarrier.arrive $0xFFFF  }
0x3ba: {  	p0 =	sne.s32 s0, $0x0;
	s0 =	rddreg [dreg:$0x3]  }
0x3bb: {  	s0 =	sadd.s32 @!p0 $0x100000, s0  }
0x3bc: {  	[sflag:s0] =	ssyncadd.tile.s32 @!p0 $0x1;
	_ =	shalt  }
.Lfunc_end2:
_tile_overlayer_lowered:
.L_overlay_start_2:
0x3bd: {  	(tag) =	ssettag $0x2  }
0x3be: {  	s0 =	rddreg [dreg:$0x0];
	s2 =	stileid.u32  }
0x3bf: {  	s1 =	rddreg [dreg:$0x1];
	p0 =	sne.s32 s2, $0x0  }
0x3c0: {  	s3 =	rddreg [dreg:$0x2];
	[bflag:$0x3] =	sbarrier.arrive $0xFFFF;
	s2 =	simm.s32 @!p0 $0x1C09  }
0x3c1: {  	[timem:s3], [sflag:s2] =	dma.local @!p0 [hbm:s0], s1  }
0x3c2: {  	s0 =	simm.s32 @!p0 $0x9  }
0x3c3: {  	_ =	swait.ge @!p0 [sflag:s0], s1  }
0x3c4: {  	s1 =	ssub.s32 @!p0 $0x0, s1;
	[sflag:s0] =	ssyncset.done @!p0 $0x0  }
0x3c5: {  	[sflag:s0] =	ssyncadd.s32 @!p0 s1  }
0x3c6: {  	[bflag:$0x3] =	sbarrier.arrive $0xFFFF  }
0x3c7: {  	_ =	shalt  }

// kernel: sparse-core-data-format-call.cloned.1.call-start
scs
called_computation_lowered:
.L_overlay_start_0:
0x0: {  	s2 =	sld [smem:$0x3FD9]  }
0x1: {  	s3 =	sld [smem:$0x3FFE];
	_ =	sdelay $0x1  }
0x2: {  	s1 =	srdreg.scid  }
0x3: {  	s0 =	sand.u32 $0x1, s1  }
0x4: {  	s18 =	sshll.u32 s0, $0xA;
	s2 =	sadd.s32 s3, s2  }
0x5: {  	s2 =	sadd.s32 s2, s18  }
0x6: {  	[smem:$0x3FC6] =	sst s2  }
0x7: {  	_ = 	snop  }
0x8: {  	s2 =	sld [smem:$0x3FD0];
	(tm) =	ssettm $0x1  }
0x9: {  	s19 =	sld [smem:$0x3FFB];
	_ =	sdelay $0x3  }
0xa: {  	_ =	strace s19  }
0xb: {  	s3 =	sld [smem:$0x3FFC];
	_ =	sdelay $0x3  }
0xc: {  	_ =	strace s3  }
0xd: {  	s3 =	sld [smem:$0x3FFD];
	_ =	sdelay $0x3  }
0xe: {  	_ =	strace s3  }
0xf: {  	_ =	strace $0x8FFFFFFF  }
0x10: {  	s20 =	sld [smem:$0x3FDB];
	_ =	sdelay $0x1  }
0x11: {  	s4 =	simm.s32 $_scs_section_size  }
0x12: {  	s5 =	simm.s32 $_size__tile_overlayer_lowered;
	s6 =	simm.s32 $_tile_overlayer_lowered  }
0x13: {  	s23 =	simm.s32 $0x1BFF;
	s22 =	sshll.u32 s6, $0x1;
	s3 =	sadd.s32 s4, s20  }
0x14: {  	s7 =	simm.s32 $0x0;
	s21 =	sshll.u32 s5, $0x1;
	s5 =	sadd.s32 s22, s3  }
0x15: {  	[timem:s7], [sflag:s23] =	dma.local [hbm:s5], s21  }
0x16: {  	_ =	swait.ge [sflag:s23], s21  }
0x17: {  	s4 =	ssub.s32 $0x0, s21;
	[sflag:s23] =	ssyncset.done $0x0  }
0x18: {  	[sflag:s23] =	ssyncadd.s32 s4;
	_ =	sdelay $0x1  }
0x19: {  	s24 =	simm.s32 $0x1B8B  }
0x1a: {  	_ =	swait.ge [sflag:s24], $0x1  }
0x1b: {  	[sflag:s24] =	ssyncset.done $0x0  }
0x1c: {  	s26 =	simm.s32 $0x1B8E;
	s25 =	sld [smem:$0x3FFE];
	[sflag:s24] =	ssyncadd.s32 $0xFFFFFFFF  }
0x1d: {  	s27 =	simm.s32 $execute0_lowered;
	[smem:$0x3FD2] =	sst s26  }
0x1e: {  	s5 =	sshll.u32 s27, $0x1;
	_ =	strace $0x80000049;
	[dreg:$0x1] =	wrdreg $0xFFFFFFFF  }
0x1f: {  	s28 =	simm.s32 $_size_execute0_lowered;
	s3 =	sadd.s32 s3, s5;
	[dreg:$0x0] =	wrdreg $0x0  }
0x20: {  	s5 =	sshll.u32 s28, $0x1;
	[dreg:$0x2] =	wrdreg s3  }
0x21: {  	[dreg:$0x3] =	wrdreg s5  }
0x22: {  	[dreg:$0x4] =	wrdreg $0xC0  }
0x23: {  	_ =	task [dreg:s7], $0x5FFFF  }
0x24: {  	[dreg:$0x1] =	wrdreg $0xFFFFFFFF  }
0x25: {  	[dreg:$0x0] =	wrdreg $0x60  }
0x26: {  	[dreg:$0x2] =	wrdreg s25  }
0x27: {  	[dreg:$0x3] =	wrdreg s2  }
0x28: {  	[dreg:$0x4] =	wrdreg $0x9  }
0x29: {  	_ =	task.clear_ibuf [dreg:s7], $0x5FFFF;
	_ =	strace $0x90000049  }
0x2a: {  	s29 =	simm.s32 $0x9;
	_ =	strace $0x8000004B  }
0x2b: {  	_ =	swait.ge [sflag:s29], $0x1  }
0x2c: {  	[sflag:s29] =	ssyncadd.s32 $0xFFFFFFFF  }
0x2d: {  	_ =	strace $0x9000004B  }
0x2e: {  	_ =	sfence  }
0x2f: {  	s30 =	sld [smem:$0x0];
	_ =	sdelay $0x2  }
0x30: {  	s31 =	sshll.u32 s1, $0xD;
	s1 =	sshrl.u32 s1, $0x2  }
0x31: {  	s3 =	sand.u32 $0x4000, s31;
	s1 =	sadd.s32 s1, s30  }
0x32: {  	s0 =	sor.u32 s3, s0;
	s1 =	sshll.u32 s1, $0x11  }
0x33: {  	s0 =	sor.u32 s1, s0  }
0x34: {  	s0 =	sadd.s32 $0x8F2B, s0  }
0x35: {  	[sflag:s0] =	ssyncadd.remote.s32 $0x1  }
0x36: {  	_ =	sfence.sel $0xFFFF  }
0x37: {  	[dreg:$0x0] =	wrdreg $0xFFFFFFFF;
	(pc) =	sbr.abs _section_cstart, $3  }
0x38: {  	[dreg:$0x1] =	wrdreg $0xFFFFFFFF  }
0x39: {  	_ =	task.clear_ibuf [dreg:s7], $0x2FFFF;
	_ =	strace $0x9FFFFFFF  }
0x3a: {  	(tm) =	ssettm $0x7FFFFFFF  }
0x3b: {  	_ =	shalt  }
tec
execute0_lowered:
.L_overlay_start_1:
0x0: {  	(tag) =	ssettag $0x1  }
0x1: {  	s0 =	srdreg.scid;
	s5 =	rddreg [dreg:$0x0]  }
0x2: {  	s3 =	rddreg [dreg:$0x1];
	s1 =	sshll.u32 s0, $0x4  }
0x3: {  	s7 =	simm.s32 $0x1;
	s0 =	stileid.u32;
	s1 =	sand.u32 $0x10, s1  }
0x4: {  	s8 =	simm.s32 $0x2;
	s15 =	simm.s32 $0x0;
	s1 =	sor.u32 s0, s1  }
0x5: {  	s14 =	simm.s32 $0x0;
	s9 =	simm.s32 $0x0;
	s2 =	sshll.u32 s1, $0x7  }
0x6: {  	s10 =	simm.s32 $0x0;
	s11 =	simm.s32 $0x0;
	s6 =	ssub.s32 $0x4000, s2  }
0x7: {  	s13 =	simm.s32 $0x0;
	s5 =	sadd.s32 $0xC00, s5;
	s4 =	sand.u32 $0xF80, s6  }
.Ltmp0:
0x8: {  	s1 =	rddreg [dreg:$0x2];
	p0 =	sne.s32 s4, $0x0;
	(pc) =	sbr.rel .LBB1_1-.Ltmp0, $4  }
0x9: {  	_ =	strace $0x8000004A;
	s6 =	sshrl.u32 s6, $0xC;
	s7 =	simm.s32 @!p0 $0x0  }
0xa: {  	s12 =	smov.u32 s2;
	s4 =	simm.s32 $0x1;
	s6 =	sadd.s32 s7, s6  }
0xb: {  	[sflag:s4] =	ssyncpa.u1 $0x0;
	p0 =	por $0x0, $0x0;
	s6 =	sshll.u32 s6, $0x3  }
0xc: {  	[sflag:s8] =	ssyncpa.u1 $0x0;
	s8 =	simm.s32 $0x20000;
	s7 =	sor.u32 $0x1, s6  }
.LBB1_4:
0xd: {  	s20 =	sshra.s32 s20, $0x2  }
0xe: {  	s28 =	sand.u32 $0x78, s10;
	s21 =	sshll.u32 s9, $0xE;
	s22 =	sshll.u32 s10, $0x3  }
0xf: {  	s24 =	sshll.u32 s9, $0x7;
	p1 =	sgt.s32 s9, $0x368;
	s30 =	sshra.s32 s9, $0x1F  }
0x10: {  	s26 =	sshra.s32 s10, $0x1F;
	s19 =	sadd.s32 s20, s19;
	s21 =	sand.u32 $0xFFFE0000, s21  }
0x11: {  	v5 =	vld [tilespmem:s17+$0xFFFFFFD0];
	[tilespmem:s18+$0x2040 ss:$0x81] =	vst.msk $0xffff, v4;
	s23 =	sand.u32 $0xFFFFFC00, s22;
	s29 =	sand.u32 $0x380, s24;
	s22 =	sand.u32 $0x3C00, s22  }
0x12: {  	v58 =	vld [tilespmem:s17+$0xFFFFFFE0];
	[tilespmem:s18+$0x2850 ss:$0x81] =	vst.msk $0xffff, v3;
	s21 =	sadd.s32 s23, s21;
	s20 =	sor.u32 s28, s22;
	s22 =	smov.u32 s9  }
0x13: {  	v59 =	vld [tilespmem:s17+$0xFFFFFFF0];
	[tilespmem:s18+$0x3060 ss:$0x81] =	vst.msk $0xffff, v2;
	s24 =	sand.u32 s30, s9;
	s21 =	sshrl.u32 s21, $0xE;
	s22 =	simm.s32 @!p1 $0x368  }
0x14: {  	v60 =	vld [tilespmem:s17+$0x0];
	[tilespmem:s18+$0x0 ss:$0x81] =	vst.msk $0xffff, v1;
	p1 =	sgt.s32 s10, $0x3F80;
	s31 =	ssub.s32 s22, s24;
	s22 =	smov.u32 s10  }
0x15: {  	v61 =	vld [tilespmem:s17+$0x10];
	[tilespmem:s19+$0x3870 ss:$0x81] =	vst.msk $0xffff, v0;
	s25 =	smulhi.u32 $0x418938, s21;
	s24 =	sand.u32 s26, s10;
	s22 =	simm.s32 @!p1 $0x3F80  }
0x16: {  	v62 =	vld [tilespmem:s17+$0x20];
	s20 =	sor.u32 s29, s20;
	[tilespmem:s19+$0x810 ss:$0x81] =	vst.msk $0xffff, v5;
	s27 =	sadd.s32 $0xFFFFFC98, s31;
	s22 =	ssub.s32 s22, s24  }
0x17: {  	v63 =	vld [tilespmem:s17+$0xFFFFFFC0];
	[tilespmem:s19+$0x1020 ss:$0x81] =	vst.msk $0xffff, v58;
	s18 =	ssub.s32 $0x3E8, s31;
	s28 =	smul.u32 $0x3E8, s25;
	s29 =	sadd.s32 $0xFFFFC080, s22  }
0x18: {  	[tilespmem:s19+$0x1830 ss:$0x81] =	vst.msk $0xffff, v59;
	p1 =	sgt.s32 s27, $0x7F;
	s22 =	ssub.s32 $0x4000, s22;
	p2 =	sgt.s32 s29, $0x7F  }
0x19: {  	s30 =	sand.u32 $0x7, s10;
	[tilespmem:s19+$0x2040 ss:$0x81] =	vst.msk $0xffff, v60;
	s18 =	simm.s32 @p1 $0x0;
	s22 =	simm.s32 @p2 $0x0  }
0x1a: {  	s20 =	sshrl.u32 s20, $0x3;
	[tilespmem:s19+$0x2850 ss:$0x81] =	vst.msk $0xffff, v61;
	s17 =	ssub.s32 s21, s28;
	s18 =	smul.u32 s22, s18  }
0x1b: {  	[tilespmem:s19+$0x3060 ss:$0x81] =	vst.msk $0xffff, v62;
	s20 =	sadd.s32 s3, s20;
	s21 =	sshll.u32 s30, $0x12;
	s17 =	sshll.u32 s17, $0xB  }
0x1c: {  	[tilespmem:s19+$0x0 ss:$0x81] =	vst.msk $0xffff, v63;
	s31 =	sor.u32 $0x400, s21;
	s17 =	sadd.s32 s17, s20;
	s18 =	sand.u32 $0x3FFFFFFF, s18  }
0x1d: {  	[hbm4b:s17+s31] =	stream.strided.scatter [tilespmem:s16], [sflag:$0x2], s18, s8, s31, $0x20;
	[tilespmem:$0x10100] =	vst v63  }
.LBB1_5:
0x1e: {  	p1 =	slt.u32 s13, $0x2  }
0x1f: {  	s17 =	smov.u32 s15;
	p2 =	sgt.s32 @!p1 s15, $0x368;
	s16 =	sshra.s32 @!p1 s15, $0x1F  }
0x20: {  	p3 =	sgt.s32 @!p1 s14, $0x3F80;
	s18 =	sshra.s32 @!p1 s14, $0x1F;
	p2 =	por !p2, p1  }
0x21: {  	s15 =	sand.u32 @!p1 s16, s15;
	p3 =	por !p3, p1;
	s16 =	smov.u32 s14  }
0x22: {  	s14 =	sand.u32 @!p1 s18, s14;
	s17 =	simm.s32 @p2 $0x368;
	s16 =	simm.s32 @p3 $0x3F80  }
0x23: {  	s15 =	ssub.s32 @!p1 s17, s15;
	s14 =	ssub.s32 @!p1 s16, s14  }
0x24: {  	s18 =	smov.u32 s12;
	s16 =	sadd.s32 @!p1 $0xFFFFFC98, s15;
	s17 =	sadd.s32 @!p1 $0xFFFFC080, s14  }
0x25: {  	s15 =	ssub.s32 @!p1 $0x3E8, s15;
	p2 =	sgt.s32 @!p1 s16, $0x7F;
	p3 =	sgt.s32 @!p1 s17, $0x7F  }
0x26: {  	s14 =	ssub.s32 @!p1 $0x4000, s14;
	p2 =	por !p2, p1;
	p3 =	por !p3, p1  }
0x27: {  	s16 =	sadd.s32 $0x80, s11;
	s15 =	simm.s32 @!p2 $0x0;
	s14 =	simm.s32 @!p3 $0x0  }
0x28: {  	p2 =	sgt.s32 s16, $0x3E7;
	s14 =	smul.u32 @!p1 s14, s15;
	s15 =	sadd.s32 $0x1000, s12  }
0x29: {  	s18 =	smov.u32 @p2 s15  }
0x2a: {  	s16 =	simm.s32 @p2 $0x0;
	p2 =	sgt.s32 s18, $0x3FFF  }
0x2b: {  	s18 =	smov.u32 @p2 s2;
	p2 =	sne.s32 s13, s7  }
.Ltmp1:
0x2c: {  	p0 =	por !p0, !p0;
	s17 =	simm.s32 @!p1 $0x2;
	(pc) =	sbr.rel @!p2 .LBB1_6-.Ltmp1, $4  }
0x2d: {  	s15 =	smov.u32 s9;
	s9 =	smov.u32 s11;
	s14 =	sand.u32 @!p1 $0x3FFFFFFF, s14  }
0x2e: {  	s11 =	smov.u32 s16;
	_ =	swait.ge @!p1 [sflag:s17], s14;
	s19 =	ssub.s32 @!p1 $0x0, s14  }
0x2f: {  	s14 =	smov.u32 s10;
	s13 =	sadd.s32 $0x1, s13;
	[sflag:s17] =	ssyncset.done @!p1 $0x0  }
0x30: {  	s10 =	smov.u32 s12;
	s12 =	smov.u32 s18;
	[sflag:s17] =	ssyncadd.s32 @!p1 s19  }
.LBB1_1:
0x31: {  	p1 =	sge.u32 s13, s6  }
0x32: {  	s31 =	sadd.s32 $0xFFFFFFFF, s13;
	s16 =	sshll.u32 @!p1 s12, $0xA  }
0x33: {  	s17 =	sshll.u32 @!p1 s11, $0x3;
	s18 =	sshll.u32 @!p1 s12, $0x7;
	s16 =	sand.u32 @!p1 $0xFFE000, s16  }
0x34: {  	s19 =	sand.u32 @!p1 $0x78, s11;
	s16 =	sadd.s32 @!p1 s16, s17;
	s17 =	sand.u32 @!p1 $0x380, s18  }
0x35: {  	s18 =	sxor.u32 @!p1 $0xFFFFFFFF, s13;
	s16 =	sand.u32 @!p1 $0xFFFC00, s16;
	s17 =	sor.u32 @!p1 s17, s19  }
0x36: {  	s18 =	sshll.u32 @!p1 s18, $0xE;
	s16 =	sor.u32 @!p1 s16, s17;
	s17 =	sand.u32 @!p1 $0x7, s11  }
0x37: {  	s19 =	simm.s32 @!p1 $0x2000;
	s16 =	sshrl.u32 @!p1 s16, $0x3;
	s17 =	sshll.u32 @!p1 s17, $0x12  }
0x38: {  	s18 =	sand.u32 @!p1 $0x4000, s18;
	s16 =	sadd.s32 @!p1 s5, s16;
	s17 =	sor.u32 @!p1 $0x400, s17  }
0x39: {  	[tilespmem:s18], [sflag:$0x1] =	stream.strided.gather @!p1 [hbm4b:s16+s17], $0x4000, s19, s17, $0x38;
	[tilespmem:$0x10100] =	vst v63  }
0x3a: {  	p1 =	sge.u32 s31, s6  }
.Ltmp2:
0x3b: {  	_ = 	snop;
	(pc) =	sbr.rel @p1 .LBB1_5-.Ltmp2, $1  }
0x3c: {  	_ =	sdelay $0x3  }
0x3d: {  	s16 =	simm.s32 $0x1  }
0x3e: {  	_ =	swait.ge [sflag:s4], $0x4000;
	s16 =	simm.s32 @!p0 $0x0  }
0x3f: {  	[sflag:s4] =	ssyncset.done $0x0;
	s17 =	sshll.u32 s16, $0xE  }
0x40: {  	[sflag:s4] =	ssyncadd.s32 $0xFFFFC000;
	s17 =	sor.u32 $0x40, s17  }
0x41: {  	s16 =	smul.u32 $0x10200, s16;
	v0 =	vld [tilespmem:s17+$0x30]  }
0x42: {  	v1 =	vld [tilespmem:s17+$0xFFFFFFD0]  }
0x43: {  	s16 =	sshrl.u32 s16, $0x2;
	v5 =	vld [tilespmem:s17+$0xFFFFFFE0]  }
0x44: {  	v6 =	vld [tilespmem:s17+$0xFFFFFFF0];
	s19 =	sor.u32 $0x8000, s16  }
0x45: {  	s31 =	sand.u32 $0x1, s13;
	v4 =	vld [tilespmem:s17+$0x0];
	s18 =	sadd.s32 $0x0, s19  }
0x46: {  	v3 =	vld [tilespmem:s17+$0x10];
	s16 =	smul.u32 $0x10200, s31;
	[tilespmem:s18+$0x3870 ss:$0x81] =	vst.msk $0xffff, v0  }
0x47: {  	v2 =	vld [tilespmem:s17+$0x20];
	[tilespmem:s18+$0x810 ss:$0x81] =	vst.msk $0xffff, v1  }
0x48: {  	s16 =	sshrl.u32 s16, $0x2;
	v1 =	vld [tilespmem:s17+$0xFFFFFFC0];
	[tilespmem:s18+$0x1020 ss:$0x81] =	vst.msk $0xffff, v5;
	s17 =	sadd.s32 $0x80, s17  }
0x49: {  	s20 =	simm.s32 $0x4;
	s21 =	simm.s32 $0x8;
	s16 =	sor.u32 $0x8000, s16;
	[tilespmem:s18+$0x1830 ss:$0x81] =	vst.msk $0xffff, v6;
	v0 =	vld [tilespmem:s17+$0x30]  }
.LBB1_3:
0x4a: {  	p1 =	sne.s32 s21, $0x1FC;
	v5 =	vld [tilespmem:s17+$0xFFFFFFD0];
	[tilespmem:s18+$0x2040 ss:$0x81] =	vst.msk $0xffff, v4  }
0x4b: {  	v6 =	vld [tilespmem:s17+$0xFFFFFFE0];
	[tilespmem:s18+$0x2850 ss:$0x81] =	vst.msk $0xffff, v3  }
0x4c: {  	s22 =	sshra.s32 s20, $0x2;
	s20 =	smov.u32 s21;
	v7 =	vld [tilespmem:s17+$0xFFFFFFF0];
	[tilespmem:s18+$0x3060 ss:$0x81] =	vst.msk $0xffff, v2  }
.Ltmp3:
0x4d: {  	v4 =	vld [tilespmem:s17+$0x0];
	[tilespmem:s18+$0x0 ss:$0x81] =	vst.msk $0xffff, v1;
	s18 =	sadd.s32 s22, s19;
	(pc) =	sbr.rel @p1 .LBB1_3-.Ltmp3, $4  }
0x4e: {  	v3 =	vld [tilespmem:s17+$0x10];
	[tilespmem:s18+$0x3870 ss:$0x81] =	vst.msk $0xffff, v0  }
0x4f: {  	[tilespmem:s18+$0x810 ss:$0x81] =	vst.msk $0xffff, v5;
	v2 =	vld [tilespmem:s17+$0x20]  }
0x50: {  	v1 =	vld [tilespmem:s17+$0xFFFFFFC0];
	[tilespmem:s18+$0x1020 ss:$0x81] =	vst.msk $0xffff, v6;
	s17 =	sadd.s32 $0x80, s17  }
0x51: {  	s21 =	sadd.s32 $0x4, s21;
	v0 =	vld [tilespmem:s17+$0x30];
	[tilespmem:s18+$0x1830 ss:$0x81] =	vst.msk $0xffff, v7  }
.Ltmp4:
0x52: {  	_ = 	snop;
	(pc) =	sbr.rel .LBB1_4-.Ltmp4, $1  }
0x53: {  	_ =	sdelay $0x3  }
.LBB1_6:
0x54: {  	_ =	sfence.sel $0x180000  }
0x55: {  	s2 =	simm.s32 $0x1;
	[bflag:$0x0] =	sbarrier.arrive $0xFFFF  }
0x56: {  	s31 =	simm.s32 $0x2;
	[sflag:s2] =	ssyncpa.u1 $0x1  }
0x57: {  	[sflag:s31] =	ssyncpa.u1 $0x1  }
0x58: {  	p0 =	sne.s32 s0, $0x0;
	_ =	strace $0x9000004A  }
0x59: {  	s0 =	sadd.s32 @!p0 $0x100000, s1;
	[bflag:$0x2] =	sbarrier.arrive $0xFFFF  }
0x5a: {  	[sflag:s0] =	ssyncadd.tile.s32 @!p0 $0x1;
	_ =	shalt  }
.Lfunc_end1:
_tile_overlayer_lowered:
.L_overlay_start_2:
0x5b: {  	(tag) =	ssettag $0x2  }
0x5c: {  	s0 =	rddreg [dreg:$0x0];
	s2 =	stileid.u32  }
0x5d: {  	s1 =	rddreg [dreg:$0x1];
	p0 =	sne.s32 s2, $0x0  }
0x5e: {  	s3 =	rddreg [dreg:$0x2];
	[bflag:$0x3] =	sbarrier.arrive $0xFFFF;
	s2 =	simm.s32 @!p0 $0x1C01  }
0x5f: {  	[timem:s3], [sflag:s2] =	dma.local @!p0 [hbm:s0], s1  }
0x60: {  	s0 =	simm.s32 @!p0 $0x1  }
0x61: {  	_ =	swait.ge @!p0 [sflag:s0], s1  }
0x62: {  	s1 =	ssub.s32 @!p0 $0x0, s1;
	[sflag:s0] =	ssyncset.done @!p0 $0x0  }
0x63: {  	[sflag:s0] =	ssyncadd.s32 @!p0 s1  }
0x64: {  	[bflag:$0x3] =	sbarrier.arrive $0xFFFF  }
0x65: {  	_ =	shalt  }

</sc_bundles>
